<compile_context>
chip_gen: v7x
topology: tpu7x:2x2x1
jax: 0.10.2.dev20260603
libtpu: 0.0.44.dev20260713+nightly
codegen_flags: <defaults>
</compile_context>

<pallas_src>
import jax
import jax.numpy as jnp
from jax import lax
from jax.experimental import pallas as pl
from jax.experimental.pallas import tpu as pltpu
from jax.experimental.pallas import tpu_sc as plsc

XY = 100
STATES = XY * XY * XY
B = 16384

_INFO = plsc.get_sparse_core_info()
_NC, _NS, _L = _INFO.num_cores, _INFO.num_subcores, _INFO.num_lanes
_NW = _NC * _NS
_BPW = B // _NW
_CHUNK = 128
_NCHUNK = _BPW // _CHUNK
_GROUPS = _CHUNK // _L

_LN2 = 0.6931471805599453
_SQRT2 = 1.4142135623730951


def _log_f32(s):
    bits = lax.bitcast_convert_type(s, jnp.int32)
    e = (bits >> 23) - 127
    man = lax.bitcast_convert_type((bits & 0x007FFFFF) | 0x3F800000, jnp.float32)
    big = man > _SQRT2
    man = jnp.where(big, man * 0.5, man)
    ef = e.astype(jnp.float32) + jnp.where(big, 1.0, 0.0)
    z = (man - 1.0) / (man + 1.0)
    z2 = z * z
    p = 2.0 * z * (1.0 + z2 * (1.0 / 3.0 + z2 * (1.0 / 5.0 + z2 * (1.0 / 7.0))))
    return ef * _LN2 + p


def _body(t0, t1, t2, t3, t4, t5, t6, sn_ref, sp_ref, out_ref, sp_v, sn_v, cols_v, out_v, sem):
    wid = lax.axis_index("s") * _NC + lax.axis_index("c")
    base = wid * _BPW

    for c in range(_NCHUNK):
        pltpu.sync_copy(sp_ref.at[pl.ds(base + c * _CHUNK, _CHUNK)], sp_v.at[c])
        pltpu.sync_copy(sn_ref.at[pl.ds(base + c * _CHUNK, _CHUNK)], sn_v.at[c])

    tcols = [t0, t1, t2, t3, t4, t5, t6]
    copies = [
        pltpu.async_copy(tcols[j].at[sp_v.at[c]], cols_v.at[c, j], sem)
        for c in range(_NCHUNK)
        for j in range(7)
    ]
    for cp in copies:
        cp.wait()

    def chunk_body(c, carry):
        for g in range(_GROUPS):
            sp = sp_v[c, pl.ds(g * _L, _L)]
            sn = sn_v[c, pl.ds(g * _L, _L)]
            zp = (sp.astype(jnp.float32) / float(XY * XY)).astype(jnp.int32)
            rp = sp - zp * (XY * XY)
            yp = (rp.astype(jnp.float32) / float(XY)).astype(jnp.int32)
            xp = rp - yp * XY
            zn = (sn.astype(jnp.float32) / float(XY * XY)).astype(jnp.int32)
            rn = sn - zn * (XY * XY)
            yn = (rn.astype(jnp.float32) / float(XY)).astype(jnp.int32)
            xn = rn - yn * XY
            dx = xn - xp
            dy = yn - yp
            dz = zn - zp

            x0 = dx == 0
            y0 = dy == 0
            z0 = dz == 0
            e = [
                x0 & y0 & z0,
                (dx == 1) & y0 & z0,
                (dx == -1) & y0 & z0,
                x0 & (dy == 1) & z0,
                x0 & (dy == -1) & z0,
                x0 & y0 & (dz == 1),
                x0 & y0 & (dz == 2),
            ]
            valid = e[0] | e[1] | e[2] | e[3] | e[4] | e[5] | e[6]

            cols = [cols_v[c, j, pl.ds(g * _L, _L)] for j in range(7)]
            m = cols[0]
            for j in range(1, 7):
                m = jnp.maximum(m, cols[j])
            s = jnp.exp(cols[0] - m)
            for j in range(1, 7):
                s = s + jnp.exp(cols[j] - m)
            chosen = cols[0]
            for j in range(1, 7):
                chosen = jnp.where(e[j], cols[j], chosen)
            res = chosen - m - _log_f32(s)
            res = jnp.where(valid, res, -jnp.inf)
            out_v[pl.ds(c * _CHUNK + g * _L, _L)] = res
        return carry

    lax.fori_loop(0, _NCHUNK, chunk_body, 0)
    pltpu.sync_copy(out_v, out_ref.at[pl.ds(base, _BPW)])


@jax.jit
def kernel(table, state_next, state_prev):
    mesh = plsc.VectorSubcoreMesh(core_axis_name="c", subcore_axis_name="s")
    f = pl.kernel(
        _body,
        out_type=jax.ShapeDtypeStruct((B,), jnp.float32),
        mesh=mesh,
        compiler_params=pltpu.CompilerParams(
            use_tc_tiling_on_sc=False, needs_layout_passes=False
        ),
        scratch_types=[
            pltpu.VMEM((_NCHUNK, _CHUNK), jnp.int32),
            pltpu.VMEM((_NCHUNK, _CHUNK), jnp.int32),
            pltpu.VMEM((_NCHUNK, 7, _CHUNK), jnp.float32),
            pltpu.VMEM((_BPW,), jnp.float32),
            pltpu.SemaphoreType.DMA,
        ],
    )
    return f(*(table[:, j] for j in range(7)), state_next, state_prev)

# --- scband reference (transcript-rebuilt; emitter-appended) ---
"""Pipeline reference for scband-transition-model-67662914781350 (READ-ONLY COPY).

The authoritative reference and input builder live on the scoring server;
editing this copy changes nothing except your own understanding.
"""

import jax, jax.numpy as jnp
import numpy as np

XY = 100
STATES = 1000000  # XY*XY*XY
B = 16384

NEIGHBORS = jnp.array([
    (0, 0, 0), (1, 0, 0), (-1, 0, 0),
    (0, 1, 0), (0, -1, 0), (0, 0, 1), (0, 0, 2)
], dtype=jnp.int32)  # [7, 3]

# state-index deltas corresponding to each neighbor offset (dx + dy*XY + dz*XY*XY)
DELTAS = jnp.array([0, 1, -1, XY, -XY, XY * XY, 2 * XY * XY], dtype=jnp.int32)


def setup_inputs(seed: int = 0) -> dict:
    key = jax.random.key(seed)
    k1, k2, k3 = jax.random.split(key, 3)
    # learned parameter: transition_matrix_unnormalized [states, 7]
    table = jax.random.normal(k1, (STATES, 7), dtype=jnp.float32)
    state_prev = jax.random.randint(k2, (B,), 0, STATES, dtype=jnp.int32)
    # construct state_next as (mostly) valid neighbor states so the lookup path is exercised
    choice = jax.random.randint(k3, (B,), 0, 7, dtype=jnp.int32)
    state_next = jnp.clip(state_prev + DELTAS[choice], 0, STATES - 1).astype(jnp.int32)
    return {"table": table, "state_next": state_next, "state_prev": state_prev}


def _coords(s):
    z, r = jnp.divmod(s, XY * XY)
    y, x = jnp.divmod(r, XY)
    return x, y, z


def reference(table, state_next, state_prev):
    # batched, vectorized version of TransitionModel.log_p
    xn, yn, zn = _coords(state_next)
    xp, yp, zp = _coords(state_prev)
    diff = jnp.stack([xn - xp, yn - yp, zn - zp], axis=-1)  # [B, 3]
    match = jnp.all(diff[:, None, :] == NEIGHBORS[None, :, :], axis=-1)  # [B, 7]
    valid = jnp.any(match, axis=-1)  # [B]
    idx = jnp.argmax(match, axis=-1)  # [B], neighbors.index((x,y,z))
    # embedding gather: transition_matrix_unnormalized[state_prev]
    logits = jnp.take(table, state_prev, axis=0)  # [B, 7]
    logp = jax.nn.log_softmax(logits, axis=-1)  # [B, 7]
    out = jnp.take_along_axis(logp, idx[:, None], axis=1)[:, 0]  # [B]
    # original returns None for non-neighbors; represent as -inf in the batched form
    return jnp.where(valid, out, -jnp.inf)

if __name__ == "__main__":
    import jax
    _d = setup_inputs()
    print(jax.jit(kernel)(*tuple(_d.values())))

</pallas_src>

<mosaic_0001>
#map = affine_map<(d0, d1) -> (0)>
module attributes {stable_mosaic.version = 14 : i64} {
  func.func @_body(%arg0: i32, %arg1: i32, %arg2: memref<1000000xf32, #tpu.memory_space<hbm>>, %arg3: memref<1000000xf32, #tpu.memory_space<hbm>>, %arg4: memref<1000000xf32, #tpu.memory_space<hbm>>, %arg5: memref<1000000xf32, #tpu.memory_space<hbm>>, %arg6: memref<1000000xf32, #tpu.memory_space<hbm>>, %arg7: memref<1000000xf32, #tpu.memory_space<hbm>>, %arg8: memref<1000000xf32, #tpu.memory_space<hbm>>, %arg9: memref<16384xi32, #tpu.memory_space<hbm>>, %arg10: memref<16384xi32, #tpu.memory_space<hbm>>, %arg11: memref<16384xf32, #tpu.memory_space<hbm>>, %arg12: memref<4x128xi32, #tpu.memory_space<vmem>>, %arg13: memref<4x128xi32, #tpu.memory_space<vmem>>, %arg14: memref<4x7x128xf32, #tpu.memory_space<vmem>>, %arg15: memref<512xf32, #tpu.memory_space<vmem>>, %arg16: memref<!tpu.dma_semaphore, #tpu.memory_space<semaphore_mem>>) attributes {dimension_semantics = [#tpu.dimension_semantics<core_parallel>, #tpu.dimension_semantics<subcore_parallel>], iteration_bounds = array<i64: 2, 16>, scalar_prefetch = 0 : i64, scratch_operands = 5 : i64, tpu.core_type = #tpu.core_type<sc_vector_subcore>, window_params = [{transform_indices = #map}, {transform_indices = #map}, {transform_indices = #map}, {transform_indices = #map}, {transform_indices = #map}, {transform_indices = #map}, {transform_indices = #map}, {transform_indices = #map}, {transform_indices = #map}, {transform_indices = #map}]} {
    %mul3A = arith.constant 2 : i32
    %mul3A_0 = arith.muli %arg1, %mul3A : i32
    %add3A = arith.addi %mul3A_0, %arg0 : i32
    %mul3A_1 = arith.constant 512 : i32
    %mul3A_2 = arith.muli %add3A, %mul3A_1 : i32
    %add3A_3 = arith.constant 0 : i32
    %add3A_4 = arith.addi %mul3A_2, %add3A_3 : i32
    %run_scoped3A = arith.constant 0 : i32
    "tpu.region"() ({
      %run_scoped3A_645 = tpu.sem_alloc : memref<!tpu.dma_semaphore, #tpu.memory_space<semaphore_mem>>
      %dma_start3A_646 = arith.constant 0 : i32
      %dma_start3A_647 = tpu.memref_slice %arg12[%run_scoped3A, %dma_start3A_646] : memref<4x128xi32, #tpu.memory_space<vmem>> -> memref<1x128xi32, #tpu.memory_space<vmem>>
      %dma_start3A_648 = tpu.memref_squeeze %dma_start3A_647 : memref<1x128xi32, #tpu.memory_space<vmem>> -> memref<128xi32, #tpu.memory_space<vmem>>
      %dma_start3A_649 = tpu.memref_slice %arg10[%add3A_4] : memref<16384xi32, #tpu.memory_space<hbm>> -> memref<128xi32, #tpu.memory_space<hbm>>
      %dma_start3A_650 = arith.constant 0 : i32
      %dma_start3A_651 = tpu.memref_slice %arg12[%run_scoped3A, %dma_start3A_650] : memref<4x128xi32, #tpu.memory_space<vmem>> -> memref<1x128xi32, #tpu.memory_space<vmem>>
      %dma_start3A_652 = tpu.memref_squeeze %dma_start3A_651 : memref<1x128xi32, #tpu.memory_space<vmem>> -> memref<128xi32, #tpu.memory_space<vmem>>
      %dma_start3A_653 = tpu.memref_slice %arg10[%add3A_4] : memref<16384xi32, #tpu.memory_space<hbm>> -> memref<128xi32, #tpu.memory_space<hbm>>
      tpu.enqueue_dma source(%dma_start3A_653 : memref<128xi32, #tpu.memory_space<hbm>>) target(%dma_start3A_652 : memref<128xi32, #tpu.memory_space<vmem>>) target_semaphore(%run_scoped3A_645 : memref<!tpu.dma_semaphore, #tpu.memory_space<semaphore_mem>>)
      %dma_wait3A_654 = arith.constant 0 : i32
      %dma_wait3A_655 = tpu.memref_slice %arg12[%run_scoped3A, %dma_wait3A_654] : memref<4x128xi32, #tpu.memory_space<vmem>> -> memref<1x128xi32, #tpu.memory_space<vmem>>
      %dma_wait3A_656 = tpu.memref_squeeze %dma_wait3A_655 : memref<1x128xi32, #tpu.memory_space<vmem>> -> memref<128xi32, #tpu.memory_space<vmem>>
      %dma_wait3A_657 = tpu.memref_slice %arg10[%add3A_4] : memref<16384xi32, #tpu.memory_space<hbm>> -> memref<128xi32, #tpu.memory_space<hbm>>
      %dma_wait3A_658 = arith.constant 0 : i32
      %dma_wait3A_659 = tpu.memref_slice %arg12[%run_scoped3A, %dma_wait3A_658] : memref<4x128xi32, #tpu.memory_space<vmem>> -> memref<1x128xi32, #tpu.memory_space<vmem>>
      %dma_wait3A_660 = tpu.memref_squeeze %dma_wait3A_659 : memref<1x128xi32, #tpu.memory_space<vmem>> -> memref<128xi32, #tpu.memory_space<vmem>>
      %dma_wait3A_661 = tpu.memref_slice %arg10[%add3A_4] : memref<16384xi32, #tpu.memory_space<hbm>> -> memref<128xi32, #tpu.memory_space<hbm>>
      tpu.wait_dma2 semaphore(%run_scoped3A_645 : memref<!tpu.dma_semaphore, #tpu.memory_space<semaphore_mem>>) src(%dma_wait3A_661 : memref<128xi32, #tpu.memory_space<hbm>>) dst(%dma_wait3A_660 : memref<128xi32, #tpu.memory_space<vmem>>)
      tpu.yield
    }) : () -> ()
    %add3A_5 = arith.constant 0 : i32
    %add3A_6 = arith.addi %mul3A_2, %add3A_5 : i32
    %run_scoped3A_7 = arith.constant 0 : i32
    "tpu.region"() ({
      %run_scoped3A_645 = tpu.sem_alloc : memref<!tpu.dma_semaphore, #tpu.memory_space<semaphore_mem>>
      %dma_start3A_646 = arith.constant 0 : i32
      %dma_start3A_647 = tpu.memref_slice %arg13[%run_scoped3A_7, %dma_start3A_646] : memref<4x128xi32, #tpu.memory_space<vmem>> -> memref<1x128xi32, #tpu.memory_space<vmem>>
      %dma_start3A_648 = tpu.memref_squeeze %dma_start3A_647 : memref<1x128xi32, #tpu.memory_space<vmem>> -> memref<128xi32, #tpu.memory_space<vmem>>
      %dma_start3A_649 = tpu.memref_slice %arg9[%add3A_6] : memref<16384xi32, #tpu.memory_space<hbm>> -> memref<128xi32, #tpu.memory_space<hbm>>
      %dma_start3A_650 = arith.constant 0 : i32
      %dma_start3A_651 = tpu.memref_slice %arg13[%run_scoped3A_7, %dma_start3A_650] : memref<4x128xi32, #tpu.memory_space<vmem>> -> memref<1x128xi32, #tpu.memory_space<vmem>>
      %dma_start3A_652 = tpu.memref_squeeze %dma_start3A_651 : memref<1x128xi32, #tpu.memory_space<vmem>> -> memref<128xi32, #tpu.memory_space<vmem>>
      %dma_start3A_653 = tpu.memref_slice %arg9[%add3A_6] : memref<16384xi32, #tpu.memory_space<hbm>> -> memref<128xi32, #tpu.memory_space<hbm>>
      tpu.enqueue_dma source(%dma_start3A_653 : memref<128xi32, #tpu.memory_space<hbm>>) target(%dma_start3A_652 : memref<128xi32, #tpu.memory_space<vmem>>) target_semaphore(%run_scoped3A_645 : memref<!tpu.dma_semaphore, #tpu.memory_space<semaphore_mem>>)
      %dma_wait3A_654 = arith.constant 0 : i32
      %dma_wait3A_655 = tpu.memref_slice %arg13[%run_scoped3A_7, %dma_wait3A_654] : memref<4x128xi32, #tpu.memory_space<vmem>> -> memref<1x128xi32, #tpu.memory_space<vmem>>
      %dma_wait3A_656 = tpu.memref_squeeze %dma_wait3A_655 : memref<1x128xi32, #tpu.memory_space<vmem>> -> memref<128xi32, #tpu.memory_space<vmem>>
      %dma_wait3A_657 = tpu.memref_slice %arg9[%add3A_6] : memref<16384xi32, #tpu.memory_space<hbm>> -> memref<128xi32, #tpu.memory_space<hbm>>
      %dma_wait3A_658 = arith.constant 0 : i32
      %dma_wait3A_659 = tpu.memref_slice %arg13[%run_scoped3A_7, %dma_wait3A_658] : memref<4x128xi32, #tpu.memory_space<vmem>> -> memref<1x128xi32, #tpu.memory_space<vmem>>
      %dma_wait3A_660 = tpu.memref_squeeze %dma_wait3A_659 : memref<1x128xi32, #tpu.memory_space<vmem>> -> memref<128xi32, #tpu.memory_space<vmem>>
      %dma_wait3A_661 = tpu.memref_slice %arg9[%add3A_6] : memref<16384xi32, #tpu.memory_space<hbm>> -> memref<128xi32, #tpu.memory_space<hbm>>
      tpu.wait_dma2 semaphore(%run_scoped3A_645 : memref<!tpu.dma_semaphore, #tpu.memory_space<semaphore_mem>>) src(%dma_wait3A_661 : memref<128xi32, #tpu.memory_space<hbm>>) dst(%dma_wait3A_660 : memref<128xi32, #tpu.memory_space<vmem>>)
      tpu.yield
    }) : () -> ()
    %add3A_8 = arith.constant 128 : i32
    %add3A_9 = arith.addi %mul3A_2, %add3A_8 : i32
    %run_scoped3A_10 = arith.constant 1 : i32
    "tpu.region"() ({
      %run_scoped3A_645 = tpu.sem_alloc : memref<!tpu.dma_semaphore, #tpu.memory_space<semaphore_mem>>
      %dma_start3A_646 = arith.constant 0 : i32
      %dma_start3A_647 = tpu.memref_slice %arg12[%run_scoped3A_10, %dma_start3A_646] : memref<4x128xi32, #tpu.memory_space<vmem>> -> memref<1x128xi32, #tpu.memory_space<vmem>>
      %dma_start3A_648 = tpu.memref_squeeze %dma_start3A_647 : memref<1x128xi32, #tpu.memory_space<vmem>> -> memref<128xi32, #tpu.memory_space<vmem>>
      %dma_start3A_649 = tpu.memref_slice %arg10[%add3A_9] : memref<16384xi32, #tpu.memory_space<hbm>> -> memref<128xi32, #tpu.memory_space<hbm>>
      %dma_start3A_650 = arith.constant 0 : i32
      %dma_start3A_651 = tpu.memref_slice %arg12[%run_scoped3A_10, %dma_start3A_650] : memref<4x128xi32, #tpu.memory_space<vmem>> -> memref<1x128xi32, #tpu.memory_space<vmem>>
      %dma_start3A_652 = tpu.memref_squeeze %dma_start3A_651 : memref<1x128xi32, #tpu.memory_space<vmem>> -> memref<128xi32, #tpu.memory_space<vmem>>
      %dma_start3A_653 = tpu.memref_slice %arg10[%add3A_9] : memref<16384xi32, #tpu.memory_space<hbm>> -> memref<128xi32, #tpu.memory_space<hbm>>
      tpu.enqueue_dma source(%dma_start3A_653 : memref<128xi32, #tpu.memory_space<hbm>>) target(%dma_start3A_652 : memref<128xi32, #tpu.memory_space<vmem>>) target_semaphore(%run_scoped3A_645 : memref<!tpu.dma_semaphore, #tpu.memory_space<semaphore_mem>>)
      %dma_wait3A_654 = arith.constant 0 : i32
      %dma_wait3A_655 = tpu.memref_slice %arg12[%run_scoped3A_10, %dma_wait3A_654] : memref<4x128xi32, #tpu.memory_space<vmem>> -> memref<1x128xi32, #tpu.memory_space<vmem>>
      %dma_wait3A_656 = tpu.memref_squeeze %dma_wait3A_655 : memref<1x128xi32, #tpu.memory_space<vmem>> -> memref<128xi32, #tpu.memory_space<vmem>>
      %dma_wait3A_657 = tpu.memref_slice %arg10[%add3A_9] : memref<16384xi32, #tpu.memory_space<hbm>> -> memref<128xi32, #tpu.memory_space<hbm>>
      %dma_wait3A_658 = arith.constant 0 : i32
      %dma_wait3A_659 = tpu.memref_slice %arg12[%run_scoped3A_10, %dma_wait3A_658] : memref<4x128xi32, #tpu.memory_space<vmem>> -> memref<1x128xi32, #tpu.memory_space<vmem>>
      %dma_wait3A_660 = tpu.memref_squeeze %dma_wait3A_659 : memref<1x128xi32, #tpu.memory_space<vmem>> -> memref<128xi32, #tpu.memory_space<vmem>>
      %dma_wait3A_661 = tpu.memref_slice %arg10[%add3A_9] : memref<16384xi32, #tpu.memory_space<hbm>> -> memref<128xi32, #tpu.memory_space<hbm>>
      tpu.wait_dma2 semaphore(%run_scoped3A_645 : memref<!tpu.dma_semaphore, #tpu.memory_space<semaphore_mem>>) src(%dma_wait3A_661 : memref<128xi32, #tpu.memory_space<hbm>>) dst(%dma_wait3A_660 : memref<128xi32, #tpu.memory_space<vmem>>)
      tpu.yield
    }) : () -> ()
    %add3A_11 = arith.constant 128 : i32
    %add3A_12 = arith.addi %mul3A_2, %add3A_11 : i32
    %run_scoped3A_13 = arith.constant 1 : i32
    "tpu.region"() ({
      %run_scoped3A_645 = tpu.sem_alloc : memref<!tpu.dma_semaphore, #tpu.memory_space<semaphore_mem>>
      %dma_start3A_646 = arith.constant 0 : i32
      %dma_start3A_647 = tpu.memref_slice %arg13[%run_scoped3A_13, %dma_start3A_646] : memref<4x128xi32, #tpu.memory_space<vmem>> -> memref<1x128xi32, #tpu.memory_space<vmem>>
      %dma_start3A_648 = tpu.memref_squeeze %dma_start3A_647 : memref<1x128xi32, #tpu.memory_space<vmem>> -> memref<128xi32, #tpu.memory_space<vmem>>
      %dma_start3A_649 = tpu.memref_slice %arg9[%add3A_12] : memref<16384xi32, #tpu.memory_space<hbm>> -> memref<128xi32, #tpu.memory_space<hbm>>
      %dma_start3A_650 = arith.constant 0 : i32
      %dma_start3A_651 = tpu.memref_slice %arg13[%run_scoped3A_13, %dma_start3A_650] : memref<4x128xi32, #tpu.memory_space<vmem>> -> memref<1x128xi32, #tpu.memory_space<vmem>>
      %dma_start3A_652 = tpu.memref_squeeze %dma_start3A_651 : memref<1x128xi32, #tpu.memory_space<vmem>> -> memref<128xi32, #tpu.memory_space<vmem>>
      %dma_start3A_653 = tpu.memref_slice %arg9[%add3A_12] : memref<16384xi32, #tpu.memory_space<hbm>> -> memref<128xi32, #tpu.memory_space<hbm>>
      tpu.enqueue_dma source(%dma_start3A_653 : memref<128xi32, #tpu.memory_space<hbm>>) target(%dma_start3A_652 : memref<128xi32, #tpu.memory_space<vmem>>) target_semaphore(%run_scoped3A_645 : memref<!tpu.dma_semaphore, #tpu.memory_space<semaphore_mem>>)
      %dma_wait3A_654 = arith.constant 0 : i32
      %dma_wait3A_655 = tpu.memref_slice %arg13[%run_scoped3A_13, %dma_wait3A_654] : memref<4x128xi32, #tpu.memory_space<vmem>> -> memref<1x128xi32, #tpu.memory_space<vmem>>
      %dma_wait3A_656 = tpu.memref_squeeze %dma_wait3A_655 : memref<1x128xi32, #tpu.memory_space<vmem>> -> memref<128xi32, #tpu.memory_space<vmem>>
      %dma_wait3A_657 = tpu.memref_slice %arg9[%add3A_12] : memref<16384xi32, #tpu.memory_space<hbm>> -> memref<128xi32, #tpu.memory_space<hbm>>
      %dma_wait3A_658 = arith.constant 0 : i32
      %dma_wait3A_659 = tpu.memref_slice %arg13[%run_scoped3A_13, %dma_wait3A_658] : memref<4x128xi32, #tpu.memory_space<vmem>> -> memref<1x128xi32, #tpu.memory_space<vmem>>
      %dma_wait3A_660 = tpu.memref_squeeze %dma_wait3A_659 : memref<1x128xi32, #tpu.memory_space<vmem>> -> memref<128xi32, #tpu.memory_space<vmem>>
      %dma_wait3A_661 = tpu.memref_slice %arg9[%add3A_12] : memref<16384xi32, #tpu.memory_space<hbm>> -> memref<128xi32, #tpu.memory_space<hbm>>
      tpu.wait_dma2 semaphore(%run_scoped3A_645 : memref<!tpu.dma_semaphore, #tpu.memory_space<semaphore_mem>>) src(%dma_wait3A_661 : memref<128xi32, #tpu.memory_space<hbm>>) dst(%dma_wait3A_660 : memref<128xi32, #tpu.memory_space<vmem>>)
      tpu.yield
    }) : () -> ()
    %add3A_14 = arith.constant 256 : i32
    %add3A_15 = arith.addi %mul3A_2, %add3A_14 : i32
    %run_scoped3A_16 = arith.constant 2 : i32
    "tpu.region"() ({
      %run_scoped3A_645 = tpu.sem_alloc : memref<!tpu.dma_semaphore, #tpu.memory_space<semaphore_mem>>
      %dma_start3A_646 = arith.constant 0 : i32
      %dma_start3A_647 = tpu.memref_slice %arg12[%run_scoped3A_16, %dma_start3A_646] : memref<4x128xi32, #tpu.memory_space<vmem>> -> memref<1x128xi32, #tpu.memory_space<vmem>>
      %dma_start3A_648 = tpu.memref_squeeze %dma_start3A_647 : memref<1x128xi32, #tpu.memory_space<vmem>> -> memref<128xi32, #tpu.memory_space<vmem>>
      %dma_start3A_649 = tpu.memref_slice %arg10[%add3A_15] : memref<16384xi32, #tpu.memory_space<hbm>> -> memref<128xi32, #tpu.memory_space<hbm>>
      %dma_start3A_650 = arith.constant 0 : i32
      %dma_start3A_651 = tpu.memref_slice %arg12[%run_scoped3A_16, %dma_start3A_650] : memref<4x128xi32, #tpu.memory_space<vmem>> -> memref<1x128xi32, #tpu.memory_space<vmem>>
      %dma_start3A_652 = tpu.memref_squeeze %dma_start3A_651 : memref<1x128xi32, #tpu.memory_space<vmem>> -> memref<128xi32, #tpu.memory_space<vmem>>
      %dma_start3A_653 = tpu.memref_slice %arg10[%add3A_15] : memref<16384xi32, #tpu.memory_space<hbm>> -> memref<128xi32, #tpu.memory_space<hbm>>
      tpu.enqueue_dma source(%dma_start3A_653 : memref<128xi32, #tpu.memory_space<hbm>>) target(%dma_start3A_652 : memref<128xi32, #tpu.memory_space<vmem>>) target_semaphore(%run_scoped3A_645 : memref<!tpu.dma_semaphore, #tpu.memory_space<semaphore_mem>>)
      %dma_wait3A_654 = arith.constant 0 : i32
      %dma_wait3A_655 = tpu.memref_slice %arg12[%run_scoped3A_16, %dma_wait3A_654] : memref<4x128xi32, #tpu.memory_space<vmem>> -> memref<1x128xi32, #tpu.memory_space<vmem>>
      %dma_wait3A_656 = tpu.memref_squeeze %dma_wait3A_655 : memref<1x128xi32, #tpu.memory_space<vmem>> -> memref<128xi32, #tpu.memory_space<vmem>>
      %dma_wait3A_657 = tpu.memref_slice %arg10[%add3A_15] : memref<16384xi32, #tpu.memory_space<hbm>> -> memref<128xi32, #tpu.memory_space<hbm>>
      %dma_wait3A_658 = arith.constant 0 : i32
      %dma_wait3A_659 = tpu.memref_slice %arg12[%run_scoped3A_16, %dma_wait3A_658] : memref<4x128xi32, #tpu.memory_space<vmem>> -> memref<1x128xi32, #tpu.memory_space<vmem>>
      %dma_wait3A_660 = tpu.memref_squeeze %dma_wait3A_659 : memref<1x128xi32, #tpu.memory_space<vmem>> -> memref<128xi32, #tpu.memory_space<vmem>>
      %dma_wait3A_661 = tpu.memref_slice %arg10[%add3A_15] : memref<16384xi32, #tpu.memory_space<hbm>> -> memref<128xi32, #tpu.memory_space<hbm>>
      tpu.wait_dma2 semaphore(%run_scoped3A_645 : memref<!tpu.dma_semaphore, #tpu.memory_space<semaphore_mem>>) src(%dma_wait3A_661 : memref<128xi32, #tpu.memory_space<hbm>>) dst(%dma_wait3A_660 : memref<128xi32, #tpu.memory_space<vmem>>)
      tpu.yield
    }) : () -> ()
    %add3A_17 = arith.constant 256 : i32
    %add3A_18 = arith.addi %mul3A_2, %add3A_17 : i32
    %run_scoped3A_19 = arith.constant 2 : i32
    "tpu.region"() ({
      %run_scoped3A_645 = tpu.sem_alloc : memref<!tpu.dma_semaphore, #tpu.memory_space<semaphore_mem>>
      %dma_start3A_646 = arith.constant 0 : i32
      %dma_start3A_647 = tpu.memref_slice %arg13[%run_scoped3A_19, %dma_start3A_646] : memref<4x128xi32, #tpu.memory_space<vmem>> -> memref<1x128xi32, #tpu.memory_space<vmem>>
      %dma_start3A_648 = tpu.memref_squeeze %dma_start3A_647 : memref<1x128xi32, #tpu.memory_space<vmem>> -> memref<128xi32, #tpu.memory_space<vmem>>
      %dma_start3A_649 = tpu.memref_slice %arg9[%add3A_18] : memref<16384xi32, #tpu.memory_space<hbm>> -> memref<128xi32, #tpu.memory_space<hbm>>
      %dma_start3A_650 = arith.constant 0 : i32
      %dma_start3A_651 = tpu.memref_slice %arg13[%run_scoped3A_19, %dma_start3A_650] : memref<4x128xi32, #tpu.memory_space<vmem>> -> memref<1x128xi32, #tpu.memory_space<vmem>>
      %dma_start3A_652 = tpu.memref_squeeze %dma_start3A_651 : memref<1x128xi32, #tpu.memory_space<vmem>> -> memref<128xi32, #tpu.memory_space<vmem>>
      %dma_start3A_653 = tpu.memref_slice %arg9[%add3A_18] : memref<16384xi32, #tpu.memory_space<hbm>> -> memref<128xi32, #tpu.memory_space<hbm>>
      tpu.enqueue_dma source(%dma_start3A_653 : memref<128xi32, #tpu.memory_space<hbm>>) target(%dma_start3A_652 : memref<128xi32, #tpu.memory_space<vmem>>) target_semaphore(%run_scoped3A_645 : memref<!tpu.dma_semaphore, #tpu.memory_space<semaphore_mem>>)
      %dma_wait3A_654 = arith.constant 0 : i32
      %dma_wait3A_655 = tpu.memref_slice %arg13[%run_scoped3A_19, %dma_wait3A_654] : memref<4x128xi32, #tpu.memory_space<vmem>> -> memref<1x128xi32, #tpu.memory_space<vmem>>
      %dma_wait3A_656 = tpu.memref_squeeze %dma_wait3A_655 : memref<1x128xi32, #tpu.memory_space<vmem>> -> memref<128xi32, #tpu.memory_space<vmem>>
      %dma_wait3A_657 = tpu.memref_slice %arg9[%add3A_18] : memref<16384xi32, #tpu.memory_space<hbm>> -> memref<128xi32, #tpu.memory_space<hbm>>
      %dma_wait3A_658 = arith.constant 0 : i32
      %dma_wait3A_659 = tpu.memref_slice %arg13[%run_scoped3A_19, %dma_wait3A_658] : memref<4x128xi32, #tpu.memory_space<vmem>> -> memref<1x128xi32, #tpu.memory_space<vmem>>
      %dma_wait3A_660 = tpu.memref_squeeze %dma_wait3A_659 : memref<1x128xi32, #tpu.memory_space<vmem>> -> memref<128xi32, #tpu.memory_space<vmem>>
      %dma_wait3A_661 = tpu.memref_slice %arg9[%add3A_18] : memref<16384xi32, #tpu.memory_space<hbm>> -> memref<128xi32, #tpu.memory_space<hbm>>
      tpu.wait_dma2 semaphore(%run_scoped3A_645 : memref<!tpu.dma_semaphore, #tpu.memory_space<semaphore_mem>>) src(%dma_wait3A_661 : memref<128xi32, #tpu.memory_space<hbm>>) dst(%dma_wait3A_660 : memref<128xi32, #tpu.memory_space<vmem>>)
      tpu.yield
    }) : () -> ()
    %add3A_20 = arith.constant 384 : i32
    %add3A_21 = arith.addi %mul3A_2, %add3A_20 : i32
    %run_scoped3A_22 = arith.constant 3 : i32
    "tpu.region"() ({
      %run_scoped3A_645 = tpu.sem_alloc : memref<!tpu.dma_semaphore, #tpu.memory_space<semaphore_mem>>
      %dma_start3A_646 = arith.constant 0 : i32
      %dma_start3A_647 = tpu.memref_slice %arg12[%run_scoped3A_22, %dma_start3A_646] : memref<4x128xi32, #tpu.memory_space<vmem>> -> memref<1x128xi32, #tpu.memory_space<vmem>>
      %dma_start3A_648 = tpu.memref_squeeze %dma_start3A_647 : memref<1x128xi32, #tpu.memory_space<vmem>> -> memref<128xi32, #tpu.memory_space<vmem>>
      %dma_start3A_649 = tpu.memref_slice %arg10[%add3A_21] : memref<16384xi32, #tpu.memory_space<hbm>> -> memref<128xi32, #tpu.memory_space<hbm>>
      %dma_start3A_650 = arith.constant 0 : i32
      %dma_start3A_651 = tpu.memref_slice %arg12[%run_scoped3A_22, %dma_start3A_650] : memref<4x128xi32, #tpu.memory_space<vmem>> -> memref<1x128xi32, #tpu.memory_space<vmem>>
      %dma_start3A_652 = tpu.memref_squeeze %dma_start3A_651 : memref<1x128xi32, #tpu.memory_space<vmem>> -> memref<128xi32, #tpu.memory_space<vmem>>
      %dma_start3A_653 = tpu.memref_slice %arg10[%add3A_21] : memref<16384xi32, #tpu.memory_space<hbm>> -> memref<128xi32, #tpu.memory_space<hbm>>
      tpu.enqueue_dma source(%dma_start3A_653 : memref<128xi32, #tpu.memory_space<hbm>>) target(%dma_start3A_652 : memref<128xi32, #tpu.memory_space<vmem>>) target_semaphore(%run_scoped3A_645 : memref<!tpu.dma_semaphore, #tpu.memory_space<semaphore_mem>>)
      %dma_wait3A_654 = arith.constant 0 : i32
      %dma_wait3A_655 = tpu.memref_slice %arg12[%run_scoped3A_22, %dma_wait3A_654] : memref<4x128xi32, #tpu.memory_space<vmem>> -> memref<1x128xi32, #tpu.memory_space<vmem>>
      %dma_wait3A_656 = tpu.memref_squeeze %dma_wait3A_655 : memref<1x128xi32, #tpu.memory_space<vmem>> -> memref<128xi32, #tpu.memory_space<vmem>>
      %dma_wait3A_657 = tpu.memref_slice %arg10[%add3A_21] : memref<16384xi32, #tpu.memory_space<hbm>> -> memref<128xi32, #tpu.memory_space<hbm>>
      %dma_wait3A_658 = arith.constant 0 : i32
      %dma_wait3A_659 = tpu.memref_slice %arg12[%run_scoped3A_22, %dma_wait3A_658] : memref<4x128xi32, #tpu.memory_space<vmem>> -> memref<1x128xi32, #tpu.memory_space<vmem>>
      %dma_wait3A_660 = tpu.memref_squeeze %dma_wait3A_659 : memref<1x128xi32, #tpu.memory_space<vmem>> -> memref<128xi32, #tpu.memory_space<vmem>>
      %dma_wait3A_661 = tpu.memref_slice %arg10[%add3A_21] : memref<16384xi32, #tpu.memory_space<hbm>> -> memref<128xi32, #tpu.memory_space<hbm>>
      tpu.wait_dma2 semaphore(%run_scoped3A_645 : memref<!tpu.dma_semaphore, #tpu.memory_space<semaphore_mem>>) src(%dma_wait3A_661 : memref<128xi32, #tpu.memory_space<hbm>>) dst(%dma_wait3A_660 : memref<128xi32, #tpu.memory_space<vmem>>)
      tpu.yield
    }) : () -> ()
    %add3A_23 = arith.constant 384 : i32
    %add3A_24 = arith.addi %mul3A_2, %add3A_23 : i32
    %run_scoped3A_25 = arith.constant 3 : i32
    "tpu.region"() ({
      %run_scoped3A_645 = tpu.sem_alloc : memref<!tpu.dma_semaphore, #tpu.memory_space<semaphore_mem>>
      %dma_start3A_646 = arith.constant 0 : i32
      %dma_start3A_647 = tpu.memref_slice %arg13[%run_scoped3A_25, %dma_start3A_646] : memref<4x128xi32, #tpu.memory_space<vmem>> -> memref<1x128xi32, #tpu.memory_space<vmem>>
      %dma_start3A_648 = tpu.memref_squeeze %dma_start3A_647 : memref<1x128xi32, #tpu.memory_space<vmem>> -> memref<128xi32, #tpu.memory_space<vmem>>
      %dma_start3A_649 = tpu.memref_slice %arg9[%add3A_24] : memref<16384xi32, #tpu.memory_space<hbm>> -> memref<128xi32, #tpu.memory_space<hbm>>
      %dma_start3A_650 = arith.constant 0 : i32
      %dma_start3A_651 = tpu.memref_slice %arg13[%run_scoped3A_25, %dma_start3A_650] : memref<4x128xi32, #tpu.memory_space<vmem>> -> memref<1x128xi32, #tpu.memory_space<vmem>>
      %dma_start3A_652 = tpu.memref_squeeze %dma_start3A_651 : memref<1x128xi32, #tpu.memory_space<vmem>> -> memref<128xi32, #tpu.memory_space<vmem>>
      %dma_start3A_653 = tpu.memref_slice %arg9[%add3A_24] : memref<16384xi32, #tpu.memory_space<hbm>> -> memref<128xi32, #tpu.memory_space<hbm>>
      tpu.enqueue_dma source(%dma_start3A_653 : memref<128xi32, #tpu.memory_space<hbm>>) target(%dma_start3A_652 : memref<128xi32, #tpu.memory_space<vmem>>) target_semaphore(%run_scoped3A_645 : memref<!tpu.dma_semaphore, #tpu.memory_space<semaphore_mem>>)
      %dma_wait3A_654 = arith.constant 0 : i32
      %dma_wait3A_655 = tpu.memref_slice %arg13[%run_scoped3A_25, %dma_wait3A_654] : memref<4x128xi32, #tpu.memory_space<vmem>> -> memref<1x128xi32, #tpu.memory_space<vmem>>
      %dma_wait3A_656 = tpu.memref_squeeze %dma_wait3A_655 : memref<1x128xi32, #tpu.memory_space<vmem>> -> memref<128xi32, #tpu.memory_space<vmem>>
      %dma_wait3A_657 = tpu.memref_slice %arg9[%add3A_24] : memref<16384xi32, #tpu.memory_space<hbm>> -> memref<128xi32, #tpu.memory_space<hbm>>
      %dma_wait3A_658 = arith.constant 0 : i32
      %dma_wait3A_659 = tpu.memref_slice %arg13[%run_scoped3A_25, %dma_wait3A_658] : memref<4x128xi32, #tpu.memory_space<vmem>> -> memref<1x128xi32, #tpu.memory_space<vmem>>
      %dma_wait3A_660 = tpu.memref_squeeze %dma_wait3A_659 : memref<1x128xi32, #tpu.memory_space<vmem>> -> memref<128xi32, #tpu.memory_space<vmem>>
      %dma_wait3A_661 = tpu.memref_slice %arg9[%add3A_24] : memref<16384xi32, #tpu.memory_space<hbm>> -> memref<128xi32, #tpu.memory_space<hbm>>
      tpu.wait_dma2 semaphore(%run_scoped3A_645 : memref<!tpu.dma_semaphore, #tpu.memory_space<semaphore_mem>>) src(%dma_wait3A_661 : memref<128xi32, #tpu.memory_space<hbm>>) dst(%dma_wait3A_660 : memref<128xi32, #tpu.memory_space<vmem>>)
      tpu.yield
    }) : () -> ()
    %dma_start3A = arith.constant 0 : i32
    %dma_start3A_26 = arith.constant 0 : i32
    %dma_start3A_27 = arith.constant 0 : i32
    %dma_start3A_28 = arith.constant 0 : i32
    %dma_start3A_29 = tpu.memref_slice %arg14[%dma_start3A_26, %dma_start3A_27, %dma_start3A_28] : memref<4x7x128xf32, #tpu.memory_space<vmem>> -> memref<1x1x128xf32, #tpu.memory_space<vmem>>
    %dma_start3A_30 = tpu.memref_squeeze %dma_start3A_29 : memref<1x1x128xf32, #tpu.memory_space<vmem>> -> memref<128xf32, #tpu.memory_space<vmem>>
    %dma_start3A_31 = arith.constant 0 : i32
    %dma_start3A_32 = tpu.memref_slice %arg12[%dma_start3A, %dma_start3A_31] : memref<4x128xi32, #tpu.memory_space<vmem>> -> memref<1x128xi32, #tpu.memory_space<vmem>>
    %dma_start3A_33 = tpu.memref_squeeze %dma_start3A_32 : memref<1x128xi32, #tpu.memory_space<vmem>> -> memref<128xi32, #tpu.memory_space<vmem>>
    %dma_start3A_34 = arith.constant 0 : i32
    %dma_start3A_35 = tpu.memref_slice %arg2[%dma_start3A_34] : memref<1000000xf32, #tpu.memory_space<hbm>> -> memref<1000000xf32, #tpu.memory_space<hbm>>
    tpu.enqueue_indirect_dma source(%dma_start3A_35 : memref<1000000xf32, #tpu.memory_space<hbm>>) target(%dma_start3A_30 : memref<128xf32, #tpu.memory_space<vmem>>) offsets(%dma_start3A_33 : memref<128xi32, #tpu.memory_space<vmem>>) semaphore(%arg16 : memref<!tpu.dma_semaphore, #tpu.memory_space<semaphore_mem>>)
    %dma_start3A_36 = arith.constant 0 : i32
    %dma_start3A_37 = arith.constant 0 : i32
    %dma_start3A_38 = arith.constant 1 : i32
    %dma_start3A_39 = arith.constant 0 : i32
    %dma_start3A_40 = tpu.memref_slice %arg14[%dma_start3A_37, %dma_start3A_38, %dma_start3A_39] : memref<4x7x128xf32, #tpu.memory_space<vmem>> -> memref<1x1x128xf32, #tpu.memory_space<vmem>>
    %dma_start3A_41 = tpu.memref_squeeze %dma_start3A_40 : memref<1x1x128xf32, #tpu.memory_space<vmem>> -> memref<128xf32, #tpu.memory_space<vmem>>
    %dma_start3A_42 = arith.constant 0 : i32
    %dma_start3A_43 = tpu.memref_slice %arg12[%dma_start3A_36, %dma_start3A_42] : memref<4x128xi32, #tpu.memory_space<vmem>> -> memref<1x128xi32, #tpu.memory_space<vmem>>
    %dma_start3A_44 = tpu.memref_squeeze %dma_start3A_43 : memref<1x128xi32, #tpu.memory_space<vmem>> -> memref<128xi32, #tpu.memory_space<vmem>>
    %dma_start3A_45 = arith.constant 0 : i32
    %dma_start3A_46 = tpu.memref_slice %arg3[%dma_start3A_45] : memref<1000000xf32, #tpu.memory_space<hbm>> -> memref<1000000xf32, #tpu.memory_space<hbm>>
    tpu.enqueue_indirect_dma source(%dma_start3A_46 : memref<1000000xf32, #tpu.memory_space<hbm>>) target(%dma_start3A_41 : memref<128xf32, #tpu.memory_space<vmem>>) offsets(%dma_start3A_44 : memref<128xi32, #tpu.memory_space<vmem>>) semaphore(%arg16 : memref<!tpu.dma_semaphore, #tpu.memory_space<semaphore_mem>>)
    %dma_start3A_47 = arith.constant 0 : i32
    %dma_start3A_48 = arith.constant 0 : i32
    %dma_start3A_49 = arith.constant 2 : i32
    %dma_start3A_50 = arith.constant 0 : i32
    %dma_start3A_51 = tpu.memref_slice %arg14[%dma_start3A_48, %dma_start3A_49, %dma_start3A_50] : memref<4x7x128xf32, #tpu.memory_space<vmem>> -> memref<1x1x128xf32, #tpu.memory_space<vmem>>
    %dma_start3A_52 = tpu.memref_squeeze %dma_start3A_51 : memref<1x1x128xf32, #tpu.memory_space<vmem>> -> memref<128xf32, #tpu.memory_space<vmem>>
    %dma_start3A_53 = arith.constant 0 : i32
    %dma_start3A_54 = tpu.memref_slice %arg12[%dma_start3A_47, %dma_start3A_53] : memref<4x128xi32, #tpu.memory_space<vmem>> -> memref<1x128xi32, #tpu.memory_space<vmem>>
    %dma_start3A_55 = tpu.memref_squeeze %dma_start3A_54 : memref<1x128xi32, #tpu.memory_space<vmem>> -> memref<128xi32, #tpu.memory_space<vmem>>
    %dma_start3A_56 = arith.constant 0 : i32
    %dma_start3A_57 = tpu.memref_slice %arg4[%dma_start3A_56] : memref<1000000xf32, #tpu.memory_space<hbm>> -> memref<1000000xf32, #tpu.memory_space<hbm>>
    tpu.enqueue_indirect_dma source(%dma_start3A_57 : memref<1000000xf32, #tpu.memory_space<hbm>>) target(%dma_start3A_52 : memref<128xf32, #tpu.memory_space<vmem>>) offsets(%dma_start3A_55 : memref<128xi32, #tpu.memory_space<vmem>>) semaphore(%arg16 : memref<!tpu.dma_semaphore, #tpu.memory_space<semaphore_mem>>)
    %dma_start3A_58 = arith.constant 0 : i32
    %dma_start3A_59 = arith.constant 0 : i32
    %dma_start3A_60 = arith.constant 3 : i32
    %dma_start3A_61 = arith.constant 0 : i32
    %dma_start3A_62 = tpu.memref_slice %arg14[%dma_start3A_59, %dma_start3A_60, %dma_start3A_61] : memref<4x7x128xf32, #tpu.memory_space<vmem>> -> memref<1x1x128xf32, #tpu.memory_space<vmem>>
    %dma_start3A_63 = tpu.memref_squeeze %dma_start3A_62 : memref<1x1x128xf32, #tpu.memory_space<vmem>> -> memref<128xf32, #tpu.memory_space<vmem>>
    %dma_start3A_64 = arith.constant 0 : i32
    %dma_start3A_65 = tpu.memref_slice %arg12[%dma_start3A_58, %dma_start3A_64] : memref<4x128xi32, #tpu.memory_space<vmem>> -> memref<1x128xi32, #tpu.memory_space<vmem>>
    %dma_start3A_66 = tpu.memref_squeeze %dma_start3A_65 : memref<1x128xi32, #tpu.memory_space<vmem>> -> memref<128xi32, #tpu.memory_space<vmem>>
    %dma_start3A_67 = arith.constant 0 : i32
    %dma_start3A_68 = tpu.memref_slice %arg5[%dma_start3A_67] : memref<1000000xf32, #tpu.memory_space<hbm>> -> memref<1000000xf32, #tpu.memory_space<hbm>>
    tpu.enqueue_indirect_dma source(%dma_start3A_68 : memref<1000000xf32, #tpu.memory_space<hbm>>) target(%dma_start3A_63 : memref<128xf32, #tpu.memory_space<vmem>>) offsets(%dma_start3A_66 : memref<128xi32, #tpu.memory_space<vmem>>) semaphore(%arg16 : memref<!tpu.dma_semaphore, #tpu.memory_space<semaphore_mem>>)
    %dma_start3A_69 = arith.constant 0 : i32
    %dma_start3A_70 = arith.constant 0 : i32
    %dma_start3A_71 = arith.constant 4 : i32
    %dma_start3A_72 = arith.constant 0 : i32
    %dma_start3A_73 = tpu.memref_slice %arg14[%dma_start3A_70, %dma_start3A_71, %dma_start3A_72] : memref<4x7x128xf32, #tpu.memory_space<vmem>> -> memref<1x1x128xf32, #tpu.memory_space<vmem>>
    %dma_start3A_74 = tpu.memref_squeeze %dma_start3A_73 : memref<1x1x128xf32, #tpu.memory_space<vmem>> -> memref<128xf32, #tpu.memory_space<vmem>>
    %dma_start3A_75 = arith.constant 0 : i32
    %dma_start3A_76 = tpu.memref_slice %arg12[%dma_start3A_69, %dma_start3A_75] : memref<4x128xi32, #tpu.memory_space<vmem>> -> memref<1x128xi32, #tpu.memory_space<vmem>>
    %dma_start3A_77 = tpu.memref_squeeze %dma_start3A_76 : memref<1x128xi32, #tpu.memory_space<vmem>> -> memref<128xi32, #tpu.memory_space<vmem>>
    %dma_start3A_78 = arith.constant 0 : i32
    %dma_start3A_79 = tpu.memref_slice %arg6[%dma_start3A_78] : memref<1000000xf32, #tpu.memory_space<hbm>> -> memref<1000000xf32, #tpu.memory_space<hbm>>
    tpu.enqueue_indirect_dma source(%dma_start3A_79 : memref<1000000xf32, #tpu.memory_space<hbm>>) target(%dma_start3A_74 : memref<128xf32, #tpu.memory_space<vmem>>) offsets(%dma_start3A_77 : memref<128xi32, #tpu.memory_space<vmem>>) semaphore(%arg16 : memref<!tpu.dma_semaphore, #tpu.memory_space<semaphore_mem>>)
    %dma_start3A_80 = arith.constant 0 : i32
    %dma_start3A_81 = arith.constant 0 : i32
    %dma_start3A_82 = arith.constant 5 : i32
    %dma_start3A_83 = arith.constant 0 : i32
    %dma_start3A_84 = tpu.memref_slice %arg14[%dma_start3A_81, %dma_start3A_82, %dma_start3A_83] : memref<4x7x128xf32, #tpu.memory_space<vmem>> -> memref<1x1x128xf32, #tpu.memory_space<vmem>>
    %dma_start3A_85 = tpu.memref_squeeze %dma_start3A_84 : memref<1x1x128xf32, #tpu.memory_space<vmem>> -> memref<128xf32, #tpu.memory_space<vmem>>
    %dma_start3A_86 = arith.constant 0 : i32
    %dma_start3A_87 = tpu.memref_slice %arg12[%dma_start3A_80, %dma_start3A_86] : memref<4x128xi32, #tpu.memory_space<vmem>> -> memref<1x128xi32, #tpu.memory_space<vmem>>
    %dma_start3A_88 = tpu.memref_squeeze %dma_start3A_87 : memref<1x128xi32, #tpu.memory_space<vmem>> -> memref<128xi32, #tpu.memory_space<vmem>>
    %dma_start3A_89 = arith.constant 0 : i32
    %dma_start3A_90 = tpu.memref_slice %arg7[%dma_start3A_89] : memref<1000000xf32, #tpu.memory_space<hbm>> -> memref<1000000xf32, #tpu.memory_space<hbm>>
    tpu.enqueue_indirect_dma source(%dma_start3A_90 : memref<1000000xf32, #tpu.memory_space<hbm>>) target(%dma_start3A_85 : memref<128xf32, #tpu.memory_space<vmem>>) offsets(%dma_start3A_88 : memref<128xi32, #tpu.memory_space<vmem>>) semaphore(%arg16 : memref<!tpu.dma_semaphore, #tpu.memory_space<semaphore_mem>>)
    %dma_start3A_91 = arith.constant 0 : i32
    %dma_start3A_92 = arith.constant 0 : i32
    %dma_start3A_93 = arith.constant 6 : i32
    %dma_start3A_94 = arith.constant 0 : i32
    %dma_start3A_95 = tpu.memref_slice %arg14[%dma_start3A_92, %dma_start3A_93, %dma_start3A_94] : memref<4x7x128xf32, #tpu.memory_space<vmem>> -> memref<1x1x128xf32, #tpu.memory_space<vmem>>
    %dma_start3A_96 = tpu.memref_squeeze %dma_start3A_95 : memref<1x1x128xf32, #tpu.memory_space<vmem>> -> memref<128xf32, #tpu.memory_space<vmem>>
    %dma_start3A_97 = arith.constant 0 : i32
    %dma_start3A_98 = tpu.memref_slice %arg12[%dma_start3A_91, %dma_start3A_97] : memref<4x128xi32, #tpu.memory_space<vmem>> -> memref<1x128xi32, #tpu.memory_space<vmem>>
    %dma_start3A_99 = tpu.memref_squeeze %dma_start3A_98 : memref<1x128xi32, #tpu.memory_space<vmem>> -> memref<128xi32, #tpu.memory_space<vmem>>
    %dma_start3A_100 = arith.constant 0 : i32
    %dma_start3A_101 = tpu.memref_slice %arg8[%dma_start3A_100] : memref<1000000xf32, #tpu.memory_space<hbm>> -> memref<1000000xf32, #tpu.memory_space<hbm>>
    tpu.enqueue_indirect_dma source(%dma_start3A_101 : memref<1000000xf32, #tpu.memory_space<hbm>>) target(%dma_start3A_96 : memref<128xf32, #tpu.memory_space<vmem>>) offsets(%dma_start3A_99 : memref<128xi32, #tpu.memory_space<vmem>>) semaphore(%arg16 : memref<!tpu.dma_semaphore, #tpu.memory_space<semaphore_mem>>)
    %dma_start3A_102 = arith.constant 1 : i32
    %dma_start3A_103 = arith.constant 1 : i32
    %dma_start3A_104 = arith.constant 0 : i32
    %dma_start3A_105 = arith.constant 0 : i32
    %dma_start3A_106 = tpu.memref_slice %arg14[%dma_start3A_103, %dma_start3A_104, %dma_start3A_105] : memref<4x7x128xf32, #tpu.memory_space<vmem>> -> memref<1x1x128xf32, #tpu.memory_space<vmem>>
    %dma_start3A_107 = tpu.memref_squeeze %dma_start3A_106 : memref<1x1x128xf32, #tpu.memory_space<vmem>> -> memref<128xf32, #tpu.memory_space<vmem>>
    %dma_start3A_108 = arith.constant 0 : i32
    %dma_start3A_109 = tpu.memref_slice %arg12[%dma_start3A_102, %dma_start3A_108] : memref<4x128xi32, #tpu.memory_space<vmem>> -> memref<1x128xi32, #tpu.memory_space<vmem>>
    %dma_start3A_110 = tpu.memref_squeeze %dma_start3A_109 : memref<1x128xi32, #tpu.memory_space<vmem>> -> memref<128xi32, #tpu.memory_space<vmem>>
    %dma_start3A_111 = arith.constant 0 : i32
    %dma_start3A_112 = tpu.memref_slice %arg2[%dma_start3A_111] : memref<1000000xf32, #tpu.memory_space<hbm>> -> memref<1000000xf32, #tpu.memory_space<hbm>>
    tpu.enqueue_indirect_dma source(%dma_start3A_112 : memref<1000000xf32, #tpu.memory_space<hbm>>) target(%dma_start3A_107 : memref<128xf32, #tpu.memory_space<vmem>>) offsets(%dma_start3A_110 : memref<128xi32, #tpu.memory_space<vmem>>) semaphore(%arg16 : memref<!tpu.dma_semaphore, #tpu.memory_space<semaphore_mem>>)
    %dma_start3A_113 = arith.constant 1 : i32
    %dma_start3A_114 = arith.constant 1 : i32
    %dma_start3A_115 = arith.constant 1 : i32
    %dma_start3A_116 = arith.constant 0 : i32
    %dma_start3A_117 = tpu.memref_slice %arg14[%dma_start3A_114, %dma_start3A_115, %dma_start3A_116] : memref<4x7x128xf32, #tpu.memory_space<vmem>> -> memref<1x1x128xf32, #tpu.memory_space<vmem>>
    %dma_start3A_118 = tpu.memref_squeeze %dma_start3A_117 : memref<1x1x128xf32, #tpu.memory_space<vmem>> -> memref<128xf32, #tpu.memory_space<vmem>>
    %dma_start3A_119 = arith.constant 0 : i32
    %dma_start3A_120 = tpu.memref_slice %arg12[%dma_start3A_113, %dma_start3A_119] : memref<4x128xi32, #tpu.memory_space<vmem>> -> memref<1x128xi32, #tpu.memory_space<vmem>>
    %dma_start3A_121 = tpu.memref_squeeze %dma_start3A_120 : memref<1x128xi32, #tpu.memory_space<vmem>> -> memref<128xi32, #tpu.memory_space<vmem>>
    %dma_start3A_122 = arith.constant 0 : i32
    %dma_start3A_123 = tpu.memref_slice %arg3[%dma_start3A_122] : memref<1000000xf32, #tpu.memory_space<hbm>> -> memref<1000000xf32, #tpu.memory_space<hbm>>
    tpu.enqueue_indirect_dma source(%dma_start3A_123 : memref<1000000xf32, #tpu.memory_space<hbm>>) target(%dma_start3A_118 : memref<128xf32, #tpu.memory_space<vmem>>) offsets(%dma_start3A_121 : memref<128xi32, #tpu.memory_space<vmem>>) semaphore(%arg16 : memref<!tpu.dma_semaphore, #tpu.memory_space<semaphore_mem>>)
    %dma_start3A_124 = arith.constant 1 : i32
    %dma_start3A_125 = arith.constant 1 : i32
    %dma_start3A_126 = arith.constant 2 : i32
    %dma_start3A_127 = arith.constant 0 : i32
    %dma_start3A_128 = tpu.memref_slice %arg14[%dma_start3A_125, %dma_start3A_126, %dma_start3A_127] : memref<4x7x128xf32, #tpu.memory_space<vmem>> -> memref<1x1x128xf32, #tpu.memory_space<vmem>>
    %dma_start3A_129 = tpu.memref_squeeze %dma_start3A_128 : memref<1x1x128xf32, #tpu.memory_space<vmem>> -> memref<128xf32, #tpu.memory_space<vmem>>
    %dma_start3A_130 = arith.constant 0 : i32
    %dma_start3A_131 = tpu.memref_slice %arg12[%dma_start3A_124, %dma_start3A_130] : memref<4x128xi32, #tpu.memory_space<vmem>> -> memref<1x128xi32, #tpu.memory_space<vmem>>
    %dma_start3A_132 = tpu.memref_squeeze %dma_start3A_131 : memref<1x128xi32, #tpu.memory_space<vmem>> -> memref<128xi32, #tpu.memory_space<vmem>>
    %dma_start3A_133 = arith.constant 0 : i32
    %dma_start3A_134 = tpu.memref_slice %arg4[%dma_start3A_133] : memref<1000000xf32, #tpu.memory_space<hbm>> -> memref<1000000xf32, #tpu.memory_space<hbm>>
    tpu.enqueue_indirect_dma source(%dma_start3A_134 : memref<1000000xf32, #tpu.memory_space<hbm>>) target(%dma_start3A_129 : memref<128xf32, #tpu.memory_space<vmem>>) offsets(%dma_start3A_132 : memref<128xi32, #tpu.memory_space<vmem>>) semaphore(%arg16 : memref<!tpu.dma_semaphore, #tpu.memory_space<semaphore_mem>>)
    %dma_start3A_135 = arith.constant 1 : i32
    %dma_start3A_136 = arith.constant 1 : i32
    %dma_start3A_137 = arith.constant 3 : i32
    %dma_start3A_138 = arith.constant 0 : i32
    %dma_start3A_139 = tpu.memref_slice %arg14[%dma_start3A_136, %dma_start3A_137, %dma_start3A_138] : memref<4x7x128xf32, #tpu.memory_space<vmem>> -> memref<1x1x128xf32, #tpu.memory_space<vmem>>
    %dma_start3A_140 = tpu.memref_squeeze %dma_start3A_139 : memref<1x1x128xf32, #tpu.memory_space<vmem>> -> memref<128xf32, #tpu.memory_space<vmem>>
    %dma_start3A_141 = arith.constant 0 : i32
    %dma_start3A_142 = tpu.memref_slice %arg12[%dma_start3A_135, %dma_start3A_141] : memref<4x128xi32, #tpu.memory_space<vmem>> -> memref<1x128xi32, #tpu.memory_space<vmem>>
    %dma_start3A_143 = tpu.memref_squeeze %dma_start3A_142 : memref<1x128xi32, #tpu.memory_space<vmem>> -> memref<128xi32, #tpu.memory_space<vmem>>
    %dma_start3A_144 = arith.constant 0 : i32
    %dma_start3A_145 = tpu.memref_slice %arg5[%dma_start3A_144] : memref<1000000xf32, #tpu.memory_space<hbm>> -> memref<1000000xf32, #tpu.memory_space<hbm>>
    tpu.enqueue_indirect_dma source(%dma_start3A_145 : memref<1000000xf32, #tpu.memory_space<hbm>>) target(%dma_start3A_140 : memref<128xf32, #tpu.memory_space<vmem>>) offsets(%dma_start3A_143 : memref<128xi32, #tpu.memory_space<vmem>>) semaphore(%arg16 : memref<!tpu.dma_semaphore, #tpu.memory_space<semaphore_mem>>)
    %dma_start3A_146 = arith.constant 1 : i32
    %dma_start3A_147 = arith.constant 1 : i32
    %dma_start3A_148 = arith.constant 4 : i32
    %dma_start3A_149 = arith.constant 0 : i32
    %dma_start3A_150 = tpu.memref_slice %arg14[%dma_start3A_147, %dma_start3A_148, %dma_start3A_149] : memref<4x7x128xf32, #tpu.memory_space<vmem>> -> memref<1x1x128xf32, #tpu.memory_space<vmem>>
    %dma_start3A_151 = tpu.memref_squeeze %dma_start3A_150 : memref<1x1x128xf32, #tpu.memory_space<vmem>> -> memref<128xf32, #tpu.memory_space<vmem>>
    %dma_start3A_152 = arith.constant 0 : i32
    %dma_start3A_153 = tpu.memref_slice %arg12[%dma_start3A_146, %dma_start3A_152] : memref<4x128xi32, #tpu.memory_space<vmem>> -> memref<1x128xi32, #tpu.memory_space<vmem>>
    %dma_start3A_154 = tpu.memref_squeeze %dma_start3A_153 : memref<1x128xi32, #tpu.memory_space<vmem>> -> memref<128xi32, #tpu.memory_space<vmem>>
    %dma_start3A_155 = arith.constant 0 : i32
    %dma_start3A_156 = tpu.memref_slice %arg6[%dma_start3A_155] : memref<1000000xf32, #tpu.memory_space<hbm>> -> memref<1000000xf32, #tpu.memory_space<hbm>>
    tpu.enqueue_indirect_dma source(%dma_start3A_156 : memref<1000000xf32, #tpu.memory_space<hbm>>) target(%dma_start3A_151 : memref<128xf32, #tpu.memory_space<vmem>>) offsets(%dma_start3A_154 : memref<128xi32, #tpu.memory_space<vmem>>) semaphore(%arg16 : memref<!tpu.dma_semaphore, #tpu.memory_space<semaphore_mem>>)
    %dma_start3A_157 = arith.constant 1 : i32
    %dma_start3A_158 = arith.constant 1 : i32
    %dma_start3A_159 = arith.constant 5 : i32
    %dma_start3A_160 = arith.constant 0 : i32
    %dma_start3A_161 = tpu.memref_slice %arg14[%dma_start3A_158, %dma_start3A_159, %dma_start3A_160] : memref<4x7x128xf32, #tpu.memory_space<vmem>> -> memref<1x1x128xf32, #tpu.memory_space<vmem>>
    %dma_start3A_162 = tpu.memref_squeeze %dma_start3A_161 : memref<1x1x128xf32, #tpu.memory_space<vmem>> -> memref<128xf32, #tpu.memory_space<vmem>>
    %dma_start3A_163 = arith.constant 0 : i32
    %dma_start3A_164 = tpu.memref_slice %arg12[%dma_start3A_157, %dma_start3A_163] : memref<4x128xi32, #tpu.memory_space<vmem>> -> memref<1x128xi32, #tpu.memory_space<vmem>>
    %dma_start3A_165 = tpu.memref_squeeze %dma_start3A_164 : memref<1x128xi32, #tpu.memory_space<vmem>> -> memref<128xi32, #tpu.memory_space<vmem>>
    %dma_start3A_166 = arith.constant 0 : i32
    %dma_start3A_167 = tpu.memref_slice %arg7[%dma_start3A_166] : memref<1000000xf32, #tpu.memory_space<hbm>> -> memref<1000000xf32, #tpu.memory_space<hbm>>
    tpu.enqueue_indirect_dma source(%dma_start3A_167 : memref<1000000xf32, #tpu.memory_space<hbm>>) target(%dma_start3A_162 : memref<128xf32, #tpu.memory_space<vmem>>) offsets(%dma_start3A_165 : memref<128xi32, #tpu.memory_space<vmem>>) semaphore(%arg16 : memref<!tpu.dma_semaphore, #tpu.memory_space<semaphore_mem>>)
    %dma_start3A_168 = arith.constant 1 : i32
    %dma_start3A_169 = arith.constant 1 : i32
    %dma_start3A_170 = arith.constant 6 : i32
    %dma_start3A_171 = arith.constant 0 : i32
    %dma_start3A_172 = tpu.memref_slice %arg14[%dma_start3A_169, %dma_start3A_170, %dma_start3A_171] : memref<4x7x128xf32, #tpu.memory_space<vmem>> -> memref<1x1x128xf32, #tpu.memory_space<vmem>>
    %dma_start3A_173 = tpu.memref_squeeze %dma_start3A_172 : memref<1x1x128xf32, #tpu.memory_space<vmem>> -> memref<128xf32, #tpu.memory_space<vmem>>
    %dma_start3A_174 = arith.constant 0 : i32
    %dma_start3A_175 = tpu.memref_slice %arg12[%dma_start3A_168, %dma_start3A_174] : memref<4x128xi32, #tpu.memory_space<vmem>> -> memref<1x128xi32, #tpu.memory_space<vmem>>
    %dma_start3A_176 = tpu.memref_squeeze %dma_start3A_175 : memref<1x128xi32, #tpu.memory_space<vmem>> -> memref<128xi32, #tpu.memory_space<vmem>>
    %dma_start3A_177 = arith.constant 0 : i32
    %dma_start3A_178 = tpu.memref_slice %arg8[%dma_start3A_177] : memref<1000000xf32, #tpu.memory_space<hbm>> -> memref<1000000xf32, #tpu.memory_space<hbm>>
    tpu.enqueue_indirect_dma source(%dma_start3A_178 : memref<1000000xf32, #tpu.memory_space<hbm>>) target(%dma_start3A_173 : memref<128xf32, #tpu.memory_space<vmem>>) offsets(%dma_start3A_176 : memref<128xi32, #tpu.memory_space<vmem>>) semaphore(%arg16 : memref<!tpu.dma_semaphore, #tpu.memory_space<semaphore_mem>>)
    %dma_start3A_179 = arith.constant 2 : i32
    %dma_start3A_180 = arith.constant 2 : i32
    %dma_start3A_181 = arith.constant 0 : i32
    %dma_start3A_182 = arith.constant 0 : i32
    %dma_start3A_183 = tpu.memref_slice %arg14[%dma_start3A_180, %dma_start3A_181, %dma_start3A_182] : memref<4x7x128xf32, #tpu.memory_space<vmem>> -> memref<1x1x128xf32, #tpu.memory_space<vmem>>
    %dma_start3A_184 = tpu.memref_squeeze %dma_start3A_183 : memref<1x1x128xf32, #tpu.memory_space<vmem>> -> memref<128xf32, #tpu.memory_space<vmem>>
    %dma_start3A_185 = arith.constant 0 : i32
    %dma_start3A_186 = tpu.memref_slice %arg12[%dma_start3A_179, %dma_start3A_185] : memref<4x128xi32, #tpu.memory_space<vmem>> -> memref<1x128xi32, #tpu.memory_space<vmem>>
    %dma_start3A_187 = tpu.memref_squeeze %dma_start3A_186 : memref<1x128xi32, #tpu.memory_space<vmem>> -> memref<128xi32, #tpu.memory_space<vmem>>
    %dma_start3A_188 = arith.constant 0 : i32
    %dma_start3A_189 = tpu.memref_slice %arg2[%dma_start3A_188] : memref<1000000xf32, #tpu.memory_space<hbm>> -> memref<1000000xf32, #tpu.memory_space<hbm>>
    tpu.enqueue_indirect_dma source(%dma_start3A_189 : memref<1000000xf32, #tpu.memory_space<hbm>>) target(%dma_start3A_184 : memref<128xf32, #tpu.memory_space<vmem>>) offsets(%dma_start3A_187 : memref<128xi32, #tpu.memory_space<vmem>>) semaphore(%arg16 : memref<!tpu.dma_semaphore, #tpu.memory_space<semaphore_mem>>)
    %dma_start3A_190 = arith.constant 2 : i32
    %dma_start3A_191 = arith.constant 2 : i32
    %dma_start3A_192 = arith.constant 1 : i32
    %dma_start3A_193 = arith.constant 0 : i32
    %dma_start3A_194 = tpu.memref_slice %arg14[%dma_start3A_191, %dma_start3A_192, %dma_start3A_193] : memref<4x7x128xf32, #tpu.memory_space<vmem>> -> memref<1x1x128xf32, #tpu.memory_space<vmem>>
    %dma_start3A_195 = tpu.memref_squeeze %dma_start3A_194 : memref<1x1x128xf32, #tpu.memory_space<vmem>> -> memref<128xf32, #tpu.memory_space<vmem>>
    %dma_start3A_196 = arith.constant 0 : i32
    %dma_start3A_197 = tpu.memref_slice %arg12[%dma_start3A_190, %dma_start3A_196] : memref<4x128xi32, #tpu.memory_space<vmem>> -> memref<1x128xi32, #tpu.memory_space<vmem>>
    %dma_start3A_198 = tpu.memref_squeeze %dma_start3A_197 : memref<1x128xi32, #tpu.memory_space<vmem>> -> memref<128xi32, #tpu.memory_space<vmem>>
    %dma_start3A_199 = arith.constant 0 : i32
    %dma_start3A_200 = tpu.memref_slice %arg3[%dma_start3A_199] : memref<1000000xf32, #tpu.memory_space<hbm>> -> memref<1000000xf32, #tpu.memory_space<hbm>>
    tpu.enqueue_indirect_dma source(%dma_start3A_200 : memref<1000000xf32, #tpu.memory_space<hbm>>) target(%dma_start3A_195 : memref<128xf32, #tpu.memory_space<vmem>>) offsets(%dma_start3A_198 : memref<128xi32, #tpu.memory_space<vmem>>) semaphore(%arg16 : memref<!tpu.dma_semaphore, #tpu.memory_space<semaphore_mem>>)
    %dma_start3A_201 = arith.constant 2 : i32
    %dma_start3A_202 = arith.constant 2 : i32
    %dma_start3A_203 = arith.constant 2 : i32
    %dma_start3A_204 = arith.constant 0 : i32
    %dma_start3A_205 = tpu.memref_slice %arg14[%dma_start3A_202, %dma_start3A_203, %dma_start3A_204] : memref<4x7x128xf32, #tpu.memory_space<vmem>> -> memref<1x1x128xf32, #tpu.memory_space<vmem>>
    %dma_start3A_206 = tpu.memref_squeeze %dma_start3A_205 : memref<1x1x128xf32, #tpu.memory_space<vmem>> -> memref<128xf32, #tpu.memory_space<vmem>>
    %dma_start3A_207 = arith.constant 0 : i32
    %dma_start3A_208 = tpu.memref_slice %arg12[%dma_start3A_201, %dma_start3A_207] : memref<4x128xi32, #tpu.memory_space<vmem>> -> memref<1x128xi32, #tpu.memory_space<vmem>>
    %dma_start3A_209 = tpu.memref_squeeze %dma_start3A_208 : memref<1x128xi32, #tpu.memory_space<vmem>> -> memref<128xi32, #tpu.memory_space<vmem>>
    %dma_start3A_210 = arith.constant 0 : i32
    %dma_start3A_211 = tpu.memref_slice %arg4[%dma_start3A_210] : memref<1000000xf32, #tpu.memory_space<hbm>> -> memref<1000000xf32, #tpu.memory_space<hbm>>
    tpu.enqueue_indirect_dma source(%dma_start3A_211 : memref<1000000xf32, #tpu.memory_space<hbm>>) target(%dma_start3A_206 : memref<128xf32, #tpu.memory_space<vmem>>) offsets(%dma_start3A_209 : memref<128xi32, #tpu.memory_space<vmem>>) semaphore(%arg16 : memref<!tpu.dma_semaphore, #tpu.memory_space<semaphore_mem>>)
    %dma_start3A_212 = arith.constant 2 : i32
    %dma_start3A_213 = arith.constant 2 : i32
    %dma_start3A_214 = arith.constant 3 : i32
    %dma_start3A_215 = arith.constant 0 : i32
    %dma_start3A_216 = tpu.memref_slice %arg14[%dma_start3A_213, %dma_start3A_214, %dma_start3A_215] : memref<4x7x128xf32, #tpu.memory_space<vmem>> -> memref<1x1x128xf32, #tpu.memory_space<vmem>>
    %dma_start3A_217 = tpu.memref_squeeze %dma_start3A_216 : memref<1x1x128xf32, #tpu.memory_space<vmem>> -> memref<128xf32, #tpu.memory_space<vmem>>
    %dma_start3A_218 = arith.constant 0 : i32
    %dma_start3A_219 = tpu.memref_slice %arg12[%dma_start3A_212, %dma_start3A_218] : memref<4x128xi32, #tpu.memory_space<vmem>> -> memref<1x128xi32, #tpu.memory_space<vmem>>
    %dma_start3A_220 = tpu.memref_squeeze %dma_start3A_219 : memref<1x128xi32, #tpu.memory_space<vmem>> -> memref<128xi32, #tpu.memory_space<vmem>>
    %dma_start3A_221 = arith.constant 0 : i32
    %dma_start3A_222 = tpu.memref_slice %arg5[%dma_start3A_221] : memref<1000000xf32, #tpu.memory_space<hbm>> -> memref<1000000xf32, #tpu.memory_space<hbm>>
    tpu.enqueue_indirect_dma source(%dma_start3A_222 : memref<1000000xf32, #tpu.memory_space<hbm>>) target(%dma_start3A_217 : memref<128xf32, #tpu.memory_space<vmem>>) offsets(%dma_start3A_220 : memref<128xi32, #tpu.memory_space<vmem>>) semaphore(%arg16 : memref<!tpu.dma_semaphore, #tpu.memory_space<semaphore_mem>>)
    %dma_start3A_223 = arith.constant 2 : i32
    %dma_start3A_224 = arith.constant 2 : i32
    %dma_start3A_225 = arith.constant 4 : i32
    %dma_start3A_226 = arith.constant 0 : i32
    %dma_start3A_227 = tpu.memref_slice %arg14[%dma_start3A_224, %dma_start3A_225, %dma_start3A_226] : memref<4x7x128xf32, #tpu.memory_space<vmem>> -> memref<1x1x128xf32, #tpu.memory_space<vmem>>
    %dma_start3A_228 = tpu.memref_squeeze %dma_start3A_227 : memref<1x1x128xf32, #tpu.memory_space<vmem>> -> memref<128xf32, #tpu.memory_space<vmem>>
    %dma_start3A_229 = arith.constant 0 : i32
    %dma_start3A_230 = tpu.memref_slice %arg12[%dma_start3A_223, %dma_start3A_229] : memref<4x128xi32, #tpu.memory_space<vmem>> -> memref<1x128xi32, #tpu.memory_space<vmem>>
    %dma_start3A_231 = tpu.memref_squeeze %dma_start3A_230 : memref<1x128xi32, #tpu.memory_space<vmem>> -> memref<128xi32, #tpu.memory_space<vmem>>
    %dma_start3A_232 = arith.constant 0 : i32
    %dma_start3A_233 = tpu.memref_slice %arg6[%dma_start3A_232] : memref<1000000xf32, #tpu.memory_space<hbm>> -> memref<1000000xf32, #tpu.memory_space<hbm>>
    tpu.enqueue_indirect_dma source(%dma_start3A_233 : memref<1000000xf32, #tpu.memory_space<hbm>>) target(%dma_start3A_228 : memref<128xf32, #tpu.memory_space<vmem>>) offsets(%dma_start3A_231 : memref<128xi32, #tpu.memory_space<vmem>>) semaphore(%arg16 : memref<!tpu.dma_semaphore, #tpu.memory_space<semaphore_mem>>)
    %dma_start3A_234 = arith.constant 2 : i32
    %dma_start3A_235 = arith.constant 2 : i32
    %dma_start3A_236 = arith.constant 5 : i32
    %dma_start3A_237 = arith.constant 0 : i32
    %dma_start3A_238 = tpu.memref_slice %arg14[%dma_start3A_235, %dma_start3A_236, %dma_start3A_237] : memref<4x7x128xf32, #tpu.memory_space<vmem>> -> memref<1x1x128xf32, #tpu.memory_space<vmem>>
    %dma_start3A_239 = tpu.memref_squeeze %dma_start3A_238 : memref<1x1x128xf32, #tpu.memory_space<vmem>> -> memref<128xf32, #tpu.memory_space<vmem>>
    %dma_start3A_240 = arith.constant 0 : i32
    %dma_start3A_241 = tpu.memref_slice %arg12[%dma_start3A_234, %dma_start3A_240] : memref<4x128xi32, #tpu.memory_space<vmem>> -> memref<1x128xi32, #tpu.memory_space<vmem>>
    %dma_start3A_242 = tpu.memref_squeeze %dma_start3A_241 : memref<1x128xi32, #tpu.memory_space<vmem>> -> memref<128xi32, #tpu.memory_space<vmem>>
    %dma_start3A_243 = arith.constant 0 : i32
    %dma_start3A_244 = tpu.memref_slice %arg7[%dma_start3A_243] : memref<1000000xf32, #tpu.memory_space<hbm>> -> memref<1000000xf32, #tpu.memory_space<hbm>>
    tpu.enqueue_indirect_dma source(%dma_start3A_244 : memref<1000000xf32, #tpu.memory_space<hbm>>) target(%dma_start3A_239 : memref<128xf32, #tpu.memory_space<vmem>>) offsets(%dma_start3A_242 : memref<128xi32, #tpu.memory_space<vmem>>) semaphore(%arg16 : memref<!tpu.dma_semaphore, #tpu.memory_space<semaphore_mem>>)
    %dma_start3A_245 = arith.constant 2 : i32
    %dma_start3A_246 = arith.constant 2 : i32
    %dma_start3A_247 = arith.constant 6 : i32
    %dma_start3A_248 = arith.constant 0 : i32
    %dma_start3A_249 = tpu.memref_slice %arg14[%dma_start3A_246, %dma_start3A_247, %dma_start3A_248] : memref<4x7x128xf32, #tpu.memory_space<vmem>> -> memref<1x1x128xf32, #tpu.memory_space<vmem>>
    %dma_start3A_250 = tpu.memref_squeeze %dma_start3A_249 : memref<1x1x128xf32, #tpu.memory_space<vmem>> -> memref<128xf32, #tpu.memory_space<vmem>>
    %dma_start3A_251 = arith.constant 0 : i32
    %dma_start3A_252 = tpu.memref_slice %arg12[%dma_start3A_245, %dma_start3A_251] : memref<4x128xi32, #tpu.memory_space<vmem>> -> memref<1x128xi32, #tpu.memory_space<vmem>>
    %dma_start3A_253 = tpu.memref_squeeze %dma_start3A_252 : memref<1x128xi32, #tpu.memory_space<vmem>> -> memref<128xi32, #tpu.memory_space<vmem>>
    %dma_start3A_254 = arith.constant 0 : i32
    %dma_start3A_255 = tpu.memref_slice %arg8[%dma_start3A_254] : memref<1000000xf32, #tpu.memory_space<hbm>> -> memref<1000000xf32, #tpu.memory_space<hbm>>
    tpu.enqueue_indirect_dma source(%dma_start3A_255 : memref<1000000xf32, #tpu.memory_space<hbm>>) target(%dma_start3A_250 : memref<128xf32, #tpu.memory_space<vmem>>) offsets(%dma_start3A_253 : memref<128xi32, #tpu.memory_space<vmem>>) semaphore(%arg16 : memref<!tpu.dma_semaphore, #tpu.memory_space<semaphore_mem>>)
    %dma_start3A_256 = arith.constant 3 : i32
    %dma_start3A_257 = arith.constant 3 : i32
    %dma_start3A_258 = arith.constant 0 : i32
    %dma_start3A_259 = arith.constant 0 : i32
    %dma_start3A_260 = tpu.memref_slice %arg14[%dma_start3A_257, %dma_start3A_258, %dma_start3A_259] : memref<4x7x128xf32, #tpu.memory_space<vmem>> -> memref<1x1x128xf32, #tpu.memory_space<vmem>>
    %dma_start3A_261 = tpu.memref_squeeze %dma_start3A_260 : memref<1x1x128xf32, #tpu.memory_space<vmem>> -> memref<128xf32, #tpu.memory_space<vmem>>
    %dma_start3A_262 = arith.constant 0 : i32
    %dma_start3A_263 = tpu.memref_slice %arg12[%dma_start3A_256, %dma_start3A_262] : memref<4x128xi32, #tpu.memory_space<vmem>> -> memref<1x128xi32, #tpu.memory_space<vmem>>
    %dma_start3A_264 = tpu.memref_squeeze %dma_start3A_263 : memref<1x128xi32, #tpu.memory_space<vmem>> -> memref<128xi32, #tpu.memory_space<vmem>>
    %dma_start3A_265 = arith.constant 0 : i32
    %dma_start3A_266 = tpu.memref_slice %arg2[%dma_start3A_265] : memref<1000000xf32, #tpu.memory_space<hbm>> -> memref<1000000xf32, #tpu.memory_space<hbm>>
    tpu.enqueue_indirect_dma source(%dma_start3A_266 : memref<1000000xf32, #tpu.memory_space<hbm>>) target(%dma_start3A_261 : memref<128xf32, #tpu.memory_space<vmem>>) offsets(%dma_start3A_264 : memref<128xi32, #tpu.memory_space<vmem>>) semaphore(%arg16 : memref<!tpu.dma_semaphore, #tpu.memory_space<semaphore_mem>>)
    %dma_start3A_267 = arith.constant 3 : i32
    %dma_start3A_268 = arith.constant 3 : i32
    %dma_start3A_269 = arith.constant 1 : i32
    %dma_start3A_270 = arith.constant 0 : i32
    %dma_start3A_271 = tpu.memref_slice %arg14[%dma_start3A_268, %dma_start3A_269, %dma_start3A_270] : memref<4x7x128xf32, #tpu.memory_space<vmem>> -> memref<1x1x128xf32, #tpu.memory_space<vmem>>
    %dma_start3A_272 = tpu.memref_squeeze %dma_start3A_271 : memref<1x1x128xf32, #tpu.memory_space<vmem>> -> memref<128xf32, #tpu.memory_space<vmem>>
    %dma_start3A_273 = arith.constant 0 : i32
    %dma_start3A_274 = tpu.memref_slice %arg12[%dma_start3A_267, %dma_start3A_273] : memref<4x128xi32, #tpu.memory_space<vmem>> -> memref<1x128xi32, #tpu.memory_space<vmem>>
    %dma_start3A_275 = tpu.memref_squeeze %dma_start3A_274 : memref<1x128xi32, #tpu.memory_space<vmem>> -> memref<128xi32, #tpu.memory_space<vmem>>
    %dma_start3A_276 = arith.constant 0 : i32
    %dma_start3A_277 = tpu.memref_slice %arg3[%dma_start3A_276] : memref<1000000xf32, #tpu.memory_space<hbm>> -> memref<1000000xf32, #tpu.memory_space<hbm>>
    tpu.enqueue_indirect_dma source(%dma_start3A_277 : memref<1000000xf32, #tpu.memory_space<hbm>>) target(%dma_start3A_272 : memref<128xf32, #tpu.memory_space<vmem>>) offsets(%dma_start3A_275 : memref<128xi32, #tpu.memory_space<vmem>>) semaphore(%arg16 : memref<!tpu.dma_semaphore, #tpu.memory_space<semaphore_mem>>)
    %dma_start3A_278 = arith.constant 3 : i32
    %dma_start3A_279 = arith.constant 3 : i32
    %dma_start3A_280 = arith.constant 2 : i32
    %dma_start3A_281 = arith.constant 0 : i32
    %dma_start3A_282 = tpu.memref_slice %arg14[%dma_start3A_279, %dma_start3A_280, %dma_start3A_281] : memref<4x7x128xf32, #tpu.memory_space<vmem>> -> memref<1x1x128xf32, #tpu.memory_space<vmem>>
    %dma_start3A_283 = tpu.memref_squeeze %dma_start3A_282 : memref<1x1x128xf32, #tpu.memory_space<vmem>> -> memref<128xf32, #tpu.memory_space<vmem>>
    %dma_start3A_284 = arith.constant 0 : i32
    %dma_start3A_285 = tpu.memref_slice %arg12[%dma_start3A_278, %dma_start3A_284] : memref<4x128xi32, #tpu.memory_space<vmem>> -> memref<1x128xi32, #tpu.memory_space<vmem>>
    %dma_start3A_286 = tpu.memref_squeeze %dma_start3A_285 : memref<1x128xi32, #tpu.memory_space<vmem>> -> memref<128xi32, #tpu.memory_space<vmem>>
    %dma_start3A_287 = arith.constant 0 : i32
    %dma_start3A_288 = tpu.memref_slice %arg4[%dma_start3A_287] : memref<1000000xf32, #tpu.memory_space<hbm>> -> memref<1000000xf32, #tpu.memory_space<hbm>>
    tpu.enqueue_indirect_dma source(%dma_start3A_288 : memref<1000000xf32, #tpu.memory_space<hbm>>) target(%dma_start3A_283 : memref<128xf32, #tpu.memory_space<vmem>>) offsets(%dma_start3A_286 : memref<128xi32, #tpu.memory_space<vmem>>) semaphore(%arg16 : memref<!tpu.dma_semaphore, #tpu.memory_space<semaphore_mem>>)
    %dma_start3A_289 = arith.constant 3 : i32
    %dma_start3A_290 = arith.constant 3 : i32
    %dma_start3A_291 = arith.constant 3 : i32
    %dma_start3A_292 = arith.constant 0 : i32
    %dma_start3A_293 = tpu.memref_slice %arg14[%dma_start3A_290, %dma_start3A_291, %dma_start3A_292] : memref<4x7x128xf32, #tpu.memory_space<vmem>> -> memref<1x1x128xf32, #tpu.memory_space<vmem>>
    %dma_start3A_294 = tpu.memref_squeeze %dma_start3A_293 : memref<1x1x128xf32, #tpu.memory_space<vmem>> -> memref<128xf32, #tpu.memory_space<vmem>>
    %dma_start3A_295 = arith.constant 0 : i32
    %dma_start3A_296 = tpu.memref_slice %arg12[%dma_start3A_289, %dma_start3A_295] : memref<4x128xi32, #tpu.memory_space<vmem>> -> memref<1x128xi32, #tpu.memory_space<vmem>>
    %dma_start3A_297 = tpu.memref_squeeze %dma_start3A_296 : memref<1x128xi32, #tpu.memory_space<vmem>> -> memref<128xi32, #tpu.memory_space<vmem>>
    %dma_start3A_298 = arith.constant 0 : i32
    %dma_start3A_299 = tpu.memref_slice %arg5[%dma_start3A_298] : memref<1000000xf32, #tpu.memory_space<hbm>> -> memref<1000000xf32, #tpu.memory_space<hbm>>
    tpu.enqueue_indirect_dma source(%dma_start3A_299 : memref<1000000xf32, #tpu.memory_space<hbm>>) target(%dma_start3A_294 : memref<128xf32, #tpu.memory_space<vmem>>) offsets(%dma_start3A_297 : memref<128xi32, #tpu.memory_space<vmem>>) semaphore(%arg16 : memref<!tpu.dma_semaphore, #tpu.memory_space<semaphore_mem>>)
    %dma_start3A_300 = arith.constant 3 : i32
    %dma_start3A_301 = arith.constant 3 : i32
    %dma_start3A_302 = arith.constant 4 : i32
    %dma_start3A_303 = arith.constant 0 : i32
    %dma_start3A_304 = tpu.memref_slice %arg14[%dma_start3A_301, %dma_start3A_302, %dma_start3A_303] : memref<4x7x128xf32, #tpu.memory_space<vmem>> -> memref<1x1x128xf32, #tpu.memory_space<vmem>>
    %dma_start3A_305 = tpu.memref_squeeze %dma_start3A_304 : memref<1x1x128xf32, #tpu.memory_space<vmem>> -> memref<128xf32, #tpu.memory_space<vmem>>
    %dma_start3A_306 = arith.constant 0 : i32
    %dma_start3A_307 = tpu.memref_slice %arg12[%dma_start3A_300, %dma_start3A_306] : memref<4x128xi32, #tpu.memory_space<vmem>> -> memref<1x128xi32, #tpu.memory_space<vmem>>
    %dma_start3A_308 = tpu.memref_squeeze %dma_start3A_307 : memref<1x128xi32, #tpu.memory_space<vmem>> -> memref<128xi32, #tpu.memory_space<vmem>>
    %dma_start3A_309 = arith.constant 0 : i32
    %dma_start3A_310 = tpu.memref_slice %arg6[%dma_start3A_309] : memref<1000000xf32, #tpu.memory_space<hbm>> -> memref<1000000xf32, #tpu.memory_space<hbm>>
    tpu.enqueue_indirect_dma source(%dma_start3A_310 : memref<1000000xf32, #tpu.memory_space<hbm>>) target(%dma_start3A_305 : memref<128xf32, #tpu.memory_space<vmem>>) offsets(%dma_start3A_308 : memref<128xi32, #tpu.memory_space<vmem>>) semaphore(%arg16 : memref<!tpu.dma_semaphore, #tpu.memory_space<semaphore_mem>>)
    %dma_start3A_311 = arith.constant 3 : i32
    %dma_start3A_312 = arith.constant 3 : i32
    %dma_start3A_313 = arith.constant 5 : i32
    %dma_start3A_314 = arith.constant 0 : i32
    %dma_start3A_315 = tpu.memref_slice %arg14[%dma_start3A_312, %dma_start3A_313, %dma_start3A_314] : memref<4x7x128xf32, #tpu.memory_space<vmem>> -> memref<1x1x128xf32, #tpu.memory_space<vmem>>
    %dma_start3A_316 = tpu.memref_squeeze %dma_start3A_315 : memref<1x1x128xf32, #tpu.memory_space<vmem>> -> memref<128xf32, #tpu.memory_space<vmem>>
    %dma_start3A_317 = arith.constant 0 : i32
    %dma_start3A_318 = tpu.memref_slice %arg12[%dma_start3A_311, %dma_start3A_317] : memref<4x128xi32, #tpu.memory_space<vmem>> -> memref<1x128xi32, #tpu.memory_space<vmem>>
    %dma_start3A_319 = tpu.memref_squeeze %dma_start3A_318 : memref<1x128xi32, #tpu.memory_space<vmem>> -> memref<128xi32, #tpu.memory_space<vmem>>
    %dma_start3A_320 = arith.constant 0 : i32
    %dma_start3A_321 = tpu.memref_slice %arg7[%dma_start3A_320] : memref<1000000xf32, #tpu.memory_space<hbm>> -> memref<1000000xf32, #tpu.memory_space<hbm>>
    tpu.enqueue_indirect_dma source(%dma_start3A_321 : memref<1000000xf32, #tpu.memory_space<hbm>>) target(%dma_start3A_316 : memref<128xf32, #tpu.memory_space<vmem>>) offsets(%dma_start3A_319 : memref<128xi32, #tpu.memory_space<vmem>>) semaphore(%arg16 : memref<!tpu.dma_semaphore, #tpu.memory_space<semaphore_mem>>)
    %dma_start3A_322 = arith.constant 3 : i32
    %dma_start3A_323 = arith.constant 3 : i32
    %dma_start3A_324 = arith.constant 6 : i32
    %dma_start3A_325 = arith.constant 0 : i32
    %dma_start3A_326 = tpu.memref_slice %arg14[%dma_start3A_323, %dma_start3A_324, %dma_start3A_325] : memref<4x7x128xf32, #tpu.memory_space<vmem>> -> memref<1x1x128xf32, #tpu.memory_space<vmem>>
    %dma_start3A_327 = tpu.memref_squeeze %dma_start3A_326 : memref<1x1x128xf32, #tpu.memory_space<vmem>> -> memref<128xf32, #tpu.memory_space<vmem>>
    %dma_start3A_328 = arith.constant 0 : i32
    %dma_start3A_329 = tpu.memref_slice %arg12[%dma_start3A_322, %dma_start3A_328] : memref<4x128xi32, #tpu.memory_space<vmem>> -> memref<1x128xi32, #tpu.memory_space<vmem>>
    %dma_start3A_330 = tpu.memref_squeeze %dma_start3A_329 : memref<1x128xi32, #tpu.memory_space<vmem>> -> memref<128xi32, #tpu.memory_space<vmem>>
    %dma_start3A_331 = arith.constant 0 : i32
    %dma_start3A_332 = tpu.memref_slice %arg8[%dma_start3A_331] : memref<1000000xf32, #tpu.memory_space<hbm>> -> memref<1000000xf32, #tpu.memory_space<hbm>>
    tpu.enqueue_indirect_dma source(%dma_start3A_332 : memref<1000000xf32, #tpu.memory_space<hbm>>) target(%dma_start3A_327 : memref<128xf32, #tpu.memory_space<vmem>>) offsets(%dma_start3A_330 : memref<128xi32, #tpu.memory_space<vmem>>) semaphore(%arg16 : memref<!tpu.dma_semaphore, #tpu.memory_space<semaphore_mem>>)
    %dma_wait3A = arith.constant 0 : i32
    %dma_wait3A_333 = arith.constant 0 : i32
    %dma_wait3A_334 = arith.constant 0 : i32
    %dma_wait3A_335 = arith.constant 0 : i32
    %dma_wait3A_336 = tpu.memref_slice %arg14[%dma_wait3A_333, %dma_wait3A_334, %dma_wait3A_335] : memref<4x7x128xf32, #tpu.memory_space<vmem>> -> memref<1x1x128xf32, #tpu.memory_space<vmem>>
    %dma_wait3A_337 = tpu.memref_squeeze %dma_wait3A_336 : memref<1x1x128xf32, #tpu.memory_space<vmem>> -> memref<128xf32, #tpu.memory_space<vmem>>
    %dma_wait3A_338 = arith.constant 0 : i32
    %dma_wait3A_339 = tpu.memref_slice %arg12[%dma_wait3A, %dma_wait3A_338] : memref<4x128xi32, #tpu.memory_space<vmem>> -> memref<1x128xi32, #tpu.memory_space<vmem>>
    %dma_wait3A_340 = tpu.memref_squeeze %dma_wait3A_339 : memref<1x128xi32, #tpu.memory_space<vmem>> -> memref<128xi32, #tpu.memory_space<vmem>>
    %dma_wait3A_341 = arith.constant 0 : i32
    %dma_wait3A_342 = tpu.memref_slice %arg2[%dma_wait3A_341] : memref<1000000xf32, #tpu.memory_space<hbm>> -> memref<1000000xf32, #tpu.memory_space<hbm>>
    tpu.wait_indirect_dma semaphore(%arg16 : memref<!tpu.dma_semaphore, #tpu.memory_space<semaphore_mem>>) src(%dma_wait3A_342 : memref<1000000xf32, #tpu.memory_space<hbm>>) dst(%dma_wait3A_337 : memref<128xf32, #tpu.memory_space<vmem>>)
    %dma_wait3A_343 = arith.constant 0 : i32
    %dma_wait3A_344 = arith.constant 0 : i32
    %dma_wait3A_345 = arith.constant 1 : i32
    %dma_wait3A_346 = arith.constant 0 : i32
    %dma_wait3A_347 = tpu.memref_slice %arg14[%dma_wait3A_344, %dma_wait3A_345, %dma_wait3A_346] : memref<4x7x128xf32, #tpu.memory_space<vmem>> -> memref<1x1x128xf32, #tpu.memory_space<vmem>>
    %dma_wait3A_348 = tpu.memref_squeeze %dma_wait3A_347 : memref<1x1x128xf32, #tpu.memory_space<vmem>> -> memref<128xf32, #tpu.memory_space<vmem>>
    %dma_wait3A_349 = arith.constant 0 : i32
    %dma_wait3A_350 = tpu.memref_slice %arg12[%dma_wait3A_343, %dma_wait3A_349] : memref<4x128xi32, #tpu.memory_space<vmem>> -> memref<1x128xi32, #tpu.memory_space<vmem>>
    %dma_wait3A_351 = tpu.memref_squeeze %dma_wait3A_350 : memref<1x128xi32, #tpu.memory_space<vmem>> -> memref<128xi32, #tpu.memory_space<vmem>>
    %dma_wait3A_352 = arith.constant 0 : i32
    %dma_wait3A_353 = tpu.memref_slice %arg3[%dma_wait3A_352] : memref<1000000xf32, #tpu.memory_space<hbm>> -> memref<1000000xf32, #tpu.memory_space<hbm>>
    tpu.wait_indirect_dma semaphore(%arg16 : memref<!tpu.dma_semaphore, #tpu.memory_space<semaphore_mem>>) src(%dma_wait3A_353 : memref<1000000xf32, #tpu.memory_space<hbm>>) dst(%dma_wait3A_348 : memref<128xf32, #tpu.memory_space<vmem>>)
    %dma_wait3A_354 = arith.constant 0 : i32
    %dma_wait3A_355 = arith.constant 0 : i32
    %dma_wait3A_356 = arith.constant 2 : i32
    %dma_wait3A_357 = arith.constant 0 : i32
    %dma_wait3A_358 = tpu.memref_slice %arg14[%dma_wait3A_355, %dma_wait3A_356, %dma_wait3A_357] : memref<4x7x128xf32, #tpu.memory_space<vmem>> -> memref<1x1x128xf32, #tpu.memory_space<vmem>>
    %dma_wait3A_359 = tpu.memref_squeeze %dma_wait3A_358 : memref<1x1x128xf32, #tpu.memory_space<vmem>> -> memref<128xf32, #tpu.memory_space<vmem>>
    %dma_wait3A_360 = arith.constant 0 : i32
    %dma_wait3A_361 = tpu.memref_slice %arg12[%dma_wait3A_354, %dma_wait3A_360] : memref<4x128xi32, #tpu.memory_space<vmem>> -> memref<1x128xi32, #tpu.memory_space<vmem>>
    %dma_wait3A_362 = tpu.memref_squeeze %dma_wait3A_361 : memref<1x128xi32, #tpu.memory_space<vmem>> -> memref<128xi32, #tpu.memory_space<vmem>>
    %dma_wait3A_363 = arith.constant 0 : i32
    %dma_wait3A_364 = tpu.memref_slice %arg4[%dma_wait3A_363] : memref<1000000xf32, #tpu.memory_space<hbm>> -> memref<1000000xf32, #tpu.memory_space<hbm>>
    tpu.wait_indirect_dma semaphore(%arg16 : memref<!tpu.dma_semaphore, #tpu.memory_space<semaphore_mem>>) src(%dma_wait3A_364 : memref<1000000xf32, #tpu.memory_space<hbm>>) dst(%dma_wait3A_359 : memref<128xf32, #tpu.memory_space<vmem>>)
    %dma_wait3A_365 = arith.constant 0 : i32
    %dma_wait3A_366 = arith.constant 0 : i32
    %dma_wait3A_367 = arith.constant 3 : i32
    %dma_wait3A_368 = arith.constant 0 : i32
    %dma_wait3A_369 = tpu.memref_slice %arg14[%dma_wait3A_366, %dma_wait3A_367, %dma_wait3A_368] : memref<4x7x128xf32, #tpu.memory_space<vmem>> -> memref<1x1x128xf32, #tpu.memory_space<vmem>>
    %dma_wait3A_370 = tpu.memref_squeeze %dma_wait3A_369 : memref<1x1x128xf32, #tpu.memory_space<vmem>> -> memref<128xf32, #tpu.memory_space<vmem>>
    %dma_wait3A_371 = arith.constant 0 : i32
    %dma_wait3A_372 = tpu.memref_slice %arg12[%dma_wait3A_365, %dma_wait3A_371] : memref<4x128xi32, #tpu.memory_space<vmem>> -> memref<1x128xi32, #tpu.memory_space<vmem>>
    %dma_wait3A_373 = tpu.memref_squeeze %dma_wait3A_372 : memref<1x128xi32, #tpu.memory_space<vmem>> -> memref<128xi32, #tpu.memory_space<vmem>>
    %dma_wait3A_374 = arith.constant 0 : i32
    %dma_wait3A_375 = tpu.memref_slice %arg5[%dma_wait3A_374] : memref<1000000xf32, #tpu.memory_space<hbm>> -> memref<1000000xf32, #tpu.memory_space<hbm>>
    tpu.wait_indirect_dma semaphore(%arg16 : memref<!tpu.dma_semaphore, #tpu.memory_space<semaphore_mem>>) src(%dma_wait3A_375 : memref<1000000xf32, #tpu.memory_space<hbm>>) dst(%dma_wait3A_370 : memref<128xf32, #tpu.memory_space<vmem>>)
    %dma_wait3A_376 = arith.constant 0 : i32
    %dma_wait3A_377 = arith.constant 0 : i32
    %dma_wait3A_378 = arith.constant 4 : i32
    %dma_wait3A_379 = arith.constant 0 : i32
    %dma_wait3A_380 = tpu.memref_slice %arg14[%dma_wait3A_377, %dma_wait3A_378, %dma_wait3A_379] : memref<4x7x128xf32, #tpu.memory_space<vmem>> -> memref<1x1x128xf32, #tpu.memory_space<vmem>>
    %dma_wait3A_381 = tpu.memref_squeeze %dma_wait3A_380 : memref<1x1x128xf32, #tpu.memory_space<vmem>> -> memref<128xf32, #tpu.memory_space<vmem>>
    %dma_wait3A_382 = arith.constant 0 : i32
    %dma_wait3A_383 = tpu.memref_slice %arg12[%dma_wait3A_376, %dma_wait3A_382] : memref<4x128xi32, #tpu.memory_space<vmem>> -> memref<1x128xi32, #tpu.memory_space<vmem>>
    %dma_wait3A_384 = tpu.memref_squeeze %dma_wait3A_383 : memref<1x128xi32, #tpu.memory_space<vmem>> -> memref<128xi32, #tpu.memory_space<vmem>>
    %dma_wait3A_385 = arith.constant 0 : i32
    %dma_wait3A_386 = tpu.memref_slice %arg6[%dma_wait3A_385] : memref<1000000xf32, #tpu.memory_space<hbm>> -> memref<1000000xf32, #tpu.memory_space<hbm>>
    tpu.wait_indirect_dma semaphore(%arg16 : memref<!tpu.dma_semaphore, #tpu.memory_space<semaphore_mem>>) src(%dma_wait3A_386 : memref<1000000xf32, #tpu.memory_space<hbm>>) dst(%dma_wait3A_381 : memref<128xf32, #tpu.memory_space<vmem>>)
    %dma_wait3A_387 = arith.constant 0 : i32
    %dma_wait3A_388 = arith.constant 0 : i32
    %dma_wait3A_389 = arith.constant 5 : i32
    %dma_wait3A_390 = arith.constant 0 : i32
    %dma_wait3A_391 = tpu.memref_slice %arg14[%dma_wait3A_388, %dma_wait3A_389, %dma_wait3A_390] : memref<4x7x128xf32, #tpu.memory_space<vmem>> -> memref<1x1x128xf32, #tpu.memory_space<vmem>>
    %dma_wait3A_392 = tpu.memref_squeeze %dma_wait3A_391 : memref<1x1x128xf32, #tpu.memory_space<vmem>> -> memref<128xf32, #tpu.memory_space<vmem>>
    %dma_wait3A_393 = arith.constant 0 : i32
    %dma_wait3A_394 = tpu.memref_slice %arg12[%dma_wait3A_387, %dma_wait3A_393] : memref<4x128xi32, #tpu.memory_space<vmem>> -> memref<1x128xi32, #tpu.memory_space<vmem>>
    %dma_wait3A_395 = tpu.memref_squeeze %dma_wait3A_394 : memref<1x128xi32, #tpu.memory_space<vmem>> -> memref<128xi32, #tpu.memory_space<vmem>>
    %dma_wait3A_396 = arith.constant 0 : i32
    %dma_wait3A_397 = tpu.memref_slice %arg7[%dma_wait3A_396] : memref<1000000xf32, #tpu.memory_space<hbm>> -> memref<1000000xf32, #tpu.memory_space<hbm>>
    tpu.wait_indirect_dma semaphore(%arg16 : memref<!tpu.dma_semaphore, #tpu.memory_space<semaphore_mem>>) src(%dma_wait3A_397 : memref<1000000xf32, #tpu.memory_space<hbm>>) dst(%dma_wait3A_392 : memref<128xf32, #tpu.memory_space<vmem>>)
    %dma_wait3A_398 = arith.constant 0 : i32
    %dma_wait3A_399 = arith.constant 0 : i32
    %dma_wait3A_400 = arith.constant 6 : i32
    %dma_wait3A_401 = arith.constant 0 : i32
    %dma_wait3A_402 = tpu.memref_slice %arg14[%dma_wait3A_399, %dma_wait3A_400, %dma_wait3A_401] : memref<4x7x128xf32, #tpu.memory_space<vmem>> -> memref<1x1x128xf32, #tpu.memory_space<vmem>>
    %dma_wait3A_403 = tpu.memref_squeeze %dma_wait3A_402 : memref<1x1x128xf32, #tpu.memory_space<vmem>> -> memref<128xf32, #tpu.memory_space<vmem>>
    %dma_wait3A_404 = arith.constant 0 : i32
    %dma_wait3A_405 = tpu.memref_slice %arg12[%dma_wait3A_398, %dma_wait3A_404] : memref<4x128xi32, #tpu.memory_space<vmem>> -> memref<1x128xi32, #tpu.memory_space<vmem>>
    %dma_wait3A_406 = tpu.memref_squeeze %dma_wait3A_405 : memref<1x128xi32, #tpu.memory_space<vmem>> -> memref<128xi32, #tpu.memory_space<vmem>>
    %dma_wait3A_407 = arith.constant 0 : i32
    %dma_wait3A_408 = tpu.memref_slice %arg8[%dma_wait3A_407] : memref<1000000xf32, #tpu.memory_space<hbm>> -> memref<1000000xf32, #tpu.memory_space<hbm>>
    tpu.wait_indirect_dma semaphore(%arg16 : memref<!tpu.dma_semaphore, #tpu.memory_space<semaphore_mem>>) src(%dma_wait3A_408 : memref<1000000xf32, #tpu.memory_space<hbm>>) dst(%dma_wait3A_403 : memref<128xf32, #tpu.memory_space<vmem>>)
    %dma_wait3A_409 = arith.constant 1 : i32
    %dma_wait3A_410 = arith.constant 1 : i32
    %dma_wait3A_411 = arith.constant 0 : i32
    %dma_wait3A_412 = arith.constant 0 : i32
    %dma_wait3A_413 = tpu.memref_slice %arg14[%dma_wait3A_410, %dma_wait3A_411, %dma_wait3A_412] : memref<4x7x128xf32, #tpu.memory_space<vmem>> -> memref<1x1x128xf32, #tpu.memory_space<vmem>>
    %dma_wait3A_414 = tpu.memref_squeeze %dma_wait3A_413 : memref<1x1x128xf32, #tpu.memory_space<vmem>> -> memref<128xf32, #tpu.memory_space<vmem>>
    %dma_wait3A_415 = arith.constant 0 : i32
    %dma_wait3A_416 = tpu.memref_slice %arg12[%dma_wait3A_409, %dma_wait3A_415] : memref<4x128xi32, #tpu.memory_space<vmem>> -> memref<1x128xi32, #tpu.memory_space<vmem>>
    %dma_wait3A_417 = tpu.memref_squeeze %dma_wait3A_416 : memref<1x128xi32, #tpu.memory_space<vmem>> -> memref<128xi32, #tpu.memory_space<vmem>>
    %dma_wait3A_418 = arith.constant 0 : i32
    %dma_wait3A_419 = tpu.memref_slice %arg2[%dma_wait3A_418] : memref<1000000xf32, #tpu.memory_space<hbm>> -> memref<1000000xf32, #tpu.memory_space<hbm>>
    tpu.wait_indirect_dma semaphore(%arg16 : memref<!tpu.dma_semaphore, #tpu.memory_space<semaphore_mem>>) src(%dma_wait3A_419 : memref<1000000xf32, #tpu.memory_space<hbm>>) dst(%dma_wait3A_414 : memref<128xf32, #tpu.memory_space<vmem>>)
    %dma_wait3A_420 = arith.constant 1 : i32
    %dma_wait3A_421 = arith.constant 1 : i32
    %dma_wait3A_422 = arith.constant 1 : i32
    %dma_wait3A_423 = arith.constant 0 : i32
    %dma_wait3A_424 = tpu.memref_slice %arg14[%dma_wait3A_421, %dma_wait3A_422, %dma_wait3A_423] : memref<4x7x128xf32, #tpu.memory_space<vmem>> -> memref<1x1x128xf32, #tpu.memory_space<vmem>>
    %dma_wait3A_425 = tpu.memref_squeeze %dma_wait3A_424 : memref<1x1x128xf32, #tpu.memory_space<vmem>> -> memref<128xf32, #tpu.memory_space<vmem>>
    %dma_wait3A_426 = arith.constant 0 : i32
    %dma_wait3A_427 = tpu.memref_slice %arg12[%dma_wait3A_420, %dma_wait3A_426] : memref<4x128xi32, #tpu.memory_space<vmem>> -> memref<1x128xi32, #tpu.memory_space<vmem>>
    %dma_wait3A_428 = tpu.memref_squeeze %dma_wait3A_427 : memref<1x128xi32, #tpu.memory_space<vmem>> -> memref<128xi32, #tpu.memory_space<vmem>>
    %dma_wait3A_429 = arith.constant 0 : i32
    %dma_wait3A_430 = tpu.memref_slice %arg3[%dma_wait3A_429] : memref<1000000xf32, #tpu.memory_space<hbm>> -> memref<1000000xf32, #tpu.memory_space<hbm>>
    tpu.wait_indirect_dma semaphore(%arg16 : memref<!tpu.dma_semaphore, #tpu.memory_space<semaphore_mem>>) src(%dma_wait3A_430 : memref<1000000xf32, #tpu.memory_space<hbm>>) dst(%dma_wait3A_425 : memref<128xf32, #tpu.memory_space<vmem>>)
    %dma_wait3A_431 = arith.constant 1 : i32
    %dma_wait3A_432 = arith.constant 1 : i32
    %dma_wait3A_433 = arith.constant 2 : i32
    %dma_wait3A_434 = arith.constant 0 : i32
    %dma_wait3A_435 = tpu.memref_slice %arg14[%dma_wait3A_432, %dma_wait3A_433, %dma_wait3A_434] : memref<4x7x128xf32, #tpu.memory_space<vmem>> -> memref<1x1x128xf32, #tpu.memory_space<vmem>>
    %dma_wait3A_436 = tpu.memref_squeeze %dma_wait3A_435 : memref<1x1x128xf32, #tpu.memory_space<vmem>> -> memref<128xf32, #tpu.memory_space<vmem>>
    %dma_wait3A_437 = arith.constant 0 : i32
    %dma_wait3A_438 = tpu.memref_slice %arg12[%dma_wait3A_431, %dma_wait3A_437] : memref<4x128xi32, #tpu.memory_space<vmem>> -> memref<1x128xi32, #tpu.memory_space<vmem>>
    %dma_wait3A_439 = tpu.memref_squeeze %dma_wait3A_438 : memref<1x128xi32, #tpu.memory_space<vmem>> -> memref<128xi32, #tpu.memory_space<vmem>>
    %dma_wait3A_440 = arith.constant 0 : i32
    %dma_wait3A_441 = tpu.memref_slice %arg4[%dma_wait3A_440] : memref<1000000xf32, #tpu.memory_space<hbm>> -> memref<1000000xf32, #tpu.memory_space<hbm>>
    tpu.wait_indirect_dma semaphore(%arg16 : memref<!tpu.dma_semaphore, #tpu.memory_space<semaphore_mem>>) src(%dma_wait3A_441 : memref<1000000xf32, #tpu.memory_space<hbm>>) dst(%dma_wait3A_436 : memref<128xf32, #tpu.memory_space<vmem>>)
    %dma_wait3A_442 = arith.constant 1 : i32
    %dma_wait3A_443 = arith.constant 1 : i32
    %dma_wait3A_444 = arith.constant 3 : i32
    %dma_wait3A_445 = arith.constant 0 : i32
    %dma_wait3A_446 = tpu.memref_slice %arg14[%dma_wait3A_443, %dma_wait3A_444, %dma_wait3A_445] : memref<4x7x128xf32, #tpu.memory_space<vmem>> -> memref<1x1x128xf32, #tpu.memory_space<vmem>>
    %dma_wait3A_447 = tpu.memref_squeeze %dma_wait3A_446 : memref<1x1x128xf32, #tpu.memory_space<vmem>> -> memref<128xf32, #tpu.memory_space<vmem>>
    %dma_wait3A_448 = arith.constant 0 : i32
    %dma_wait3A_449 = tpu.memref_slice %arg12[%dma_wait3A_442, %dma_wait3A_448] : memref<4x128xi32, #tpu.memory_space<vmem>> -> memref<1x128xi32, #tpu.memory_space<vmem>>
    %dma_wait3A_450 = tpu.memref_squeeze %dma_wait3A_449 : memref<1x128xi32, #tpu.memory_space<vmem>> -> memref<128xi32, #tpu.memory_space<vmem>>
    %dma_wait3A_451 = arith.constant 0 : i32
    %dma_wait3A_452 = tpu.memref_slice %arg5[%dma_wait3A_451] : memref<1000000xf32, #tpu.memory_space<hbm>> -> memref<1000000xf32, #tpu.memory_space<hbm>>
    tpu.wait_indirect_dma semaphore(%arg16 : memref<!tpu.dma_semaphore, #tpu.memory_space<semaphore_mem>>) src(%dma_wait3A_452 : memref<1000000xf32, #tpu.memory_space<hbm>>) dst(%dma_wait3A_447 : memref<128xf32, #tpu.memory_space<vmem>>)
    %dma_wait3A_453 = arith.constant 1 : i32
    %dma_wait3A_454 = arith.constant 1 : i32
    %dma_wait3A_455 = arith.constant 4 : i32
    %dma_wait3A_456 = arith.constant 0 : i32
    %dma_wait3A_457 = tpu.memref_slice %arg14[%dma_wait3A_454, %dma_wait3A_455, %dma_wait3A_456] : memref<4x7x128xf32, #tpu.memory_space<vmem>> -> memref<1x1x128xf32, #tpu.memory_space<vmem>>
    %dma_wait3A_458 = tpu.memref_squeeze %dma_wait3A_457 : memref<1x1x128xf32, #tpu.memory_space<vmem>> -> memref<128xf32, #tpu.memory_space<vmem>>
    %dma_wait3A_459 = arith.constant 0 : i32
    %dma_wait3A_460 = tpu.memref_slice %arg12[%dma_wait3A_453, %dma_wait3A_459] : memref<4x128xi32, #tpu.memory_space<vmem>> -> memref<1x128xi32, #tpu.memory_space<vmem>>
    %dma_wait3A_461 = tpu.memref_squeeze %dma_wait3A_460 : memref<1x128xi32, #tpu.memory_space<vmem>> -> memref<128xi32, #tpu.memory_space<vmem>>
    %dma_wait3A_462 = arith.constant 0 : i32
    %dma_wait3A_463 = tpu.memref_slice %arg6[%dma_wait3A_462] : memref<1000000xf32, #tpu.memory_space<hbm>> -> memref<1000000xf32, #tpu.memory_space<hbm>>
    tpu.wait_indirect_dma semaphore(%arg16 : memref<!tpu.dma_semaphore, #tpu.memory_space<semaphore_mem>>) src(%dma_wait3A_463 : memref<1000000xf32, #tpu.memory_space<hbm>>) dst(%dma_wait3A_458 : memref<128xf32, #tpu.memory_space<vmem>>)
    %dma_wait3A_464 = arith.constant 1 : i32
    %dma_wait3A_465 = arith.constant 1 : i32
    %dma_wait3A_466 = arith.constant 5 : i32
    %dma_wait3A_467 = arith.constant 0 : i32
    %dma_wait3A_468 = tpu.memref_slice %arg14[%dma_wait3A_465, %dma_wait3A_466, %dma_wait3A_467] : memref<4x7x128xf32, #tpu.memory_space<vmem>> -> memref<1x1x128xf32, #tpu.memory_space<vmem>>
    %dma_wait3A_469 = tpu.memref_squeeze %dma_wait3A_468 : memref<1x1x128xf32, #tpu.memory_space<vmem>> -> memref<128xf32, #tpu.memory_space<vmem>>
    %dma_wait3A_470 = arith.constant 0 : i32
    %dma_wait3A_471 = tpu.memref_slice %arg12[%dma_wait3A_464, %dma_wait3A_470] : memref<4x128xi32, #tpu.memory_space<vmem>> -> memref<1x128xi32, #tpu.memory_space<vmem>>
    %dma_wait3A_472 = tpu.memref_squeeze %dma_wait3A_471 : memref<1x128xi32, #tpu.memory_space<vmem>> -> memref<128xi32, #tpu.memory_space<vmem>>
    %dma_wait3A_473 = arith.constant 0 : i32
    %dma_wait3A_474 = tpu.memref_slice %arg7[%dma_wait3A_473] : memref<1000000xf32, #tpu.memory_space<hbm>> -> memref<1000000xf32, #tpu.memory_space<hbm>>
    tpu.wait_indirect_dma semaphore(%arg16 : memref<!tpu.dma_semaphore, #tpu.memory_space<semaphore_mem>>) src(%dma_wait3A_474 : memref<1000000xf32, #tpu.memory_space<hbm>>) dst(%dma_wait3A_469 : memref<128xf32, #tpu.memory_space<vmem>>)
    %dma_wait3A_475 = arith.constant 1 : i32
    %dma_wait3A_476 = arith.constant 1 : i32
    %dma_wait3A_477 = arith.constant 6 : i32
    %dma_wait3A_478 = arith.constant 0 : i32
    %dma_wait3A_479 = tpu.memref_slice %arg14[%dma_wait3A_476, %dma_wait3A_477, %dma_wait3A_478] : memref<4x7x128xf32, #tpu.memory_space<vmem>> -> memref<1x1x128xf32, #tpu.memory_space<vmem>>
    %dma_wait3A_480 = tpu.memref_squeeze %dma_wait3A_479 : memref<1x1x128xf32, #tpu.memory_space<vmem>> -> memref<128xf32, #tpu.memory_space<vmem>>
    %dma_wait3A_481 = arith.constant 0 : i32
    %dma_wait3A_482 = tpu.memref_slice %arg12[%dma_wait3A_475, %dma_wait3A_481] : memref<4x128xi32, #tpu.memory_space<vmem>> -> memref<1x128xi32, #tpu.memory_space<vmem>>
    %dma_wait3A_483 = tpu.memref_squeeze %dma_wait3A_482 : memref<1x128xi32, #tpu.memory_space<vmem>> -> memref<128xi32, #tpu.memory_space<vmem>>
    %dma_wait3A_484 = arith.constant 0 : i32
    %dma_wait3A_485 = tpu.memref_slice %arg8[%dma_wait3A_484] : memref<1000000xf32, #tpu.memory_space<hbm>> -> memref<1000000xf32, #tpu.memory_space<hbm>>
    tpu.wait_indirect_dma semaphore(%arg16 : memref<!tpu.dma_semaphore, #tpu.memory_space<semaphore_mem>>) src(%dma_wait3A_485 : memref<1000000xf32, #tpu.memory_space<hbm>>) dst(%dma_wait3A_480 : memref<128xf32, #tpu.memory_space<vmem>>)
    %dma_wait3A_486 = arith.constant 2 : i32
    %dma_wait3A_487 = arith.constant 2 : i32
    %dma_wait3A_488 = arith.constant 0 : i32
    %dma_wait3A_489 = arith.constant 0 : i32
    %dma_wait3A_490 = tpu.memref_slice %arg14[%dma_wait3A_487, %dma_wait3A_488, %dma_wait3A_489] : memref<4x7x128xf32, #tpu.memory_space<vmem>> -> memref<1x1x128xf32, #tpu.memory_space<vmem>>
    %dma_wait3A_491 = tpu.memref_squeeze %dma_wait3A_490 : memref<1x1x128xf32, #tpu.memory_space<vmem>> -> memref<128xf32, #tpu.memory_space<vmem>>
    %dma_wait3A_492 = arith.constant 0 : i32
    %dma_wait3A_493 = tpu.memref_slice %arg12[%dma_wait3A_486, %dma_wait3A_492] : memref<4x128xi32, #tpu.memory_space<vmem>> -> memref<1x128xi32, #tpu.memory_space<vmem>>
    %dma_wait3A_494 = tpu.memref_squeeze %dma_wait3A_493 : memref<1x128xi32, #tpu.memory_space<vmem>> -> memref<128xi32, #tpu.memory_space<vmem>>
    %dma_wait3A_495 = arith.constant 0 : i32
    %dma_wait3A_496 = tpu.memref_slice %arg2[%dma_wait3A_495] : memref<1000000xf32, #tpu.memory_space<hbm>> -> memref<1000000xf32, #tpu.memory_space<hbm>>
    tpu.wait_indirect_dma semaphore(%arg16 : memref<!tpu.dma_semaphore, #tpu.memory_space<semaphore_mem>>) src(%dma_wait3A_496 : memref<1000000xf32, #tpu.memory_space<hbm>>) dst(%dma_wait3A_491 : memref<128xf32, #tpu.memory_space<vmem>>)
    %dma_wait3A_497 = arith.constant 2 : i32
    %dma_wait3A_498 = arith.constant 2 : i32
    %dma_wait3A_499 = arith.constant 1 : i32
    %dma_wait3A_500 = arith.constant 0 : i32
    %dma_wait3A_501 = tpu.memref_slice %arg14[%dma_wait3A_498, %dma_wait3A_499, %dma_wait3A_500] : memref<4x7x128xf32, #tpu.memory_space<vmem>> -> memref<1x1x128xf32, #tpu.memory_space<vmem>>
    %dma_wait3A_502 = tpu.memref_squeeze %dma_wait3A_501 : memref<1x1x128xf32, #tpu.memory_space<vmem>> -> memref<128xf32, #tpu.memory_space<vmem>>
    %dma_wait3A_503 = arith.constant 0 : i32
    %dma_wait3A_504 = tpu.memref_slice %arg12[%dma_wait3A_497, %dma_wait3A_503] : memref<4x128xi32, #tpu.memory_space<vmem>> -> memref<1x128xi32, #tpu.memory_space<vmem>>
    %dma_wait3A_505 = tpu.memref_squeeze %dma_wait3A_504 : memref<1x128xi32, #tpu.memory_space<vmem>> -> memref<128xi32, #tpu.memory_space<vmem>>
    %dma_wait3A_506 = arith.constant 0 : i32
    %dma_wait3A_507 = tpu.memref_slice %arg3[%dma_wait3A_506] : memref<1000000xf32, #tpu.memory_space<hbm>> -> memref<1000000xf32, #tpu.memory_space<hbm>>
    tpu.wait_indirect_dma semaphore(%arg16 : memref<!tpu.dma_semaphore, #tpu.memory_space<semaphore_mem>>) src(%dma_wait3A_507 : memref<1000000xf32, #tpu.memory_space<hbm>>) dst(%dma_wait3A_502 : memref<128xf32, #tpu.memory_space<vmem>>)
    %dma_wait3A_508 = arith.constant 2 : i32
    %dma_wait3A_509 = arith.constant 2 : i32
    %dma_wait3A_510 = arith.constant 2 : i32
    %dma_wait3A_511 = arith.constant 0 : i32
    %dma_wait3A_512 = tpu.memref_slice %arg14[%dma_wait3A_509, %dma_wait3A_510, %dma_wait3A_511] : memref<4x7x128xf32, #tpu.memory_space<vmem>> -> memref<1x1x128xf32, #tpu.memory_space<vmem>>
    %dma_wait3A_513 = tpu.memref_squeeze %dma_wait3A_512 : memref<1x1x128xf32, #tpu.memory_space<vmem>> -> memref<128xf32, #tpu.memory_space<vmem>>
    %dma_wait3A_514 = arith.constant 0 : i32
    %dma_wait3A_515 = tpu.memref_slice %arg12[%dma_wait3A_508, %dma_wait3A_514] : memref<4x128xi32, #tpu.memory_space<vmem>> -> memref<1x128xi32, #tpu.memory_space<vmem>>
    %dma_wait3A_516 = tpu.memref_squeeze %dma_wait3A_515 : memref<1x128xi32, #tpu.memory_space<vmem>> -> memref<128xi32, #tpu.memory_space<vmem>>
    %dma_wait3A_517 = arith.constant 0 : i32
    %dma_wait3A_518 = tpu.memref_slice %arg4[%dma_wait3A_517] : memref<1000000xf32, #tpu.memory_space<hbm>> -> memref<1000000xf32, #tpu.memory_space<hbm>>
    tpu.wait_indirect_dma semaphore(%arg16 : memref<!tpu.dma_semaphore, #tpu.memory_space<semaphore_mem>>) src(%dma_wait3A_518 : memref<1000000xf32, #tpu.memory_space<hbm>>) dst(%dma_wait3A_513 : memref<128xf32, #tpu.memory_space<vmem>>)
    %dma_wait3A_519 = arith.constant 2 : i32
    %dma_wait3A_520 = arith.constant 2 : i32
    %dma_wait3A_521 = arith.constant 3 : i32
    %dma_wait3A_522 = arith.constant 0 : i32
    %dma_wait3A_523 = tpu.memref_slice %arg14[%dma_wait3A_520, %dma_wait3A_521, %dma_wait3A_522] : memref<4x7x128xf32, #tpu.memory_space<vmem>> -> memref<1x1x128xf32, #tpu.memory_space<vmem>>
    %dma_wait3A_524 = tpu.memref_squeeze %dma_wait3A_523 : memref<1x1x128xf32, #tpu.memory_space<vmem>> -> memref<128xf32, #tpu.memory_space<vmem>>
    %dma_wait3A_525 = arith.constant 0 : i32
    %dma_wait3A_526 = tpu.memref_slice %arg12[%dma_wait3A_519, %dma_wait3A_525] : memref<4x128xi32, #tpu.memory_space<vmem>> -> memref<1x128xi32, #tpu.memory_space<vmem>>
    %dma_wait3A_527 = tpu.memref_squeeze %dma_wait3A_526 : memref<1x128xi32, #tpu.memory_space<vmem>> -> memref<128xi32, #tpu.memory_space<vmem>>
    %dma_wait3A_528 = arith.constant 0 : i32
    %dma_wait3A_529 = tpu.memref_slice %arg5[%dma_wait3A_528] : memref<1000000xf32, #tpu.memory_space<hbm>> -> memref<1000000xf32, #tpu.memory_space<hbm>>
    tpu.wait_indirect_dma semaphore(%arg16 : memref<!tpu.dma_semaphore, #tpu.memory_space<semaphore_mem>>) src(%dma_wait3A_529 : memref<1000000xf32, #tpu.memory_space<hbm>>) dst(%dma_wait3A_524 : memref<128xf32, #tpu.memory_space<vmem>>)
    %dma_wait3A_530 = arith.constant 2 : i32
    %dma_wait3A_531 = arith.constant 2 : i32
    %dma_wait3A_532 = arith.constant 4 : i32
    %dma_wait3A_533 = arith.constant 0 : i32
    %dma_wait3A_534 = tpu.memref_slice %arg14[%dma_wait3A_531, %dma_wait3A_532, %dma_wait3A_533] : memref<4x7x128xf32, #tpu.memory_space<vmem>> -> memref<1x1x128xf32, #tpu.memory_space<vmem>>
    %dma_wait3A_535 = tpu.memref_squeeze %dma_wait3A_534 : memref<1x1x128xf32, #tpu.memory_space<vmem>> -> memref<128xf32, #tpu.memory_space<vmem>>
    %dma_wait3A_536 = arith.constant 0 : i32
    %dma_wait3A_537 = tpu.memref_slice %arg12[%dma_wait3A_530, %dma_wait3A_536] : memref<4x128xi32, #tpu.memory_space<vmem>> -> memref<1x128xi32, #tpu.memory_space<vmem>>
    %dma_wait3A_538 = tpu.memref_squeeze %dma_wait3A_537 : memref<1x128xi32, #tpu.memory_space<vmem>> -> memref<128xi32, #tpu.memory_space<vmem>>
    %dma_wait3A_539 = arith.constant 0 : i32
    %dma_wait3A_540 = tpu.memref_slice %arg6[%dma_wait3A_539] : memref<1000000xf32, #tpu.memory_space<hbm>> -> memref<1000000xf32, #tpu.memory_space<hbm>>
    tpu.wait_indirect_dma semaphore(%arg16 : memref<!tpu.dma_semaphore, #tpu.memory_space<semaphore_mem>>) src(%dma_wait3A_540 : memref<1000000xf32, #tpu.memory_space<hbm>>) dst(%dma_wait3A_535 : memref<128xf32, #tpu.memory_space<vmem>>)
    %dma_wait3A_541 = arith.constant 2 : i32
    %dma_wait3A_542 = arith.constant 2 : i32
    %dma_wait3A_543 = arith.constant 5 : i32
    %dma_wait3A_544 = arith.constant 0 : i32
    %dma_wait3A_545 = tpu.memref_slice %arg14[%dma_wait3A_542, %dma_wait3A_543, %dma_wait3A_544] : memref<4x7x128xf32, #tpu.memory_space<vmem>> -> memref<1x1x128xf32, #tpu.memory_space<vmem>>
    %dma_wait3A_546 = tpu.memref_squeeze %dma_wait3A_545 : memref<1x1x128xf32, #tpu.memory_space<vmem>> -> memref<128xf32, #tpu.memory_space<vmem>>
    %dma_wait3A_547 = arith.constant 0 : i32
    %dma_wait3A_548 = tpu.memref_slice %arg12[%dma_wait3A_541, %dma_wait3A_547] : memref<4x128xi32, #tpu.memory_space<vmem>> -> memref<1x128xi32, #tpu.memory_space<vmem>>
    %dma_wait3A_549 = tpu.memref_squeeze %dma_wait3A_548 : memref<1x128xi32, #tpu.memory_space<vmem>> -> memref<128xi32, #tpu.memory_space<vmem>>
    %dma_wait3A_550 = arith.constant 0 : i32
    %dma_wait3A_551 = tpu.memref_slice %arg7[%dma_wait3A_550] : memref<1000000xf32, #tpu.memory_space<hbm>> -> memref<1000000xf32, #tpu.memory_space<hbm>>
    tpu.wait_indirect_dma semaphore(%arg16 : memref<!tpu.dma_semaphore, #tpu.memory_space<semaphore_mem>>) src(%dma_wait3A_551 : memref<1000000xf32, #tpu.memory_space<hbm>>) dst(%dma_wait3A_546 : memref<128xf32, #tpu.memory_space<vmem>>)
    %dma_wait3A_552 = arith.constant 2 : i32
    %dma_wait3A_553 = arith.constant 2 : i32
    %dma_wait3A_554 = arith.constant 6 : i32
    %dma_wait3A_555 = arith.constant 0 : i32
    %dma_wait3A_556 = tpu.memref_slice %arg14[%dma_wait3A_553, %dma_wait3A_554, %dma_wait3A_555] : memref<4x7x128xf32, #tpu.memory_space<vmem>> -> memref<1x1x128xf32, #tpu.memory_space<vmem>>
    %dma_wait3A_557 = tpu.memref_squeeze %dma_wait3A_556 : memref<1x1x128xf32, #tpu.memory_space<vmem>> -> memref<128xf32, #tpu.memory_space<vmem>>
    %dma_wait3A_558 = arith.constant 0 : i32
    %dma_wait3A_559 = tpu.memref_slice %arg12[%dma_wait3A_552, %dma_wait3A_558] : memref<4x128xi32, #tpu.memory_space<vmem>> -> memref<1x128xi32, #tpu.memory_space<vmem>>
    %dma_wait3A_560 = tpu.memref_squeeze %dma_wait3A_559 : memref<1x128xi32, #tpu.memory_space<vmem>> -> memref<128xi32, #tpu.memory_space<vmem>>
    %dma_wait3A_561 = arith.constant 0 : i32
    %dma_wait3A_562 = tpu.memref_slice %arg8[%dma_wait3A_561] : memref<1000000xf32, #tpu.memory_space<hbm>> -> memref<1000000xf32, #tpu.memory_space<hbm>>
    tpu.wait_indirect_dma semaphore(%arg16 : memref<!tpu.dma_semaphore, #tpu.memory_space<semaphore_mem>>) src(%dma_wait3A_562 : memref<1000000xf32, #tpu.memory_space<hbm>>) dst(%dma_wait3A_557 : memref<128xf32, #tpu.memory_space<vmem>>)
    %dma_wait3A_563 = arith.constant 3 : i32
    %dma_wait3A_564 = arith.constant 3 : i32
    %dma_wait3A_565 = arith.constant 0 : i32
    %dma_wait3A_566 = arith.constant 0 : i32
    %dma_wait3A_567 = tpu.memref_slice %arg14[%dma_wait3A_564, %dma_wait3A_565, %dma_wait3A_566] : memref<4x7x128xf32, #tpu.memory_space<vmem>> -> memref<1x1x128xf32, #tpu.memory_space<vmem>>
    %dma_wait3A_568 = tpu.memref_squeeze %dma_wait3A_567 : memref<1x1x128xf32, #tpu.memory_space<vmem>> -> memref<128xf32, #tpu.memory_space<vmem>>
    %dma_wait3A_569 = arith.constant 0 : i32
    %dma_wait3A_570 = tpu.memref_slice %arg12[%dma_wait3A_563, %dma_wait3A_569] : memref<4x128xi32, #tpu.memory_space<vmem>> -> memref<1x128xi32, #tpu.memory_space<vmem>>
    %dma_wait3A_571 = tpu.memref_squeeze %dma_wait3A_570 : memref<1x128xi32, #tpu.memory_space<vmem>> -> memref<128xi32, #tpu.memory_space<vmem>>
    %dma_wait3A_572 = arith.constant 0 : i32
    %dma_wait3A_573 = tpu.memref_slice %arg2[%dma_wait3A_572] : memref<1000000xf32, #tpu.memory_space<hbm>> -> memref<1000000xf32, #tpu.memory_space<hbm>>
    tpu.wait_indirect_dma semaphore(%arg16 : memref<!tpu.dma_semaphore, #tpu.memory_space<semaphore_mem>>) src(%dma_wait3A_573 : memref<1000000xf32, #tpu.memory_space<hbm>>) dst(%dma_wait3A_568 : memref<128xf32, #tpu.memory_space<vmem>>)
    %dma_wait3A_574 = arith.constant 3 : i32
    %dma_wait3A_575 = arith.constant 3 : i32
    %dma_wait3A_576 = arith.constant 1 : i32
    %dma_wait3A_577 = arith.constant 0 : i32
    %dma_wait3A_578 = tpu.memref_slice %arg14[%dma_wait3A_575, %dma_wait3A_576, %dma_wait3A_577] : memref<4x7x128xf32, #tpu.memory_space<vmem>> -> memref<1x1x128xf32, #tpu.memory_space<vmem>>
    %dma_wait3A_579 = tpu.memref_squeeze %dma_wait3A_578 : memref<1x1x128xf32, #tpu.memory_space<vmem>> -> memref<128xf32, #tpu.memory_space<vmem>>
    %dma_wait3A_580 = arith.constant 0 : i32
    %dma_wait3A_581 = tpu.memref_slice %arg12[%dma_wait3A_574, %dma_wait3A_580] : memref<4x128xi32, #tpu.memory_space<vmem>> -> memref<1x128xi32, #tpu.memory_space<vmem>>
    %dma_wait3A_582 = tpu.memref_squeeze %dma_wait3A_581 : memref<1x128xi32, #tpu.memory_space<vmem>> -> memref<128xi32, #tpu.memory_space<vmem>>
    %dma_wait3A_583 = arith.constant 0 : i32
    %dma_wait3A_584 = tpu.memref_slice %arg3[%dma_wait3A_583] : memref<1000000xf32, #tpu.memory_space<hbm>> -> memref<1000000xf32, #tpu.memory_space<hbm>>
    tpu.wait_indirect_dma semaphore(%arg16 : memref<!tpu.dma_semaphore, #tpu.memory_space<semaphore_mem>>) src(%dma_wait3A_584 : memref<1000000xf32, #tpu.memory_space<hbm>>) dst(%dma_wait3A_579 : memref<128xf32, #tpu.memory_space<vmem>>)
    %dma_wait3A_585 = arith.constant 3 : i32
    %dma_wait3A_586 = arith.constant 3 : i32
    %dma_wait3A_587 = arith.constant 2 : i32
    %dma_wait3A_588 = arith.constant 0 : i32
    %dma_wait3A_589 = tpu.memref_slice %arg14[%dma_wait3A_586, %dma_wait3A_587, %dma_wait3A_588] : memref<4x7x128xf32, #tpu.memory_space<vmem>> -> memref<1x1x128xf32, #tpu.memory_space<vmem>>
    %dma_wait3A_590 = tpu.memref_squeeze %dma_wait3A_589 : memref<1x1x128xf32, #tpu.memory_space<vmem>> -> memref<128xf32, #tpu.memory_space<vmem>>
    %dma_wait3A_591 = arith.constant 0 : i32
    %dma_wait3A_592 = tpu.memref_slice %arg12[%dma_wait3A_585, %dma_wait3A_591] : memref<4x128xi32, #tpu.memory_space<vmem>> -> memref<1x128xi32, #tpu.memory_space<vmem>>
    %dma_wait3A_593 = tpu.memref_squeeze %dma_wait3A_592 : memref<1x128xi32, #tpu.memory_space<vmem>> -> memref<128xi32, #tpu.memory_space<vmem>>
    %dma_wait3A_594 = arith.constant 0 : i32
    %dma_wait3A_595 = tpu.memref_slice %arg4[%dma_wait3A_594] : memref<1000000xf32, #tpu.memory_space<hbm>> -> memref<1000000xf32, #tpu.memory_space<hbm>>
    tpu.wait_indirect_dma semaphore(%arg16 : memref<!tpu.dma_semaphore, #tpu.memory_space<semaphore_mem>>) src(%dma_wait3A_595 : memref<1000000xf32, #tpu.memory_space<hbm>>) dst(%dma_wait3A_590 : memref<128xf32, #tpu.memory_space<vmem>>)
    %dma_wait3A_596 = arith.constant 3 : i32
    %dma_wait3A_597 = arith.constant 3 : i32
    %dma_wait3A_598 = arith.constant 3 : i32
    %dma_wait3A_599 = arith.constant 0 : i32
    %dma_wait3A_600 = tpu.memref_slice %arg14[%dma_wait3A_597, %dma_wait3A_598, %dma_wait3A_599] : memref<4x7x128xf32, #tpu.memory_space<vmem>> -> memref<1x1x128xf32, #tpu.memory_space<vmem>>
    %dma_wait3A_601 = tpu.memref_squeeze %dma_wait3A_600 : memref<1x1x128xf32, #tpu.memory_space<vmem>> -> memref<128xf32, #tpu.memory_space<vmem>>
    %dma_wait3A_602 = arith.constant 0 : i32
    %dma_wait3A_603 = tpu.memref_slice %arg12[%dma_wait3A_596, %dma_wait3A_602] : memref<4x128xi32, #tpu.memory_space<vmem>> -> memref<1x128xi32, #tpu.memory_space<vmem>>
    %dma_wait3A_604 = tpu.memref_squeeze %dma_wait3A_603 : memref<1x128xi32, #tpu.memory_space<vmem>> -> memref<128xi32, #tpu.memory_space<vmem>>
    %dma_wait3A_605 = arith.constant 0 : i32
    %dma_wait3A_606 = tpu.memref_slice %arg5[%dma_wait3A_605] : memref<1000000xf32, #tpu.memory_space<hbm>> -> memref<1000000xf32, #tpu.memory_space<hbm>>
    tpu.wait_indirect_dma semaphore(%arg16 : memref<!tpu.dma_semaphore, #tpu.memory_space<semaphore_mem>>) src(%dma_wait3A_606 : memref<1000000xf32, #tpu.memory_space<hbm>>) dst(%dma_wait3A_601 : memref<128xf32, #tpu.memory_space<vmem>>)
    %dma_wait3A_607 = arith.constant 3 : i32
    %dma_wait3A_608 = arith.constant 3 : i32
    %dma_wait3A_609 = arith.constant 4 : i32
    %dma_wait3A_610 = arith.constant 0 : i32
    %dma_wait3A_611 = tpu.memref_slice %arg14[%dma_wait3A_608, %dma_wait3A_609, %dma_wait3A_610] : memref<4x7x128xf32, #tpu.memory_space<vmem>> -> memref<1x1x128xf32, #tpu.memory_space<vmem>>
    %dma_wait3A_612 = tpu.memref_squeeze %dma_wait3A_611 : memref<1x1x128xf32, #tpu.memory_space<vmem>> -> memref<128xf32, #tpu.memory_space<vmem>>
    %dma_wait3A_613 = arith.constant 0 : i32
    %dma_wait3A_614 = tpu.memref_slice %arg12[%dma_wait3A_607, %dma_wait3A_613] : memref<4x128xi32, #tpu.memory_space<vmem>> -> memref<1x128xi32, #tpu.memory_space<vmem>>
    %dma_wait3A_615 = tpu.memref_squeeze %dma_wait3A_614 : memref<1x128xi32, #tpu.memory_space<vmem>> -> memref<128xi32, #tpu.memory_space<vmem>>
    %dma_wait3A_616 = arith.constant 0 : i32
    %dma_wait3A_617 = tpu.memref_slice %arg6[%dma_wait3A_616] : memref<1000000xf32, #tpu.memory_space<hbm>> -> memref<1000000xf32, #tpu.memory_space<hbm>>
    tpu.wait_indirect_dma semaphore(%arg16 : memref<!tpu.dma_semaphore, #tpu.memory_space<semaphore_mem>>) src(%dma_wait3A_617 : memref<1000000xf32, #tpu.memory_space<hbm>>) dst(%dma_wait3A_612 : memref<128xf32, #tpu.memory_space<vmem>>)
    %dma_wait3A_618 = arith.constant 3 : i32
    %dma_wait3A_619 = arith.constant 3 : i32
    %dma_wait3A_620 = arith.constant 5 : i32
    %dma_wait3A_621 = arith.constant 0 : i32
    %dma_wait3A_622 = tpu.memref_slice %arg14[%dma_wait3A_619, %dma_wait3A_620, %dma_wait3A_621] : memref<4x7x128xf32, #tpu.memory_space<vmem>> -> memref<1x1x128xf32, #tpu.memory_space<vmem>>
    %dma_wait3A_623 = tpu.memref_squeeze %dma_wait3A_622 : memref<1x1x128xf32, #tpu.memory_space<vmem>> -> memref<128xf32, #tpu.memory_space<vmem>>
    %dma_wait3A_624 = arith.constant 0 : i32
    %dma_wait3A_625 = tpu.memref_slice %arg12[%dma_wait3A_618, %dma_wait3A_624] : memref<4x128xi32, #tpu.memory_space<vmem>> -> memref<1x128xi32, #tpu.memory_space<vmem>>
    %dma_wait3A_626 = tpu.memref_squeeze %dma_wait3A_625 : memref<1x128xi32, #tpu.memory_space<vmem>> -> memref<128xi32, #tpu.memory_space<vmem>>
    %dma_wait3A_627 = arith.constant 0 : i32
    %dma_wait3A_628 = tpu.memref_slice %arg7[%dma_wait3A_627] : memref<1000000xf32, #tpu.memory_space<hbm>> -> memref<1000000xf32, #tpu.memory_space<hbm>>
    tpu.wait_indirect_dma semaphore(%arg16 : memref<!tpu.dma_semaphore, #tpu.memory_space<semaphore_mem>>) src(%dma_wait3A_628 : memref<1000000xf32, #tpu.memory_space<hbm>>) dst(%dma_wait3A_623 : memref<128xf32, #tpu.memory_space<vmem>>)
    %dma_wait3A_629 = arith.constant 3 : i32
    %dma_wait3A_630 = arith.constant 3 : i32
    %dma_wait3A_631 = arith.constant 6 : i32
    %dma_wait3A_632 = arith.constant 0 : i32
    %dma_wait3A_633 = tpu.memref_slice %arg14[%dma_wait3A_630, %dma_wait3A_631, %dma_wait3A_632] : memref<4x7x128xf32, #tpu.memory_space<vmem>> -> memref<1x1x128xf32, #tpu.memory_space<vmem>>
    %dma_wait3A_634 = tpu.memref_squeeze %dma_wait3A_633 : memref<1x1x128xf32, #tpu.memory_space<vmem>> -> memref<128xf32, #tpu.memory_space<vmem>>
    %dma_wait3A_635 = arith.constant 0 : i32
    %dma_wait3A_636 = tpu.memref_slice %arg12[%dma_wait3A_629, %dma_wait3A_635] : memref<4x128xi32, #tpu.memory_space<vmem>> -> memref<1x128xi32, #tpu.memory_space<vmem>>
    %dma_wait3A_637 = tpu.memref_squeeze %dma_wait3A_636 : memref<1x128xi32, #tpu.memory_space<vmem>> -> memref<128xi32, #tpu.memory_space<vmem>>
    %dma_wait3A_638 = arith.constant 0 : i32
    %dma_wait3A_639 = tpu.memref_slice %arg8[%dma_wait3A_638] : memref<1000000xf32, #tpu.memory_space<hbm>> -> memref<1000000xf32, #tpu.memory_space<hbm>>
    tpu.wait_indirect_dma semaphore(%arg16 : memref<!tpu.dma_semaphore, #tpu.memory_space<semaphore_mem>>) src(%dma_wait3A_639 : memref<1000000xf32, #tpu.memory_space<hbm>>) dst(%dma_wait3A_634 : memref<128xf32, #tpu.memory_space<vmem>>)
    %scan3A = arith.constant 0 : i32
    %scan3A_640 = arith.constant 0 : i32
    %scan3A_641 = arith.constant 4 : i32
    %scan3A_642 = arith.addi %scan3A_640, %scan3A_641 : i32
    %scan3A_643 = arith.constant 1 : i32
    scf.for %scan3A_645 = %scan3A_640 to %scan3A_642 step %scan3A_643  : i32 {
      %get3A = arith.index_cast %scan3A_645 : i32 to index
      %get3A_646 = arith.constant 0 : index
      %get3A_647 = tpu.vector_load %arg12[%get3A, %get3A_646] {strides = array<i32>} : memref<4x128xi32, #tpu.memory_space<vmem>>, vector<16xi32>,
      %get3A_648 = arith.index_cast %scan3A_645 : i32 to index
      %get3A_649 = arith.constant 0 : index
      %get3A_650 = tpu.vector_load %arg13[%get3A_648, %get3A_649] {strides = array<i32>} : memref<4x128xi32, #tpu.memory_space<vmem>>, vector<16xi32>,
      %convert_element_type3A = arith.sitofp %get3A_647 : vector<16xi32> to vector<16xf32>
      %div3A = arith.constant 1.000000e+04 : f32
      %div3A_651 = vector.broadcast %div3A : f32 to vector<16xf32>
      %div3A_652 = arith.divf %convert_element_type3A, %div3A_651 : vector<16xf32>
      %convert_element_type3A_653 = arith.fptosi %div3A_652 : vector<16xf32> to vector<16xi32>
      %mul3A_654 = arith.constant 10000 : i32
      %mul3A_655 = vector.broadcast %mul3A_654 : i32 to vector<16xi32>
      %mul3A_656 = arith.muli %convert_element_type3A_653, %mul3A_655 : vector<16xi32>
      %sub3A = arith.subi %get3A_647, %mul3A_656 : vector<16xi32>
      %convert_element_type3A_657 = arith.sitofp %sub3A : vector<16xi32> to vector<16xf32>
      %div3A_658 = arith.constant 1.000000e+02 : f32
      %div3A_659 = vector.broadcast %div3A_658 : f32 to vector<16xf32>
      %div3A_660 = arith.divf %convert_element_type3A_657, %div3A_659 : vector<16xf32>
      %convert_element_type3A_661 = arith.fptosi %div3A_660 : vector<16xf32> to vector<16xi32>
      %mul3A_662 = arith.constant 100 : i32
      %mul3A_663 = vector.broadcast %mul3A_662 : i32 to vector<16xi32>
      %mul3A_664 = arith.muli %convert_element_type3A_661, %mul3A_663 : vector<16xi32>
      %sub3A_665 = arith.subi %sub3A, %mul3A_664 : vector<16xi32>
      %convert_element_type3A_666 = arith.sitofp %get3A_650 : vector<16xi32> to vector<16xf32>
      %div3A_667 = arith.constant 1.000000e+04 : f32
      %div3A_668 = vector.broadcast %div3A_667 : f32 to vector<16xf32>
      %div3A_669 = arith.divf %convert_element_type3A_666, %div3A_668 : vector<16xf32>
      %convert_element_type3A_670 = arith.fptosi %div3A_669 : vector<16xf32> to vector<16xi32>
      %mul3A_671 = arith.constant 10000 : i32
      %mul3A_672 = vector.broadcast %mul3A_671 : i32 to vector<16xi32>
      %mul3A_673 = arith.muli %convert_element_type3A_670, %mul3A_672 : vector<16xi32>
      %sub3A_674 = arith.subi %get3A_650, %mul3A_673 : vector<16xi32>
      %convert_element_type3A_675 = arith.sitofp %sub3A_674 : vector<16xi32> to vector<16xf32>
      %div3A_676 = arith.constant 1.000000e+02 : f32
      %div3A_677 = vector.broadcast %div3A_676 : f32 to vector<16xf32>
      %div3A_678 = arith.divf %convert_element_type3A_675, %div3A_677 : vector<16xf32>
      %convert_element_type3A_679 = arith.fptosi %div3A_678 : vector<16xf32> to vector<16xi32>
      %mul3A_680 = arith.constant 100 : i32
      %mul3A_681 = vector.broadcast %mul3A_680 : i32 to vector<16xi32>
      %mul3A_682 = arith.muli %convert_element_type3A_679, %mul3A_681 : vector<16xi32>
      %sub3A_683 = arith.subi %sub3A_674, %mul3A_682 : vector<16xi32>
      %sub3A_684 = arith.subi %sub3A_683, %sub3A_665 : vector<16xi32>
      %sub3A_685 = arith.subi %convert_element_type3A_679, %convert_element_type3A_661 : vector<16xi32>
      %sub3A_686 = arith.subi %convert_element_type3A_670, %convert_element_type3A_653 : vector<16xi32>
      %eq3A = arith.constant 0 : i32
      %eq3A_687 = vector.broadcast %eq3A : i32 to vector<16xi32>
      %eq3A_688 = arith.cmpi eq, %sub3A_684, %eq3A_687 : vector<16xi32>
      %eq3A_689 = arith.constant 0 : i32
      %eq3A_690 = vector.broadcast %eq3A_689 : i32 to vector<16xi32>
      %eq3A_691 = arith.cmpi eq, %sub3A_685, %eq3A_690 : vector<16xi32>
      %eq3A_692 = arith.constant 0 : i32
      %eq3A_693 = vector.broadcast %eq3A_692 : i32 to vector<16xi32>
      %eq3A_694 = arith.cmpi eq, %sub3A_686, %eq3A_693 : vector<16xi32>
      %and3A = arith.andi %eq3A_688, %eq3A_691 : vector<16xi1>
      %and3A_695 = arith.andi %and3A, %eq3A_694 : vector<16xi1>
      %eq3A_696 = arith.constant 1 : i32
      %eq3A_697 = vector.broadcast %eq3A_696 : i32 to vector<16xi32>
      %eq3A_698 = arith.cmpi eq, %sub3A_684, %eq3A_697 : vector<16xi32>
      %and3A_699 = arith.andi %eq3A_698, %eq3A_691 : vector<16xi1>
      %and3A_700 = arith.andi %and3A_699, %eq3A_694 : vector<16xi1>
      %eq3A_701 = arith.constant -1 : i32
      %eq3A_702 = vector.broadcast %eq3A_701 : i32 to vector<16xi32>
      %eq3A_703 = arith.cmpi eq, %sub3A_684, %eq3A_702 : vector<16xi32>
      %and3A_704 = arith.andi %eq3A_703, %eq3A_691 : vector<16xi1>
      %and3A_705 = arith.andi %and3A_704, %eq3A_694 : vector<16xi1>
      %eq3A_706 = arith.constant 1 : i32
      %eq3A_707 = vector.broadcast %eq3A_706 : i32 to vector<16xi32>
      %eq3A_708 = arith.cmpi eq, %sub3A_685, %eq3A_707 : vector<16xi32>
      %and3A_709 = arith.andi %eq3A_688, %eq3A_708 : vector<16xi1>
      %and3A_710 = arith.andi %and3A_709, %eq3A_694 : vector<16xi1>
      %eq3A_711 = arith.constant -1 : i32
      %eq3A_712 = vector.broadcast %eq3A_711 : i32 to vector<16xi32>
      %eq3A_713 = arith.cmpi eq, %sub3A_685, %eq3A_712 : vector<16xi32>
      %and3A_714 = arith.andi %eq3A_688, %eq3A_713 : vector<16xi1>
      %and3A_715 = arith.andi %and3A_714, %eq3A_694 : vector<16xi1>
      %and3A_716 = arith.andi %eq3A_688, %eq3A_691 : vector<16xi1>
      %eq3A_717 = arith.constant 1 : i32
      %eq3A_718 = vector.broadcast %eq3A_717 : i32 to vector<16xi32>
      %eq3A_719 = arith.cmpi eq, %sub3A_686, %eq3A_718 : vector<16xi32>
      %and3A_720 = arith.andi %and3A_716, %eq3A_719 : vector<16xi1>
      %and3A_721 = arith.andi %eq3A_688, %eq3A_691 : vector<16xi1>
      %eq3A_722 = arith.constant 2 : i32
      %eq3A_723 = vector.broadcast %eq3A_722 : i32 to vector<16xi32>
      %eq3A_724 = arith.cmpi eq, %sub3A_686, %eq3A_723 : vector<16xi32>
      %and3A_725 = arith.andi %and3A_721, %eq3A_724 : vector<16xi1>
      %or3A = arith.ori %and3A_695, %and3A_700 : vector<16xi1>
      %or3A_726 = arith.ori %or3A, %and3A_705 : vector<16xi1>
      %or3A_727 = arith.ori %or3A_726, %and3A_710 : vector<16xi1>
      %or3A_728 = arith.ori %or3A_727, %and3A_715 : vector<16xi1>
      %or3A_729 = arith.ori %or3A_728, %and3A_720 : vector<16xi1>
      %or3A_730 = arith.ori %or3A_729, %and3A_725 : vector<16xi1>
      %get3A_731 = arith.constant 0 : i32
      %get3A_732 = arith.index_cast %scan3A_645 : i32 to index
      %get3A_733 = arith.index_cast %get3A_731 : i32 to index
      %get3A_734 = arith.constant 0 : index
      %get3A_735 = tpu.vector_load %arg14[%get3A_732, %get3A_733, %get3A_734] {strides = array<i32>} : memref<4x7x128xf32, #tpu.memory_space<vmem>>, vector<16xf32>,
      %get3A_736 = arith.constant 1 : i32
      %get3A_737 = arith.index_cast %scan3A_645 : i32 to index
      %get3A_738 = arith.index_cast %get3A_736 : i32 to index
      %get3A_739 = arith.constant 0 : index
      %get3A_740 = tpu.vector_load %arg14[%get3A_737, %get3A_738, %get3A_739] {strides = array<i32>} : memref<4x7x128xf32, #tpu.memory_space<vmem>>, vector<16xf32>,
      %get3A_741 = arith.constant 2 : i32
      %get3A_742 = arith.index_cast %scan3A_645 : i32 to index
      %get3A_743 = arith.index_cast %get3A_741 : i32 to index
      %get3A_744 = arith.constant 0 : index
      %get3A_745 = tpu.vector_load %arg14[%get3A_742, %get3A_743, %get3A_744] {strides = array<i32>} : memref<4x7x128xf32, #tpu.memory_space<vmem>>, vector<16xf32>,
      %get3A_746 = arith.constant 3 : i32
      %get3A_747 = arith.index_cast %scan3A_645 : i32 to index
      %get3A_748 = arith.index_cast %get3A_746 : i32 to index
      %get3A_749 = arith.constant 0 : index
      %get3A_750 = tpu.vector_load %arg14[%get3A_747, %get3A_748, %get3A_749] {strides = array<i32>} : memref<4x7x128xf32, #tpu.memory_space<vmem>>, vector<16xf32>,
      %get3A_751 = arith.constant 4 : i32
      %get3A_752 = arith.index_cast %scan3A_645 : i32 to index
      %get3A_753 = arith.index_cast %get3A_751 : i32 to index
      %get3A_754 = arith.constant 0 : index
      %get3A_755 = tpu.vector_load %arg14[%get3A_752, %get3A_753, %get3A_754] {strides = array<i32>} : memref<4x7x128xf32, #tpu.memory_space<vmem>>, vector<16xf32>,
      %get3A_756 = arith.constant 5 : i32
      %get3A_757 = arith.index_cast %scan3A_645 : i32 to index
      %get3A_758 = arith.index_cast %get3A_756 : i32 to index
      %get3A_759 = arith.constant 0 : index
      %get3A_760 = tpu.vector_load %arg14[%get3A_757, %get3A_758, %get3A_759] {strides = array<i32>} : memref<4x7x128xf32, #tpu.memory_space<vmem>>, vector<16xf32>,
      %get3A_761 = arith.constant 6 : i32
      %get3A_762 = arith.index_cast %scan3A_645 : i32 to index
      %get3A_763 = arith.index_cast %get3A_761 : i32 to index
      %get3A_764 = arith.constant 0 : index
      %get3A_765 = tpu.vector_load %arg14[%get3A_762, %get3A_763, %get3A_764] {strides = array<i32>} : memref<4x7x128xf32, #tpu.memory_space<vmem>>, vector<16xf32>,
      %max3A = arith.maximumf %get3A_735, %get3A_740 : vector<16xf32>
      %max3A_766 = arith.maximumf %max3A, %get3A_745 : vector<16xf32>
      %max3A_767 = arith.maximumf %max3A_766, %get3A_750 : vector<16xf32>
      %max3A_768 = arith.maximumf %max3A_767, %get3A_755 : vector<16xf32>
      %max3A_769 = arith.maximumf %max3A_768, %get3A_760 : vector<16xf32>
      %max3A_770 = arith.maximumf %max3A_769, %get3A_765 : vector<16xf32>
      %sub3A_771 = arith.subf %get3A_735, %max3A_770 : vector<16xf32>
      %exp3A = math.exp %sub3A_771 : vector<16xf32>
      %sub3A_772 = arith.subf %get3A_740, %max3A_770 : vector<16xf32>
      %exp3A_773 = math.exp %sub3A_772 : vector<16xf32>
      %add3A_774 = arith.addf %exp3A, %exp3A_773 : vector<16xf32>
      %sub3A_775 = arith.subf %get3A_745, %max3A_770 : vector<16xf32>
      %exp3A_776 = math.exp %sub3A_775 : vector<16xf32>
      %add3A_777 = arith.addf %add3A_774, %exp3A_776 : vector<16xf32>
      %sub3A_778 = arith.subf %get3A_750, %max3A_770 : vector<16xf32>
      %exp3A_779 = math.exp %sub3A_778 : vector<16xf32>
      %add3A_780 = arith.addf %add3A_777, %exp3A_779 : vector<16xf32>
      %sub3A_781 = arith.subf %get3A_755, %max3A_770 : vector<16xf32>
      %exp3A_782 = math.exp %sub3A_781 : vector<16xf32>
      %add3A_783 = arith.addf %add3A_780, %exp3A_782 : vector<16xf32>
      %sub3A_784 = arith.subf %get3A_760, %max3A_770 : vector<16xf32>
      %exp3A_785 = math.exp %sub3A_784 : vector<16xf32>
      %add3A_786 = arith.addf %add3A_783, %exp3A_785 : vector<16xf32>
      %sub3A_787 = arith.subf %get3A_765, %max3A_770 : vector<16xf32>
      %exp3A_788 = math.exp %sub3A_787 : vector<16xf32>
      %add3A_789 = arith.addf %add3A_786, %exp3A_788 : vector<16xf32>
      %select_n3A = arith.select %and3A_700, %get3A_740, %get3A_735 : vector<16xi1>, vector<16xf32>
      %select_n3A_790 = arith.select %and3A_705, %get3A_745, %select_n3A : vector<16xi1>, vector<16xf32>
      %select_n3A_791 = arith.select %and3A_710, %get3A_750, %select_n3A_790 : vector<16xi1>, vector<16xf32>
      %select_n3A_792 = arith.select %and3A_715, %get3A_755, %select_n3A_791 : vector<16xi1>, vector<16xf32>
      %select_n3A_793 = arith.select %and3A_720, %get3A_760, %select_n3A_792 : vector<16xi1>, vector<16xf32>
      %select_n3A_794 = arith.select %and3A_725, %get3A_765, %select_n3A_793 : vector<16xi1>, vector<16xf32>
      %sub3A_795 = arith.subf %select_n3A_794, %max3A_770 : vector<16xf32>
      %bitcast_convert_type3A = tpu.bitcast %add3A_789 : vector<16xf32> -> vector<16xi32>
      %shift_right_arithmetic3A = arith.constant 23 : i32
      %shift_right_arithmetic3A_796 = vector.broadcast %shift_right_arithmetic3A : i32 to vector<16xi32>
      %shift_right_arithmetic3A_797 = arith.shrsi %bitcast_convert_type3A, %shift_right_arithmetic3A_796 : vector<16xi32>
      %sub3A_798 = arith.constant 127 : i32
      %sub3A_799 = vector.broadcast %sub3A_798 : i32 to vector<16xi32>
      %sub3A_800 = arith.subi %shift_right_arithmetic3A_797, %sub3A_799 : vector<16xi32>
      %and3A_801 = arith.constant 8388607 : i32
      %and3A_802 = vector.broadcast %and3A_801 : i32 to vector<16xi32>
      %and3A_803 = arith.andi %bitcast_convert_type3A, %and3A_802 : vector<16xi32>
      %or3A_804 = arith.constant 1065353216 : i32
      %or3A_805 = vector.broadcast %or3A_804 : i32 to vector<16xi32>
      %or3A_806 = arith.ori %and3A_803, %or3A_805 : vector<16xi32>
      %bitcast_convert_type3A_807 = tpu.bitcast %or3A_806 : vector<16xi32> -> vector<16xf32>
      %gt3A = arith.constant 1.41421354 : f32
      %gt3A_808 = vector.broadcast %gt3A : f32 to vector<16xf32>
      %gt3A_809 = arith.cmpf ogt, %bitcast_convert_type3A_807, %gt3A_808 : vector<16xf32>
      %mul3A_810 = arith.constant 5.000000e-01 : f32
      %mul3A_811 = vector.broadcast %mul3A_810 : f32 to vector<16xf32>
      %mul3A_812 = arith.mulf %bitcast_convert_type3A_807, %mul3A_811 : vector<16xf32>
      %select_n3A_813 = arith.select %gt3A_809, %mul3A_812, %bitcast_convert_type3A_807 : vector<16xi1>, vector<16xf32>
      %convert_element_type3A_814 = arith.sitofp %sub3A_800 : vector<16xi32> to vector<16xf32>
      %jit3A = arith.constant 1.000000e+00 : f32
      %jit3A_815 = arith.constant 0.000000e+00 : f32
      %broadcast_in_dim3A = vector.broadcast %jit3A : f32 to vector<16xf32>
      %broadcast_in_dim3A_816 = vector.broadcast %jit3A_815 : f32 to vector<16xf32>
      %select_n3A_817 = arith.select %gt3A_809, %broadcast_in_dim3A, %broadcast_in_dim3A_816 : vector<16xi1>, vector<16xf32>
      %add3A_818 = arith.addf %convert_element_type3A_814, %select_n3A_817 : vector<16xf32>
      %sub3A_819 = arith.constant 1.000000e+00 : f32
      %sub3A_820 = vector.broadcast %sub3A_819 : f32 to vector<16xf32>
      %sub3A_821 = arith.subf %select_n3A_813, %sub3A_820 : vector<16xf32>
      %add3A_822 = arith.constant 1.000000e+00 : f32
      %add3A_823 = vector.broadcast %add3A_822 : f32 to vector<16xf32>
      %add3A_824 = arith.addf %select_n3A_813, %add3A_823 : vector<16xf32>
      %div3A_825 = arith.divf %sub3A_821, %add3A_824 : vector<16xf32>
      %mul3A_826 = arith.mulf %div3A_825, %div3A_825 : vector<16xf32>
      %mul3A_827 = arith.constant 2.000000e+00 : f32
      %mul3A_828 = vector.broadcast %mul3A_827 : f32 to vector<16xf32>
      %mul3A_829 = arith.mulf %mul3A_828, %div3A_825 : vector<16xf32>
      %mul3A_830 = arith.constant 0.142857149 : f32
      %mul3A_831 = vector.broadcast %mul3A_830 : f32 to vector<16xf32>
      %mul3A_832 = arith.mulf %mul3A_826, %mul3A_831 : vector<16xf32>
      %add3A_833 = arith.constant 2.000000e-01 : f32
      %add3A_834 = vector.broadcast %add3A_833 : f32 to vector<16xf32>
      %add3A_835 = arith.addf %add3A_834, %mul3A_832 : vector<16xf32>
      %mul3A_836 = arith.mulf %mul3A_826, %add3A_835 : vector<16xf32>
      %add3A_837 = arith.constant 0.333333343 : f32
      %add3A_838 = vector.broadcast %add3A_837 : f32 to vector<16xf32>
      %add3A_839 = arith.addf %add3A_838, %mul3A_836 : vector<16xf32>
      %mul3A_840 = arith.mulf %mul3A_826, %add3A_839 : vector<16xf32>
      %add3A_841 = arith.constant 1.000000e+00 : f32
      %add3A_842 = vector.broadcast %add3A_841 : f32 to vector<16xf32>
      %add3A_843 = arith.addf %add3A_842, %mul3A_840 : vector<16xf32>
      %mul3A_844 = arith.mulf %mul3A_829, %add3A_843 : vector<16xf32>
      %mul3A_845 = arith.constant 0.693147182 : f32
      %mul3A_846 = vector.broadcast %mul3A_845 : f32 to vector<16xf32>
      %mul3A_847 = arith.mulf %add3A_818, %mul3A_846 : vector<16xf32>
      %add3A_848 = arith.addf %mul3A_847, %mul3A_844 : vector<16xf32>
      %sub3A_849 = arith.subf %sub3A_795, %add3A_848 : vector<16xf32>
      %jit3A_850 = arith.constant 0xFF800000 : f32
      %broadcast_in_dim3A_851 = vector.broadcast %jit3A_850 : f32 to vector<16xf32>
      %select_n3A_852 = arith.select %or3A_730, %sub3A_849, %broadcast_in_dim3A_851 : vector<16xi1>, vector<16xf32>
      %mul3A_853 = arith.constant 128 : i32
      %mul3A_854 = arith.muli %scan3A_645, %mul3A_853 : i32
      %add3A_855 = arith.constant 0 : i32
      %add3A_856 = arith.addi %mul3A_854, %add3A_855 : i32
      %swap3A = arith.index_cast %add3A_856 : i32 to index
      %swap3A_857 = tpu.vector_load %arg15[%swap3A] {strides = array<i32>} : memref<512xf32, #tpu.memory_space<vmem>>, vector<16xf32>,
      tpu.vector_store %arg15[%swap3A], %select_n3A_852 {strides = array<i32>} : memref<512xf32, #tpu.memory_space<vmem>>, vector<16xf32>,
      %get3A_858 = arith.index_cast %scan3A_645 : i32 to index
      %get3A_859 = arith.constant 16 : index
      %get3A_860 = tpu.vector_load %arg12[%get3A_858, %get3A_859] {strides = array<i32>} : memref<4x128xi32, #tpu.memory_space<vmem>>, vector<16xi32>,
      %get3A_861 = arith.index_cast %scan3A_645 : i32 to index
      %get3A_862 = arith.constant 16 : index
      %get3A_863 = tpu.vector_load %arg13[%get3A_861, %get3A_862] {strides = array<i32>} : memref<4x128xi32, #tpu.memory_space<vmem>>, vector<16xi32>,
      %convert_element_type3A_864 = arith.sitofp %get3A_860 : vector<16xi32> to vector<16xf32>
      %div3A_865 = arith.constant 1.000000e+04 : f32
      %div3A_866 = vector.broadcast %div3A_865 : f32 to vector<16xf32>
      %div3A_867 = arith.divf %convert_element_type3A_864, %div3A_866 : vector<16xf32>
      %convert_element_type3A_868 = arith.fptosi %div3A_867 : vector<16xf32> to vector<16xi32>
      %mul3A_869 = arith.constant 10000 : i32
      %mul3A_870 = vector.broadcast %mul3A_869 : i32 to vector<16xi32>
      %mul3A_871 = arith.muli %convert_element_type3A_868, %mul3A_870 : vector<16xi32>
      %sub3A_872 = arith.subi %get3A_860, %mul3A_871 : vector<16xi32>
      %convert_element_type3A_873 = arith.sitofp %sub3A_872 : vector<16xi32> to vector<16xf32>
      %div3A_874 = arith.constant 1.000000e+02 : f32
      %div3A_875 = vector.broadcast %div3A_874 : f32 to vector<16xf32>
      %div3A_876 = arith.divf %convert_element_type3A_873, %div3A_875 : vector<16xf32>
      %convert_element_type3A_877 = arith.fptosi %div3A_876 : vector<16xf32> to vector<16xi32>
      %mul3A_878 = arith.constant 100 : i32
      %mul3A_879 = vector.broadcast %mul3A_878 : i32 to vector<16xi32>
      %mul3A_880 = arith.muli %convert_element_type3A_877, %mul3A_879 : vector<16xi32>
      %sub3A_881 = arith.subi %sub3A_872, %mul3A_880 : vector<16xi32>
      %convert_element_type3A_882 = arith.sitofp %get3A_863 : vector<16xi32> to vector<16xf32>
      %div3A_883 = arith.constant 1.000000e+04 : f32
      %div3A_884 = vector.broadcast %div3A_883 : f32 to vector<16xf32>
      %div3A_885 = arith.divf %convert_element_type3A_882, %div3A_884 : vector<16xf32>
      %convert_element_type3A_886 = arith.fptosi %div3A_885 : vector<16xf32> to vector<16xi32>
      %mul3A_887 = arith.constant 10000 : i32
      %mul3A_888 = vector.broadcast %mul3A_887 : i32 to vector<16xi32>
      %mul3A_889 = arith.muli %convert_element_type3A_886, %mul3A_888 : vector<16xi32>
      %sub3A_890 = arith.subi %get3A_863, %mul3A_889 : vector<16xi32>
      %convert_element_type3A_891 = arith.sitofp %sub3A_890 : vector<16xi32> to vector<16xf32>
      %div3A_892 = arith.constant 1.000000e+02 : f32
      %div3A_893 = vector.broadcast %div3A_892 : f32 to vector<16xf32>
      %div3A_894 = arith.divf %convert_element_type3A_891, %div3A_893 : vector<16xf32>
      %convert_element_type3A_895 = arith.fptosi %div3A_894 : vector<16xf32> to vector<16xi32>
      %mul3A_896 = arith.constant 100 : i32
      %mul3A_897 = vector.broadcast %mul3A_896 : i32 to vector<16xi32>
      %mul3A_898 = arith.muli %convert_element_type3A_895, %mul3A_897 : vector<16xi32>
      %sub3A_899 = arith.subi %sub3A_890, %mul3A_898 : vector<16xi32>
      %sub3A_900 = arith.subi %sub3A_899, %sub3A_881 : vector<16xi32>
      %sub3A_901 = arith.subi %convert_element_type3A_895, %convert_element_type3A_877 : vector<16xi32>
      %sub3A_902 = arith.subi %convert_element_type3A_886, %convert_element_type3A_868 : vector<16xi32>
      %eq3A_903 = arith.constant 0 : i32
      %eq3A_904 = vector.broadcast %eq3A_903 : i32 to vector<16xi32>
      %eq3A_905 = arith.cmpi eq, %sub3A_900, %eq3A_904 : vector<16xi32>
      %eq3A_906 = arith.constant 0 : i32
      %eq3A_907 = vector.broadcast %eq3A_906 : i32 to vector<16xi32>
      %eq3A_908 = arith.cmpi eq, %sub3A_901, %eq3A_907 : vector<16xi32>
      %eq3A_909 = arith.constant 0 : i32
      %eq3A_910 = vector.broadcast %eq3A_909 : i32 to vector<16xi32>
      %eq3A_911 = arith.cmpi eq, %sub3A_902, %eq3A_910 : vector<16xi32>
      %and3A_912 = arith.andi %eq3A_905, %eq3A_908 : vector<16xi1>
      %and3A_913 = arith.andi %and3A_912, %eq3A_911 : vector<16xi1>
      %eq3A_914 = arith.constant 1 : i32
      %eq3A_915 = vector.broadcast %eq3A_914 : i32 to vector<16xi32>
      %eq3A_916 = arith.cmpi eq, %sub3A_900, %eq3A_915 : vector<16xi32>
      %and3A_917 = arith.andi %eq3A_916, %eq3A_908 : vector<16xi1>
      %and3A_918 = arith.andi %and3A_917, %eq3A_911 : vector<16xi1>
      %eq3A_919 = arith.constant -1 : i32
      %eq3A_920 = vector.broadcast %eq3A_919 : i32 to vector<16xi32>
      %eq3A_921 = arith.cmpi eq, %sub3A_900, %eq3A_920 : vector<16xi32>
      %and3A_922 = arith.andi %eq3A_921, %eq3A_908 : vector<16xi1>
      %and3A_923 = arith.andi %and3A_922, %eq3A_911 : vector<16xi1>
      %eq3A_924 = arith.constant 1 : i32
      %eq3A_925 = vector.broadcast %eq3A_924 : i32 to vector<16xi32>
      %eq3A_926 = arith.cmpi eq, %sub3A_901, %eq3A_925 : vector<16xi32>
      %and3A_927 = arith.andi %eq3A_905, %eq3A_926 : vector<16xi1>
      %and3A_928 = arith.andi %and3A_927, %eq3A_911 : vector<16xi1>
      %eq3A_929 = arith.constant -1 : i32
      %eq3A_930 = vector.broadcast %eq3A_929 : i32 to vector<16xi32>
      %eq3A_931 = arith.cmpi eq, %sub3A_901, %eq3A_930 : vector<16xi32>
      %and3A_932 = arith.andi %eq3A_905, %eq3A_931 : vector<16xi1>
      %and3A_933 = arith.andi %and3A_932, %eq3A_911 : vector<16xi1>
      %and3A_934 = arith.andi %eq3A_905, %eq3A_908 : vector<16xi1>
      %eq3A_935 = arith.constant 1 : i32
      %eq3A_936 = vector.broadcast %eq3A_935 : i32 to vector<16xi32>
      %eq3A_937 = arith.cmpi eq, %sub3A_902, %eq3A_936 : vector<16xi32>
      %and3A_938 = arith.andi %and3A_934, %eq3A_937 : vector<16xi1>
      %and3A_939 = arith.andi %eq3A_905, %eq3A_908 : vector<16xi1>
      %eq3A_940 = arith.constant 2 : i32
      %eq3A_941 = vector.broadcast %eq3A_940 : i32 to vector<16xi32>
      %eq3A_942 = arith.cmpi eq, %sub3A_902, %eq3A_941 : vector<16xi32>
      %and3A_943 = arith.andi %and3A_939, %eq3A_942 : vector<16xi1>
      %or3A_944 = arith.ori %and3A_913, %and3A_918 : vector<16xi1>
      %or3A_945 = arith.ori %or3A_944, %and3A_923 : vector<16xi1>
      %or3A_946 = arith.ori %or3A_945, %and3A_928 : vector<16xi1>
      %or3A_947 = arith.ori %or3A_946, %and3A_933 : vector<16xi1>
      %or3A_948 = arith.ori %or3A_947, %and3A_938 : vector<16xi1>
      %or3A_949 = arith.ori %or3A_948, %and3A_943 : vector<16xi1>
      %get3A_950 = arith.constant 0 : i32
      %get3A_951 = arith.index_cast %scan3A_645 : i32 to index
      %get3A_952 = arith.index_cast %get3A_950 : i32 to index
      %get3A_953 = arith.constant 16 : index
      %get3A_954 = tpu.vector_load %arg14[%get3A_951, %get3A_952, %get3A_953] {strides = array<i32>} : memref<4x7x128xf32, #tpu.memory_space<vmem>>, vector<16xf32>,
      %get3A_955 = arith.constant 1 : i32
      %get3A_956 = arith.index_cast %scan3A_645 : i32 to index
      %get3A_957 = arith.index_cast %get3A_955 : i32 to index
      %get3A_958 = arith.constant 16 : index
      %get3A_959 = tpu.vector_load %arg14[%get3A_956, %get3A_957, %get3A_958] {strides = array<i32>} : memref<4x7x128xf32, #tpu.memory_space<vmem>>, vector<16xf32>,
      %get3A_960 = arith.constant 2 : i32
      %get3A_961 = arith.index_cast %scan3A_645 : i32 to index
      %get3A_962 = arith.index_cast %get3A_960 : i32 to index
      %get3A_963 = arith.constant 16 : index
      %get3A_964 = tpu.vector_load %arg14[%get3A_961, %get3A_962, %get3A_963] {strides = array<i32>} : memref<4x7x128xf32, #tpu.memory_space<vmem>>, vector<16xf32>,
      %get3A_965 = arith.constant 3 : i32
      %get3A_966 = arith.index_cast %scan3A_645 : i32 to index
      %get3A_967 = arith.index_cast %get3A_965 : i32 to index
      %get3A_968 = arith.constant 16 : index
      %get3A_969 = tpu.vector_load %arg14[%get3A_966, %get3A_967, %get3A_968] {strides = array<i32>} : memref<4x7x128xf32, #tpu.memory_space<vmem>>, vector<16xf32>,
      %get3A_970 = arith.constant 4 : i32
      %get3A_971 = arith.index_cast %scan3A_645 : i32 to index
      %get3A_972 = arith.index_cast %get3A_970 : i32 to index
      %get3A_973 = arith.constant 16 : index
      %get3A_974 = tpu.vector_load %arg14[%get3A_971, %get3A_972, %get3A_973] {strides = array<i32>} : memref<4x7x128xf32, #tpu.memory_space<vmem>>, vector<16xf32>,
      %get3A_975 = arith.constant 5 : i32
      %get3A_976 = arith.index_cast %scan3A_645 : i32 to index
      %get3A_977 = arith.index_cast %get3A_975 : i32 to index
      %get3A_978 = arith.constant 16 : index
      %get3A_979 = tpu.vector_load %arg14[%get3A_976, %get3A_977, %get3A_978] {strides = array<i32>} : memref<4x7x128xf32, #tpu.memory_space<vmem>>, vector<16xf32>,
      %get3A_980 = arith.constant 6 : i32
      %get3A_981 = arith.index_cast %scan3A_645 : i32 to index
      %get3A_982 = arith.index_cast %get3A_980 : i32 to index
      %get3A_983 = arith.constant 16 : index
      %get3A_984 = tpu.vector_load %arg14[%get3A_981, %get3A_982, %get3A_983] {strides = array<i32>} : memref<4x7x128xf32, #tpu.memory_space<vmem>>, vector<16xf32>,
      %max3A_985 = arith.maximumf %get3A_954, %get3A_959 : vector<16xf32>
      %max3A_986 = arith.maximumf %max3A_985, %get3A_964 : vector<16xf32>
      %max3A_987 = arith.maximumf %max3A_986, %get3A_969 : vector<16xf32>
      %max3A_988 = arith.maximumf %max3A_987, %get3A_974 : vector<16xf32>
      %max3A_989 = arith.maximumf %max3A_988, %get3A_979 : vector<16xf32>
      %max3A_990 = arith.maximumf %max3A_989, %get3A_984 : vector<16xf32>
      %sub3A_991 = arith.subf %get3A_954, %max3A_990 : vector<16xf32>
      %exp3A_992 = math.exp %sub3A_991 : vector<16xf32>
      %sub3A_993 = arith.subf %get3A_959, %max3A_990 : vector<16xf32>
      %exp3A_994 = math.exp %sub3A_993 : vector<16xf32>
      %add3A_995 = arith.addf %exp3A_992, %exp3A_994 : vector<16xf32>
      %sub3A_996 = arith.subf %get3A_964, %max3A_990 : vector<16xf32>
      %exp3A_997 = math.exp %sub3A_996 : vector<16xf32>
      %add3A_998 = arith.addf %add3A_995, %exp3A_997 : vector<16xf32>
      %sub3A_999 = arith.subf %get3A_969, %max3A_990 : vector<16xf32>
      %exp3A_1000 = math.exp %sub3A_999 : vector<16xf32>
      %add3A_1001 = arith.addf %add3A_998, %exp3A_1000 : vector<16xf32>
      %sub3A_1002 = arith.subf %get3A_974, %max3A_990 : vector<16xf32>
      %exp3A_1003 = math.exp %sub3A_1002 : vector<16xf32>
      %add3A_1004 = arith.addf %add3A_1001, %exp3A_1003 : vector<16xf32>
      %sub3A_1005 = arith.subf %get3A_979, %max3A_990 : vector<16xf32>
      %exp3A_1006 = math.exp %sub3A_1005 : vector<16xf32>
      %add3A_1007 = arith.addf %add3A_1004, %exp3A_1006 : vector<16xf32>
      %sub3A_1008 = arith.subf %get3A_984, %max3A_990 : vector<16xf32>
      %exp3A_1009 = math.exp %sub3A_1008 : vector<16xf32>
      %add3A_1010 = arith.addf %add3A_1007, %exp3A_1009 : vector<16xf32>
      %select_n3A_1011 = arith.select %and3A_918, %get3A_959, %get3A_954 : vector<16xi1>, vector<16xf32>
      %select_n3A_1012 = arith.select %and3A_923, %get3A_964, %select_n3A_1011 : vector<16xi1>, vector<16xf32>
      %select_n3A_1013 = arith.select %and3A_928, %get3A_969, %select_n3A_1012 : vector<16xi1>, vector<16xf32>
      %select_n3A_1014 = arith.select %and3A_933, %get3A_974, %select_n3A_1013 : vector<16xi1>, vector<16xf32>
      %select_n3A_1015 = arith.select %and3A_938, %get3A_979, %select_n3A_1014 : vector<16xi1>, vector<16xf32>
      %select_n3A_1016 = arith.select %and3A_943, %get3A_984, %select_n3A_1015 : vector<16xi1>, vector<16xf32>
      %sub3A_1017 = arith.subf %select_n3A_1016, %max3A_990 : vector<16xf32>
      %bitcast_convert_type3A_1018 = tpu.bitcast %add3A_1010 : vector<16xf32> -> vector<16xi32>
      %shift_right_arithmetic3A_1019 = arith.constant 23 : i32
      %shift_right_arithmetic3A_1020 = vector.broadcast %shift_right_arithmetic3A_1019 : i32 to vector<16xi32>
      %shift_right_arithmetic3A_1021 = arith.shrsi %bitcast_convert_type3A_1018, %shift_right_arithmetic3A_1020 : vector<16xi32>
      %sub3A_1022 = arith.constant 127 : i32
      %sub3A_1023 = vector.broadcast %sub3A_1022 : i32 to vector<16xi32>
      %sub3A_1024 = arith.subi %shift_right_arithmetic3A_1021, %sub3A_1023 : vector<16xi32>
      %and3A_1025 = arith.constant 8388607 : i32
      %and3A_1026 = vector.broadcast %and3A_1025 : i32 to vector<16xi32>
      %and3A_1027 = arith.andi %bitcast_convert_type3A_1018, %and3A_1026 : vector<16xi32>
      %or3A_1028 = arith.constant 1065353216 : i32
      %or3A_1029 = vector.broadcast %or3A_1028 : i32 to vector<16xi32>
      %or3A_1030 = arith.ori %and3A_1027, %or3A_1029 : vector<16xi32>
      %bitcast_convert_type3A_1031 = tpu.bitcast %or3A_1030 : vector<16xi32> -> vector<16xf32>
      %gt3A_1032 = arith.constant 1.41421354 : f32
      %gt3A_1033 = vector.broadcast %gt3A_1032 : f32 to vector<16xf32>
      %gt3A_1034 = arith.cmpf ogt, %bitcast_convert_type3A_1031, %gt3A_1033 : vector<16xf32>
      %mul3A_1035 = arith.constant 5.000000e-01 : f32
      %mul3A_1036 = vector.broadcast %mul3A_1035 : f32 to vector<16xf32>
      %mul3A_1037 = arith.mulf %bitcast_convert_type3A_1031, %mul3A_1036 : vector<16xf32>
      %select_n3A_1038 = arith.select %gt3A_1034, %mul3A_1037, %bitcast_convert_type3A_1031 : vector<16xi1>, vector<16xf32>
      %convert_element_type3A_1039 = arith.sitofp %sub3A_1024 : vector<16xi32> to vector<16xf32>
      %jit3A_1040 = arith.constant 1.000000e+00 : f32
      %jit3A_1041 = arith.constant 0.000000e+00 : f32
      %broadcast_in_dim3A_1042 = vector.broadcast %jit3A_1040 : f32 to vector<16xf32>
      %broadcast_in_dim3A_1043 = vector.broadcast %jit3A_1041 : f32 to vector<16xf32>
      %select_n3A_1044 = arith.select %gt3A_1034, %broadcast_in_dim3A_1042, %broadcast_in_dim3A_1043 : vector<16xi1>, vector<16xf32>
      %add3A_1045 = arith.addf %convert_element_type3A_1039, %select_n3A_1044 : vector<16xf32>
      %sub3A_1046 = arith.constant 1.000000e+00 : f32
      %sub3A_1047 = vector.broadcast %sub3A_1046 : f32 to vector<16xf32>
      %sub3A_1048 = arith.subf %select_n3A_1038, %sub3A_1047 : vector<16xf32>
      %add3A_1049 = arith.constant 1.000000e+00 : f32
      %add3A_1050 = vector.broadcast %add3A_1049 : f32 to vector<16xf32>
      %add3A_1051 = arith.addf %select_n3A_1038, %add3A_1050 : vector<16xf32>
      %div3A_1052 = arith.divf %sub3A_1048, %add3A_1051 : vector<16xf32>
      %mul3A_1053 = arith.mulf %div3A_1052, %div3A_1052 : vector<16xf32>
      %mul3A_1054 = arith.constant 2.000000e+00 : f32
      %mul3A_1055 = vector.broadcast %mul3A_1054 : f32 to vector<16xf32>
      %mul3A_1056 = arith.mulf %mul3A_1055, %div3A_1052 : vector<16xf32>
      %mul3A_1057 = arith.constant 0.142857149 : f32
      %mul3A_1058 = vector.broadcast %mul3A_1057 : f32 to vector<16xf32>
      %mul3A_1059 = arith.mulf %mul3A_1053, %mul3A_1058 : vector<16xf32>
      %add3A_1060 = arith.constant 2.000000e-01 : f32
      %add3A_1061 = vector.broadcast %add3A_1060 : f32 to vector<16xf32>
      %add3A_1062 = arith.addf %add3A_1061, %mul3A_1059 : vector<16xf32>
      %mul3A_1063 = arith.mulf %mul3A_1053, %add3A_1062 : vector<16xf32>
      %add3A_1064 = arith.constant 0.333333343 : f32
      %add3A_1065 = vector.broadcast %add3A_1064 : f32 to vector<16xf32>
      %add3A_1066 = arith.addf %add3A_1065, %mul3A_1063 : vector<16xf32>
      %mul3A_1067 = arith.mulf %mul3A_1053, %add3A_1066 : vector<16xf32>
      %add3A_1068 = arith.constant 1.000000e+00 : f32
      %add3A_1069 = vector.broadcast %add3A_1068 : f32 to vector<16xf32>
      %add3A_1070 = arith.addf %add3A_1069, %mul3A_1067 : vector<16xf32>
      %mul3A_1071 = arith.mulf %mul3A_1056, %add3A_1070 : vector<16xf32>
      %mul3A_1072 = arith.constant 0.693147182 : f32
      %mul3A_1073 = vector.broadcast %mul3A_1072 : f32 to vector<16xf32>
      %mul3A_1074 = arith.mulf %add3A_1045, %mul3A_1073 : vector<16xf32>
      %add3A_1075 = arith.addf %mul3A_1074, %mul3A_1071 : vector<16xf32>
      %sub3A_1076 = arith.subf %sub3A_1017, %add3A_1075 : vector<16xf32>
      %jit3A_1077 = arith.constant 0xFF800000 : f32
      %broadcast_in_dim3A_1078 = vector.broadcast %jit3A_1077 : f32 to vector<16xf32>
      %select_n3A_1079 = arith.select %or3A_949, %sub3A_1076, %broadcast_in_dim3A_1078 : vector<16xi1>, vector<16xf32>
      %mul3A_1080 = arith.constant 128 : i32
      %mul3A_1081 = arith.muli %scan3A_645, %mul3A_1080 : i32
      %add3A_1082 = arith.constant 16 : i32
      %add3A_1083 = arith.addi %mul3A_1081, %add3A_1082 : i32
      %swap3A_1084 = arith.index_cast %add3A_1083 : i32 to index
      %swap3A_1085 = tpu.vector_load %arg15[%swap3A_1084] {strides = array<i32>} : memref<512xf32, #tpu.memory_space<vmem>>, vector<16xf32>,
      tpu.vector_store %arg15[%swap3A_1084], %select_n3A_1079 {strides = array<i32>} : memref<512xf32, #tpu.memory_space<vmem>>, vector<16xf32>,
      %get3A_1086 = arith.index_cast %scan3A_645 : i32 to index
      %get3A_1087 = arith.constant 32 : index
      %get3A_1088 = tpu.vector_load %arg12[%get3A_1086, %get3A_1087] {strides = array<i32>} : memref<4x128xi32, #tpu.memory_space<vmem>>, vector<16xi32>,
      %get3A_1089 = arith.index_cast %scan3A_645 : i32 to index
      %get3A_1090 = arith.constant 32 : index
      %get3A_1091 = tpu.vector_load %arg13[%get3A_1089, %get3A_1090] {strides = array<i32>} : memref<4x128xi32, #tpu.memory_space<vmem>>, vector<16xi32>,
      %convert_element_type3A_1092 = arith.sitofp %get3A_1088 : vector<16xi32> to vector<16xf32>
      %div3A_1093 = arith.constant 1.000000e+04 : f32
      %div3A_1094 = vector.broadcast %div3A_1093 : f32 to vector<16xf32>
      %div3A_1095 = arith.divf %convert_element_type3A_1092, %div3A_1094 : vector<16xf32>
      %convert_element_type3A_1096 = arith.fptosi %div3A_1095 : vector<16xf32> to vector<16xi32>
      %mul3A_1097 = arith.constant 10000 : i32
      %mul3A_1098 = vector.broadcast %mul3A_1097 : i32 to vector<16xi32>
      %mul3A_1099 = arith.muli %convert_element_type3A_1096, %mul3A_1098 : vector<16xi32>
      %sub3A_1100 = arith.subi %get3A_1088, %mul3A_1099 : vector<16xi32>
      %convert_element_type3A_1101 = arith.sitofp %sub3A_1100 : vector<16xi32> to vector<16xf32>
      %div3A_1102 = arith.constant 1.000000e+02 : f32
      %div3A_1103 = vector.broadcast %div3A_1102 : f32 to vector<16xf32>
      %div3A_1104 = arith.divf %convert_element_type3A_1101, %div3A_1103 : vector<16xf32>
      %convert_element_type3A_1105 = arith.fptosi %div3A_1104 : vector<16xf32> to vector<16xi32>
      %mul3A_1106 = arith.constant 100 : i32
      %mul3A_1107 = vector.broadcast %mul3A_1106 : i32 to vector<16xi32>
      %mul3A_1108 = arith.muli %convert_element_type3A_1105, %mul3A_1107 : vector<16xi32>
      %sub3A_1109 = arith.subi %sub3A_1100, %mul3A_1108 : vector<16xi32>
      %convert_element_type3A_1110 = arith.sitofp %get3A_1091 : vector<16xi32> to vector<16xf32>
      %div3A_1111 = arith.constant 1.000000e+04 : f32
      %div3A_1112 = vector.broadcast %div3A_1111 : f32 to vector<16xf32>
      %div3A_1113 = arith.divf %convert_element_type3A_1110, %div3A_1112 : vector<16xf32>
      %convert_element_type3A_1114 = arith.fptosi %div3A_1113 : vector<16xf32> to vector<16xi32>
      %mul3A_1115 = arith.constant 10000 : i32
      %mul3A_1116 = vector.broadcast %mul3A_1115 : i32 to vector<16xi32>
      %mul3A_1117 = arith.muli %convert_element_type3A_1114, %mul3A_1116 : vector<16xi32>
      %sub3A_1118 = arith.subi %get3A_1091, %mul3A_1117 : vector<16xi32>
      %convert_element_type3A_1119 = arith.sitofp %sub3A_1118 : vector<16xi32> to vector<16xf32>
      %div3A_1120 = arith.constant 1.000000e+02 : f32
      %div3A_1121 = vector.broadcast %div3A_1120 : f32 to vector<16xf32>
      %div3A_1122 = arith.divf %convert_element_type3A_1119, %div3A_1121 : vector<16xf32>
      %convert_element_type3A_1123 = arith.fptosi %div3A_1122 : vector<16xf32> to vector<16xi32>
      %mul3A_1124 = arith.constant 100 : i32
      %mul3A_1125 = vector.broadcast %mul3A_1124 : i32 to vector<16xi32>
      %mul3A_1126 = arith.muli %convert_element_type3A_1123, %mul3A_1125 : vector<16xi32>
      %sub3A_1127 = arith.subi %sub3A_1118, %mul3A_1126 : vector<16xi32>
      %sub3A_1128 = arith.subi %sub3A_1127, %sub3A_1109 : vector<16xi32>
      %sub3A_1129 = arith.subi %convert_element_type3A_1123, %convert_element_type3A_1105 : vector<16xi32>
      %sub3A_1130 = arith.subi %convert_element_type3A_1114, %convert_element_type3A_1096 : vector<16xi32>
      %eq3A_1131 = arith.constant 0 : i32
      %eq3A_1132 = vector.broadcast %eq3A_1131 : i32 to vector<16xi32>
      %eq3A_1133 = arith.cmpi eq, %sub3A_1128, %eq3A_1132 : vector<16xi32>
      %eq3A_1134 = arith.constant 0 : i32
      %eq3A_1135 = vector.broadcast %eq3A_1134 : i32 to vector<16xi32>
      %eq3A_1136 = arith.cmpi eq, %sub3A_1129, %eq3A_1135 : vector<16xi32>
      %eq3A_1137 = arith.constant 0 : i32
      %eq3A_1138 = vector.broadcast %eq3A_1137 : i32 to vector<16xi32>
      %eq3A_1139 = arith.cmpi eq, %sub3A_1130, %eq3A_1138 : vector<16xi32>
      %and3A_1140 = arith.andi %eq3A_1133, %eq3A_1136 : vector<16xi1>
      %and3A_1141 = arith.andi %and3A_1140, %eq3A_1139 : vector<16xi1>
      %eq3A_1142 = arith.constant 1 : i32
      %eq3A_1143 = vector.broadcast %eq3A_1142 : i32 to vector<16xi32>
      %eq3A_1144 = arith.cmpi eq, %sub3A_1128, %eq3A_1143 : vector<16xi32>
      %and3A_1145 = arith.andi %eq3A_1144, %eq3A_1136 : vector<16xi1>
      %and3A_1146 = arith.andi %and3A_1145, %eq3A_1139 : vector<16xi1>
      %eq3A_1147 = arith.constant -1 : i32
      %eq3A_1148 = vector.broadcast %eq3A_1147 : i32 to vector<16xi32>
      %eq3A_1149 = arith.cmpi eq, %sub3A_1128, %eq3A_1148 : vector<16xi32>
      %and3A_1150 = arith.andi %eq3A_1149, %eq3A_1136 : vector<16xi1>
      %and3A_1151 = arith.andi %and3A_1150, %eq3A_1139 : vector<16xi1>
      %eq3A_1152 = arith.constant 1 : i32
      %eq3A_1153 = vector.broadcast %eq3A_1152 : i32 to vector<16xi32>
      %eq3A_1154 = arith.cmpi eq, %sub3A_1129, %eq3A_1153 : vector<16xi32>
      %and3A_1155 = arith.andi %eq3A_1133, %eq3A_1154 : vector<16xi1>
      %and3A_1156 = arith.andi %and3A_1155, %eq3A_1139 : vector<16xi1>
      %eq3A_1157 = arith.constant -1 : i32
      %eq3A_1158 = vector.broadcast %eq3A_1157 : i32 to vector<16xi32>
      %eq3A_1159 = arith.cmpi eq, %sub3A_1129, %eq3A_1158 : vector<16xi32>
      %and3A_1160 = arith.andi %eq3A_1133, %eq3A_1159 : vector<16xi1>
      %and3A_1161 = arith.andi %and3A_1160, %eq3A_1139 : vector<16xi1>
      %and3A_1162 = arith.andi %eq3A_1133, %eq3A_1136 : vector<16xi1>
      %eq3A_1163 = arith.constant 1 : i32
      %eq3A_1164 = vector.broadcast %eq3A_1163 : i32 to vector<16xi32>
      %eq3A_1165 = arith.cmpi eq, %sub3A_1130, %eq3A_1164 : vector<16xi32>
      %and3A_1166 = arith.andi %and3A_1162, %eq3A_1165 : vector<16xi1>
      %and3A_1167 = arith.andi %eq3A_1133, %eq3A_1136 : vector<16xi1>
      %eq3A_1168 = arith.constant 2 : i32
      %eq3A_1169 = vector.broadcast %eq3A_1168 : i32 to vector<16xi32>
      %eq3A_1170 = arith.cmpi eq, %sub3A_1130, %eq3A_1169 : vector<16xi32>
      %and3A_1171 = arith.andi %and3A_1167, %eq3A_1170 : vector<16xi1>
      %or3A_1172 = arith.ori %and3A_1141, %and3A_1146 : vector<16xi1>
      %or3A_1173 = arith.ori %or3A_1172, %and3A_1151 : vector<16xi1>
      %or3A_1174 = arith.ori %or3A_1173, %and3A_1156 : vector<16xi1>
      %or3A_1175 = arith.ori %or3A_1174, %and3A_1161 : vector<16xi1>
      %or3A_1176 = arith.ori %or3A_1175, %and3A_1166 : vector<16xi1>
      %or3A_1177 = arith.ori %or3A_1176, %and3A_1171 : vector<16xi1>
      %get3A_1178 = arith.constant 0 : i32
      %get3A_1179 = arith.index_cast %scan3A_645 : i32 to index
      %get3A_1180 = arith.index_cast %get3A_1178 : i32 to index
      %get3A_1181 = arith.constant 32 : index
      %get3A_1182 = tpu.vector_load %arg14[%get3A_1179, %get3A_1180, %get3A_1181] {strides = array<i32>} : memref<4x7x128xf32, #tpu.memory_space<vmem>>, vector<16xf32>,
      %get3A_1183 = arith.constant 1 : i32
      %get3A_1184 = arith.index_cast %scan3A_645 : i32 to index
      %get3A_1185 = arith.index_cast %get3A_1183 : i32 to index
      %get3A_1186 = arith.constant 32 : index
      %get3A_1187 = tpu.vector_load %arg14[%get3A_1184, %get3A_1185, %get3A_1186] {strides = array<i32>} : memref<4x7x128xf32, #tpu.memory_space<vmem>>, vector<16xf32>,
      %get3A_1188 = arith.constant 2 : i32
      %get3A_1189 = arith.index_cast %scan3A_645 : i32 to index
      %get3A_1190 = arith.index_cast %get3A_1188 : i32 to index
      %get3A_1191 = arith.constant 32 : index
      %get3A_1192 = tpu.vector_load %arg14[%get3A_1189, %get3A_1190, %get3A_1191] {strides = array<i32>} : memref<4x7x128xf32, #tpu.memory_space<vmem>>, vector<16xf32>,
      %get3A_1193 = arith.constant 3 : i32
      %get3A_1194 = arith.index_cast %scan3A_645 : i32 to index
      %get3A_1195 = arith.index_cast %get3A_1193 : i32 to index
      %get3A_1196 = arith.constant 32 : index
      %get3A_1197 = tpu.vector_load %arg14[%get3A_1194, %get3A_1195, %get3A_1196] {strides = array<i32>} : memref<4x7x128xf32, #tpu.memory_space<vmem>>, vector<16xf32>,
      %get3A_1198 = arith.constant 4 : i32
      %get3A_1199 = arith.index_cast %scan3A_645 : i32 to index
      %get3A_1200 = arith.index_cast %get3A_1198 : i32 to index
      %get3A_1201 = arith.constant 32 : index
      %get3A_1202 = tpu.vector_load %arg14[%get3A_1199, %get3A_1200, %get3A_1201] {strides = array<i32>} : memref<4x7x128xf32, #tpu.memory_space<vmem>>, vector<16xf32>,
      %get3A_1203 = arith.constant 5 : i32
      %get3A_1204 = arith.index_cast %scan3A_645 : i32 to index
      %get3A_1205 = arith.index_cast %get3A_1203 : i32 to index
      %get3A_1206 = arith.constant 32 : index
      %get3A_1207 = tpu.vector_load %arg14[%get3A_1204, %get3A_1205, %get3A_1206] {strides = array<i32>} : memref<4x7x128xf32, #tpu.memory_space<vmem>>, vector<16xf32>,
      %get3A_1208 = arith.constant 6 : i32
      %get3A_1209 = arith.index_cast %scan3A_645 : i32 to index
      %get3A_1210 = arith.index_cast %get3A_1208 : i32 to index
      %get3A_1211 = arith.constant 32 : index
      %get3A_1212 = tpu.vector_load %arg14[%get3A_1209, %get3A_1210, %get3A_1211] {strides = array<i32>} : memref<4x7x128xf32, #tpu.memory_space<vmem>>, vector<16xf32>,
      %max3A_1213 = arith.maximumf %get3A_1182, %get3A_1187 : vector<16xf32>
      %max3A_1214 = arith.maximumf %max3A_1213, %get3A_1192 : vector<16xf32>
      %max3A_1215 = arith.maximumf %max3A_1214, %get3A_1197 : vector<16xf32>
      %max3A_1216 = arith.maximumf %max3A_1215, %get3A_1202 : vector<16xf32>
      %max3A_1217 = arith.maximumf %max3A_1216, %get3A_1207 : vector<16xf32>
      %max3A_1218 = arith.maximumf %max3A_1217, %get3A_1212 : vector<16xf32>
      %sub3A_1219 = arith.subf %get3A_1182, %max3A_1218 : vector<16xf32>
      %exp3A_1220 = math.exp %sub3A_1219 : vector<16xf32>
      %sub3A_1221 = arith.subf %get3A_1187, %max3A_1218 : vector<16xf32>
      %exp3A_1222 = math.exp %sub3A_1221 : vector<16xf32>
      %add3A_1223 = arith.addf %exp3A_1220, %exp3A_1222 : vector<16xf32>
      %sub3A_1224 = arith.subf %get3A_1192, %max3A_1218 : vector<16xf32>
      %exp3A_1225 = math.exp %sub3A_1224 : vector<16xf32>
      %add3A_1226 = arith.addf %add3A_1223, %exp3A_1225 : vector<16xf32>
      %sub3A_1227 = arith.subf %get3A_1197, %max3A_1218 : vector<16xf32>
      %exp3A_1228 = math.exp %sub3A_1227 : vector<16xf32>
      %add3A_1229 = arith.addf %add3A_1226, %exp3A_1228 : vector<16xf32>
      %sub3A_1230 = arith.subf %get3A_1202, %max3A_1218 : vector<16xf32>
      %exp3A_1231 = math.exp %sub3A_1230 : vector<16xf32>
      %add3A_1232 = arith.addf %add3A_1229, %exp3A_1231 : vector<16xf32>
      %sub3A_1233 = arith.subf %get3A_1207, %max3A_1218 : vector<16xf32>
      %exp3A_1234 = math.exp %sub3A_1233 : vector<16xf32>
      %add3A_1235 = arith.addf %add3A_1232, %exp3A_1234 : vector<16xf32>
      %sub3A_1236 = arith.subf %get3A_1212, %max3A_1218 : vector<16xf32>
      %exp3A_1237 = math.exp %sub3A_1236 : vector<16xf32>
      %add3A_1238 = arith.addf %add3A_1235, %exp3A_1237 : vector<16xf32>
      %select_n3A_1239 = arith.select %and3A_1146, %get3A_1187, %get3A_1182 : vector<16xi1>, vector<16xf32>
      %select_n3A_1240 = arith.select %and3A_1151, %get3A_1192, %select_n3A_1239 : vector<16xi1>, vector<16xf32>
      %select_n3A_1241 = arith.select %and3A_1156, %get3A_1197, %select_n3A_1240 : vector<16xi1>, vector<16xf32>
      %select_n3A_1242 = arith.select %and3A_1161, %get3A_1202, %select_n3A_1241 : vector<16xi1>, vector<16xf32>
      %select_n3A_1243 = arith.select %and3A_1166, %get3A_1207, %select_n3A_1242 : vector<16xi1>, vector<16xf32>
      %select_n3A_1244 = arith.select %and3A_1171, %get3A_1212, %select_n3A_1243 : vector<16xi1>, vector<16xf32>
      %sub3A_1245 = arith.subf %select_n3A_1244, %max3A_1218 : vector<16xf32>
      %bitcast_convert_type3A_1246 = tpu.bitcast %add3A_1238 : vector<16xf32> -> vector<16xi32>
      %shift_right_arithmetic3A_1247 = arith.constant 23 : i32
      %shift_right_arithmetic3A_1248 = vector.broadcast %shift_right_arithmetic3A_1247 : i32 to vector<16xi32>
      %shift_right_arithmetic3A_1249 = arith.shrsi %bitcast_convert_type3A_1246, %shift_right_arithmetic3A_1248 : vector<16xi32>
      %sub3A_1250 = arith.constant 127 : i32
      %sub3A_1251 = vector.broadcast %sub3A_1250 : i32 to vector<16xi32>
      %sub3A_1252 = arith.subi %shift_right_arithmetic3A_1249, %sub3A_1251 : vector<16xi32>
      %and3A_1253 = arith.constant 8388607 : i32
      %and3A_1254 = vector.broadcast %and3A_1253 : i32 to vector<16xi32>
      %and3A_1255 = arith.andi %bitcast_convert_type3A_1246, %and3A_1254 : vector<16xi32>
      %or3A_1256 = arith.constant 1065353216 : i32
      %or3A_1257 = vector.broadcast %or3A_1256 : i32 to vector<16xi32>
      %or3A_1258 = arith.ori %and3A_1255, %or3A_1257 : vector<16xi32>
      %bitcast_convert_type3A_1259 = tpu.bitcast %or3A_1258 : vector<16xi32> -> vector<16xf32>
      %gt3A_1260 = arith.constant 1.41421354 : f32
      %gt3A_1261 = vector.broadcast %gt3A_1260 : f32 to vector<16xf32>
      %gt3A_1262 = arith.cmpf ogt, %bitcast_convert_type3A_1259, %gt3A_1261 : vector<16xf32>
      %mul3A_1263 = arith.constant 5.000000e-01 : f32
      %mul3A_1264 = vector.broadcast %mul3A_1263 : f32 to vector<16xf32>
      %mul3A_1265 = arith.mulf %bitcast_convert_type3A_1259, %mul3A_1264 : vector<16xf32>
      %select_n3A_1266 = arith.select %gt3A_1262, %mul3A_1265, %bitcast_convert_type3A_1259 : vector<16xi1>, vector<16xf32>
      %convert_element_type3A_1267 = arith.sitofp %sub3A_1252 : vector<16xi32> to vector<16xf32>
      %jit3A_1268 = arith.constant 1.000000e+00 : f32
      %jit3A_1269 = arith.constant 0.000000e+00 : f32
      %broadcast_in_dim3A_1270 = vector.broadcast %jit3A_1268 : f32 to vector<16xf32>
      %broadcast_in_dim3A_1271 = vector.broadcast %jit3A_1269 : f32 to vector<16xf32>
      %select_n3A_1272 = arith.select %gt3A_1262, %broadcast_in_dim3A_1270, %broadcast_in_dim3A_1271 : vector<16xi1>, vector<16xf32>
      %add3A_1273 = arith.addf %convert_element_type3A_1267, %select_n3A_1272 : vector<16xf32>
      %sub3A_1274 = arith.constant 1.000000e+00 : f32
      %sub3A_1275 = vector.broadcast %sub3A_1274 : f32 to vector<16xf32>
      %sub3A_1276 = arith.subf %select_n3A_1266, %sub3A_1275 : vector<16xf32>
      %add3A_1277 = arith.constant 1.000000e+00 : f32
      %add3A_1278 = vector.broadcast %add3A_1277 : f32 to vector<16xf32>
      %add3A_1279 = arith.addf %select_n3A_1266, %add3A_1278 : vector<16xf32>
      %div3A_1280 = arith.divf %sub3A_1276, %add3A_1279 : vector<16xf32>
      %mul3A_1281 = arith.mulf %div3A_1280, %div3A_1280 : vector<16xf32>
      %mul3A_1282 = arith.constant 2.000000e+00 : f32
      %mul3A_1283 = vector.broadcast %mul3A_1282 : f32 to vector<16xf32>
      %mul3A_1284 = arith.mulf %mul3A_1283, %div3A_1280 : vector<16xf32>
      %mul3A_1285 = arith.constant 0.142857149 : f32
      %mul3A_1286 = vector.broadcast %mul3A_1285 : f32 to vector<16xf32>
      %mul3A_1287 = arith.mulf %mul3A_1281, %mul3A_1286 : vector<16xf32>
      %add3A_1288 = arith.constant 2.000000e-01 : f32
      %add3A_1289 = vector.broadcast %add3A_1288 : f32 to vector<16xf32>
      %add3A_1290 = arith.addf %add3A_1289, %mul3A_1287 : vector<16xf32>
      %mul3A_1291 = arith.mulf %mul3A_1281, %add3A_1290 : vector<16xf32>
      %add3A_1292 = arith.constant 0.333333343 : f32
      %add3A_1293 = vector.broadcast %add3A_1292 : f32 to vector<16xf32>
      %add3A_1294 = arith.addf %add3A_1293, %mul3A_1291 : vector<16xf32>
      %mul3A_1295 = arith.mulf %mul3A_1281, %add3A_1294 : vector<16xf32>
      %add3A_1296 = arith.constant 1.000000e+00 : f32
      %add3A_1297 = vector.broadcast %add3A_1296 : f32 to vector<16xf32>
      %add3A_1298 = arith.addf %add3A_1297, %mul3A_1295 : vector<16xf32>
      %mul3A_1299 = arith.mulf %mul3A_1284, %add3A_1298 : vector<16xf32>
      %mul3A_1300 = arith.constant 0.693147182 : f32
      %mul3A_1301 = vector.broadcast %mul3A_1300 : f32 to vector<16xf32>
      %mul3A_1302 = arith.mulf %add3A_1273, %mul3A_1301 : vector<16xf32>
      %add3A_1303 = arith.addf %mul3A_1302, %mul3A_1299 : vector<16xf32>
      %sub3A_1304 = arith.subf %sub3A_1245, %add3A_1303 : vector<16xf32>
      %jit3A_1305 = arith.constant 0xFF800000 : f32
      %broadcast_in_dim3A_1306 = vector.broadcast %jit3A_1305 : f32 to vector<16xf32>
      %select_n3A_1307 = arith.select %or3A_1177, %sub3A_1304, %broadcast_in_dim3A_1306 : vector<16xi1>, vector<16xf32>
      %mul3A_1308 = arith.constant 128 : i32
      %mul3A_1309 = arith.muli %scan3A_645, %mul3A_1308 : i32
      %add3A_1310 = arith.constant 32 : i32
      %add3A_1311 = arith.addi %mul3A_1309, %add3A_1310 : i32
      %swap3A_1312 = arith.index_cast %add3A_1311 : i32 to index
      %swap3A_1313 = tpu.vector_load %arg15[%swap3A_1312] {strides = array<i32>} : memref<512xf32, #tpu.memory_space<vmem>>, vector<16xf32>,
      tpu.vector_store %arg15[%swap3A_1312], %select_n3A_1307 {strides = array<i32>} : memref<512xf32, #tpu.memory_space<vmem>>, vector<16xf32>,
      %get3A_1314 = arith.index_cast %scan3A_645 : i32 to index
      %get3A_1315 = arith.constant 48 : index
      %get3A_1316 = tpu.vector_load %arg12[%get3A_1314, %get3A_1315] {strides = array<i32>} : memref<4x128xi32, #tpu.memory_space<vmem>>, vector<16xi32>,
      %get3A_1317 = arith.index_cast %scan3A_645 : i32 to index
      %get3A_1318 = arith.constant 48 : index
      %get3A_1319 = tpu.vector_load %arg13[%get3A_1317, %get3A_1318] {strides = array<i32>} : memref<4x128xi32, #tpu.memory_space<vmem>>, vector<16xi32>,
      %convert_element_type3A_1320 = arith.sitofp %get3A_1316 : vector<16xi32> to vector<16xf32>
      %div3A_1321 = arith.constant 1.000000e+04 : f32
      %div3A_1322 = vector.broadcast %div3A_1321 : f32 to vector<16xf32>
      %div3A_1323 = arith.divf %convert_element_type3A_1320, %div3A_1322 : vector<16xf32>
      %convert_element_type3A_1324 = arith.fptosi %div3A_1323 : vector<16xf32> to vector<16xi32>
      %mul3A_1325 = arith.constant 10000 : i32
      %mul3A_1326 = vector.broadcast %mul3A_1325 : i32 to vector<16xi32>
      %mul3A_1327 = arith.muli %convert_element_type3A_1324, %mul3A_1326 : vector<16xi32>
      %sub3A_1328 = arith.subi %get3A_1316, %mul3A_1327 : vector<16xi32>
      %convert_element_type3A_1329 = arith.sitofp %sub3A_1328 : vector<16xi32> to vector<16xf32>
      %div3A_1330 = arith.constant 1.000000e+02 : f32
      %div3A_1331 = vector.broadcast %div3A_1330 : f32 to vector<16xf32>
      %div3A_1332 = arith.divf %convert_element_type3A_1329, %div3A_1331 : vector<16xf32>
      %convert_element_type3A_1333 = arith.fptosi %div3A_1332 : vector<16xf32> to vector<16xi32>
      %mul3A_1334 = arith.constant 100 : i32
      %mul3A_1335 = vector.broadcast %mul3A_1334 : i32 to vector<16xi32>
      %mul3A_1336 = arith.muli %convert_element_type3A_1333, %mul3A_1335 : vector<16xi32>
      %sub3A_1337 = arith.subi %sub3A_1328, %mul3A_1336 : vector<16xi32>
      %convert_element_type3A_1338 = arith.sitofp %get3A_1319 : vector<16xi32> to vector<16xf32>
      %div3A_1339 = arith.constant 1.000000e+04 : f32
      %div3A_1340 = vector.broadcast %div3A_1339 : f32 to vector<16xf32>
      %div3A_1341 = arith.divf %convert_element_type3A_1338, %div3A_1340 : vector<16xf32>
      %convert_element_type3A_1342 = arith.fptosi %div3A_1341 : vector<16xf32> to vector<16xi32>
      %mul3A_1343 = arith.constant 10000 : i32
      %mul3A_1344 = vector.broadcast %mul3A_1343 : i32 to vector<16xi32>
      %mul3A_1345 = arith.muli %convert_element_type3A_1342, %mul3A_1344 : vector<16xi32>
      %sub3A_1346 = arith.subi %get3A_1319, %mul3A_1345 : vector<16xi32>
      %convert_element_type3A_1347 = arith.sitofp %sub3A_1346 : vector<16xi32> to vector<16xf32>
      %div3A_1348 = arith.constant 1.000000e+02 : f32
      %div3A_1349 = vector.broadcast %div3A_1348 : f32 to vector<16xf32>
      %div3A_1350 = arith.divf %convert_element_type3A_1347, %div3A_1349 : vector<16xf32>
      %convert_element_type3A_1351 = arith.fptosi %div3A_1350 : vector<16xf32> to vector<16xi32>
      %mul3A_1352 = arith.constant 100 : i32
      %mul3A_1353 = vector.broadcast %mul3A_1352 : i32 to vector<16xi32>
      %mul3A_1354 = arith.muli %convert_element_type3A_1351, %mul3A_1353 : vector<16xi32>
      %sub3A_1355 = arith.subi %sub3A_1346, %mul3A_1354 : vector<16xi32>
      %sub3A_1356 = arith.subi %sub3A_1355, %sub3A_1337 : vector<16xi32>
      %sub3A_1357 = arith.subi %convert_element_type3A_1351, %convert_element_type3A_1333 : vector<16xi32>
      %sub3A_1358 = arith.subi %convert_element_type3A_1342, %convert_element_type3A_1324 : vector<16xi32>
      %eq3A_1359 = arith.constant 0 : i32
      %eq3A_1360 = vector.broadcast %eq3A_1359 : i32 to vector<16xi32>
      %eq3A_1361 = arith.cmpi eq, %sub3A_1356, %eq3A_1360 : vector<16xi32>
      %eq3A_1362 = arith.constant 0 : i32
      %eq3A_1363 = vector.broadcast %eq3A_1362 : i32 to vector<16xi32>
      %eq3A_1364 = arith.cmpi eq, %sub3A_1357, %eq3A_1363 : vector<16xi32>
      %eq3A_1365 = arith.constant 0 : i32
      %eq3A_1366 = vector.broadcast %eq3A_1365 : i32 to vector<16xi32>
      %eq3A_1367 = arith.cmpi eq, %sub3A_1358, %eq3A_1366 : vector<16xi32>
      %and3A_1368 = arith.andi %eq3A_1361, %eq3A_1364 : vector<16xi1>
      %and3A_1369 = arith.andi %and3A_1368, %eq3A_1367 : vector<16xi1>
      %eq3A_1370 = arith.constant 1 : i32
      %eq3A_1371 = vector.broadcast %eq3A_1370 : i32 to vector<16xi32>
      %eq3A_1372 = arith.cmpi eq, %sub3A_1356, %eq3A_1371 : vector<16xi32>
      %and3A_1373 = arith.andi %eq3A_1372, %eq3A_1364 : vector<16xi1>
      %and3A_1374 = arith.andi %and3A_1373, %eq3A_1367 : vector<16xi1>
      %eq3A_1375 = arith.constant -1 : i32
      %eq3A_1376 = vector.broadcast %eq3A_1375 : i32 to vector<16xi32>
      %eq3A_1377 = arith.cmpi eq, %sub3A_1356, %eq3A_1376 : vector<16xi32>
      %and3A_1378 = arith.andi %eq3A_1377, %eq3A_1364 : vector<16xi1>
      %and3A_1379 = arith.andi %and3A_1378, %eq3A_1367 : vector<16xi1>
      %eq3A_1380 = arith.constant 1 : i32
      %eq3A_1381 = vector.broadcast %eq3A_1380 : i32 to vector<16xi32>
      %eq3A_1382 = arith.cmpi eq, %sub3A_1357, %eq3A_1381 : vector<16xi32>
      %and3A_1383 = arith.andi %eq3A_1361, %eq3A_1382 : vector<16xi1>
      %and3A_1384 = arith.andi %and3A_1383, %eq3A_1367 : vector<16xi1>
      %eq3A_1385 = arith.constant -1 : i32
      %eq3A_1386 = vector.broadcast %eq3A_1385 : i32 to vector<16xi32>
      %eq3A_1387 = arith.cmpi eq, %sub3A_1357, %eq3A_1386 : vector<16xi32>
      %and3A_1388 = arith.andi %eq3A_1361, %eq3A_1387 : vector<16xi1>
      %and3A_1389 = arith.andi %and3A_1388, %eq3A_1367 : vector<16xi1>
      %and3A_1390 = arith.andi %eq3A_1361, %eq3A_1364 : vector<16xi1>
      %eq3A_1391 = arith.constant 1 : i32
      %eq3A_1392 = vector.broadcast %eq3A_1391 : i32 to vector<16xi32>
      %eq3A_1393 = arith.cmpi eq, %sub3A_1358, %eq3A_1392 : vector<16xi32>
      %and3A_1394 = arith.andi %and3A_1390, %eq3A_1393 : vector<16xi1>
      %and3A_1395 = arith.andi %eq3A_1361, %eq3A_1364 : vector<16xi1>
      %eq3A_1396 = arith.constant 2 : i32
      %eq3A_1397 = vector.broadcast %eq3A_1396 : i32 to vector<16xi32>
      %eq3A_1398 = arith.cmpi eq, %sub3A_1358, %eq3A_1397 : vector<16xi32>
      %and3A_1399 = arith.andi %and3A_1395, %eq3A_1398 : vector<16xi1>
      %or3A_1400 = arith.ori %and3A_1369, %and3A_1374 : vector<16xi1>
      %or3A_1401 = arith.ori %or3A_1400, %and3A_1379 : vector<16xi1>
      %or3A_1402 = arith.ori %or3A_1401, %and3A_1384 : vector<16xi1>
      %or3A_1403 = arith.ori %or3A_1402, %and3A_1389 : vector<16xi1>
      %or3A_1404 = arith.ori %or3A_1403, %and3A_1394 : vector<16xi1>
      %or3A_1405 = arith.ori %or3A_1404, %and3A_1399 : vector<16xi1>
      %get3A_1406 = arith.constant 0 : i32
      %get3A_1407 = arith.index_cast %scan3A_645 : i32 to index
      %get3A_1408 = arith.index_cast %get3A_1406 : i32 to index
      %get3A_1409 = arith.constant 48 : index
      %get3A_1410 = tpu.vector_load %arg14[%get3A_1407, %get3A_1408, %get3A_1409] {strides = array<i32>} : memref<4x7x128xf32, #tpu.memory_space<vmem>>, vector<16xf32>,
      %get3A_1411 = arith.constant 1 : i32
      %get3A_1412 = arith.index_cast %scan3A_645 : i32 to index
      %get3A_1413 = arith.index_cast %get3A_1411 : i32 to index
      %get3A_1414 = arith.constant 48 : index
      %get3A_1415 = tpu.vector_load %arg14[%get3A_1412, %get3A_1413, %get3A_1414] {strides = array<i32>} : memref<4x7x128xf32, #tpu.memory_space<vmem>>, vector<16xf32>,
      %get3A_1416 = arith.constant 2 : i32
      %get3A_1417 = arith.index_cast %scan3A_645 : i32 to index
      %get3A_1418 = arith.index_cast %get3A_1416 : i32 to index
      %get3A_1419 = arith.constant 48 : index
      %get3A_1420 = tpu.vector_load %arg14[%get3A_1417, %get3A_1418, %get3A_1419] {strides = array<i32>} : memref<4x7x128xf32, #tpu.memory_space<vmem>>, vector<16xf32>,
      %get3A_1421 = arith.constant 3 : i32
      %get3A_1422 = arith.index_cast %scan3A_645 : i32 to index
      %get3A_1423 = arith.index_cast %get3A_1421 : i32 to index
      %get3A_1424 = arith.constant 48 : index
      %get3A_1425 = tpu.vector_load %arg14[%get3A_1422, %get3A_1423, %get3A_1424] {strides = array<i32>} : memref<4x7x128xf32, #tpu.memory_space<vmem>>, vector<16xf32>,
      %get3A_1426 = arith.constant 4 : i32
      %get3A_1427 = arith.index_cast %scan3A_645 : i32 to index
      %get3A_1428 = arith.index_cast %get3A_1426 : i32 to index
      %get3A_1429 = arith.constant 48 : index
      %get3A_1430 = tpu.vector_load %arg14[%get3A_1427, %get3A_1428, %get3A_1429] {strides = array<i32>} : memref<4x7x128xf32, #tpu.memory_space<vmem>>, vector<16xf32>,
      %get3A_1431 = arith.constant 5 : i32
      %get3A_1432 = arith.index_cast %scan3A_645 : i32 to index
      %get3A_1433 = arith.index_cast %get3A_1431 : i32 to index
      %get3A_1434 = arith.constant 48 : index
      %get3A_1435 = tpu.vector_load %arg14[%get3A_1432, %get3A_1433, %get3A_1434] {strides = array<i32>} : memref<4x7x128xf32, #tpu.memory_space<vmem>>, vector<16xf32>,
      %get3A_1436 = arith.constant 6 : i32
      %get3A_1437 = arith.index_cast %scan3A_645 : i32 to index
      %get3A_1438 = arith.index_cast %get3A_1436 : i32 to index
      %get3A_1439 = arith.constant 48 : index
      %get3A_1440 = tpu.vector_load %arg14[%get3A_1437, %get3A_1438, %get3A_1439] {strides = array<i32>} : memref<4x7x128xf32, #tpu.memory_space<vmem>>, vector<16xf32>,
      %max3A_1441 = arith.maximumf %get3A_1410, %get3A_1415 : vector<16xf32>
      %max3A_1442 = arith.maximumf %max3A_1441, %get3A_1420 : vector<16xf32>
      %max3A_1443 = arith.maximumf %max3A_1442, %get3A_1425 : vector<16xf32>
      %max3A_1444 = arith.maximumf %max3A_1443, %get3A_1430 : vector<16xf32>
      %max3A_1445 = arith.maximumf %max3A_1444, %get3A_1435 : vector<16xf32>
      %max3A_1446 = arith.maximumf %max3A_1445, %get3A_1440 : vector<16xf32>
      %sub3A_1447 = arith.subf %get3A_1410, %max3A_1446 : vector<16xf32>
      %exp3A_1448 = math.exp %sub3A_1447 : vector<16xf32>
      %sub3A_1449 = arith.subf %get3A_1415, %max3A_1446 : vector<16xf32>
      %exp3A_1450 = math.exp %sub3A_1449 : vector<16xf32>
      %add3A_1451 = arith.addf %exp3A_1448, %exp3A_1450 : vector<16xf32>
      %sub3A_1452 = arith.subf %get3A_1420, %max3A_1446 : vector<16xf32>
      %exp3A_1453 = math.exp %sub3A_1452 : vector<16xf32>
      %add3A_1454 = arith.addf %add3A_1451, %exp3A_1453 : vector<16xf32>
      %sub3A_1455 = arith.subf %get3A_1425, %max3A_1446 : vector<16xf32>
      %exp3A_1456 = math.exp %sub3A_1455 : vector<16xf32>
      %add3A_1457 = arith.addf %add3A_1454, %exp3A_1456 : vector<16xf32>
      %sub3A_1458 = arith.subf %get3A_1430, %max3A_1446 : vector<16xf32>
      %exp3A_1459 = math.exp %sub3A_1458 : vector<16xf32>
      %add3A_1460 = arith.addf %add3A_1457, %exp3A_1459 : vector<16xf32>
      %sub3A_1461 = arith.subf %get3A_1435, %max3A_1446 : vector<16xf32>
      %exp3A_1462 = math.exp %sub3A_1461 : vector<16xf32>
      %add3A_1463 = arith.addf %add3A_1460, %exp3A_1462 : vector<16xf32>
      %sub3A_1464 = arith.subf %get3A_1440, %max3A_1446 : vector<16xf32>
      %exp3A_1465 = math.exp %sub3A_1464 : vector<16xf32>
      %add3A_1466 = arith.addf %add3A_1463, %exp3A_1465 : vector<16xf32>
      %select_n3A_1467 = arith.select %and3A_1374, %get3A_1415, %get3A_1410 : vector<16xi1>, vector<16xf32>
      %select_n3A_1468 = arith.select %and3A_1379, %get3A_1420, %select_n3A_1467 : vector<16xi1>, vector<16xf32>
      %select_n3A_1469 = arith.select %and3A_1384, %get3A_1425, %select_n3A_1468 : vector<16xi1>, vector<16xf32>
      %select_n3A_1470 = arith.select %and3A_1389, %get3A_1430, %select_n3A_1469 : vector<16xi1>, vector<16xf32>
      %select_n3A_1471 = arith.select %and3A_1394, %get3A_1435, %select_n3A_1470 : vector<16xi1>, vector<16xf32>
      %select_n3A_1472 = arith.select %and3A_1399, %get3A_1440, %select_n3A_1471 : vector<16xi1>, vector<16xf32>
      %sub3A_1473 = arith.subf %select_n3A_1472, %max3A_1446 : vector<16xf32>
      %bitcast_convert_type3A_1474 = tpu.bitcast %add3A_1466 : vector<16xf32> -> vector<16xi32>
      %shift_right_arithmetic3A_1475 = arith.constant 23 : i32
      %shift_right_arithmetic3A_1476 = vector.broadcast %shift_right_arithmetic3A_1475 : i32 to vector<16xi32>
      %shift_right_arithmetic3A_1477 = arith.shrsi %bitcast_convert_type3A_1474, %shift_right_arithmetic3A_1476 : vector<16xi32>
      %sub3A_1478 = arith.constant 127 : i32
      %sub3A_1479 = vector.broadcast %sub3A_1478 : i32 to vector<16xi32>
      %sub3A_1480 = arith.subi %shift_right_arithmetic3A_1477, %sub3A_1479 : vector<16xi32>
      %and3A_1481 = arith.constant 8388607 : i32
      %and3A_1482 = vector.broadcast %and3A_1481 : i32 to vector<16xi32>
      %and3A_1483 = arith.andi %bitcast_convert_type3A_1474, %and3A_1482 : vector<16xi32>
      %or3A_1484 = arith.constant 1065353216 : i32
      %or3A_1485 = vector.broadcast %or3A_1484 : i32 to vector<16xi32>
      %or3A_1486 = arith.ori %and3A_1483, %or3A_1485 : vector<16xi32>
      %bitcast_convert_type3A_1487 = tpu.bitcast %or3A_1486 : vector<16xi32> -> vector<16xf32>
      %gt3A_1488 = arith.constant 1.41421354 : f32
      %gt3A_1489 = vector.broadcast %gt3A_1488 : f32 to vector<16xf32>
      %gt3A_1490 = arith.cmpf ogt, %bitcast_convert_type3A_1487, %gt3A_1489 : vector<16xf32>
      %mul3A_1491 = arith.constant 5.000000e-01 : f32
      %mul3A_1492 = vector.broadcast %mul3A_1491 : f32 to vector<16xf32>
      %mul3A_1493 = arith.mulf %bitcast_convert_type3A_1487, %mul3A_1492 : vector<16xf32>
      %select_n3A_1494 = arith.select %gt3A_1490, %mul3A_1493, %bitcast_convert_type3A_1487 : vector<16xi1>, vector<16xf32>
      %convert_element_type3A_1495 = arith.sitofp %sub3A_1480 : vector<16xi32> to vector<16xf32>
      %jit3A_1496 = arith.constant 1.000000e+00 : f32
      %jit3A_1497 = arith.constant 0.000000e+00 : f32
      %broadcast_in_dim3A_1498 = vector.broadcast %jit3A_1496 : f32 to vector<16xf32>
      %broadcast_in_dim3A_1499 = vector.broadcast %jit3A_1497 : f32 to vector<16xf32>
      %select_n3A_1500 = arith.select %gt3A_1490, %broadcast_in_dim3A_1498, %broadcast_in_dim3A_1499 : vector<16xi1>, vector<16xf32>
      %add3A_1501 = arith.addf %convert_element_type3A_1495, %select_n3A_1500 : vector<16xf32>
      %sub3A_1502 = arith.constant 1.000000e+00 : f32
      %sub3A_1503 = vector.broadcast %sub3A_1502 : f32 to vector<16xf32>
      %sub3A_1504 = arith.subf %select_n3A_1494, %sub3A_1503 : vector<16xf32>
      %add3A_1505 = arith.constant 1.000000e+00 : f32
      %add3A_1506 = vector.broadcast %add3A_1505 : f32 to vector<16xf32>
      %add3A_1507 = arith.addf %select_n3A_1494, %add3A_1506 : vector<16xf32>
      %div3A_1508 = arith.divf %sub3A_1504, %add3A_1507 : vector<16xf32>
      %mul3A_1509 = arith.mulf %div3A_1508, %div3A_1508 : vector<16xf32>
      %mul3A_1510 = arith.constant 2.000000e+00 : f32
      %mul3A_1511 = vector.broadcast %mul3A_1510 : f32 to vector<16xf32>
      %mul3A_1512 = arith.mulf %mul3A_1511, %div3A_1508 : vector<16xf32>
      %mul3A_1513 = arith.constant 0.142857149 : f32
      %mul3A_1514 = vector.broadcast %mul3A_1513 : f32 to vector<16xf32>
      %mul3A_1515 = arith.mulf %mul3A_1509, %mul3A_1514 : vector<16xf32>
      %add3A_1516 = arith.constant 2.000000e-01 : f32
      %add3A_1517 = vector.broadcast %add3A_1516 : f32 to vector<16xf32>
      %add3A_1518 = arith.addf %add3A_1517, %mul3A_1515 : vector<16xf32>
      %mul3A_1519 = arith.mulf %mul3A_1509, %add3A_1518 : vector<16xf32>
      %add3A_1520 = arith.constant 0.333333343 : f32
      %add3A_1521 = vector.broadcast %add3A_1520 : f32 to vector<16xf32>
      %add3A_1522 = arith.addf %add3A_1521, %mul3A_1519 : vector<16xf32>
      %mul3A_1523 = arith.mulf %mul3A_1509, %add3A_1522 : vector<16xf32>
      %add3A_1524 = arith.constant 1.000000e+00 : f32
      %add3A_1525 = vector.broadcast %add3A_1524 : f32 to vector<16xf32>
      %add3A_1526 = arith.addf %add3A_1525, %mul3A_1523 : vector<16xf32>
      %mul3A_1527 = arith.mulf %mul3A_1512, %add3A_1526 : vector<16xf32>
      %mul3A_1528 = arith.constant 0.693147182 : f32
      %mul3A_1529 = vector.broadcast %mul3A_1528 : f32 to vector<16xf32>
      %mul3A_1530 = arith.mulf %add3A_1501, %mul3A_1529 : vector<16xf32>
      %add3A_1531 = arith.addf %mul3A_1530, %mul3A_1527 : vector<16xf32>
      %sub3A_1532 = arith.subf %sub3A_1473, %add3A_1531 : vector<16xf32>
      %jit3A_1533 = arith.constant 0xFF800000 : f32
      %broadcast_in_dim3A_1534 = vector.broadcast %jit3A_1533 : f32 to vector<16xf32>
      %select_n3A_1535 = arith.select %or3A_1405, %sub3A_1532, %broadcast_in_dim3A_1534 : vector<16xi1>, vector<16xf32>
      %mul3A_1536 = arith.constant 128 : i32
      %mul3A_1537 = arith.muli %scan3A_645, %mul3A_1536 : i32
      %add3A_1538 = arith.constant 48 : i32
      %add3A_1539 = arith.addi %mul3A_1537, %add3A_1538 : i32
      %swap3A_1540 = arith.index_cast %add3A_1539 : i32 to index
      %swap3A_1541 = tpu.vector_load %arg15[%swap3A_1540] {strides = array<i32>} : memref<512xf32, #tpu.memory_space<vmem>>, vector<16xf32>,
      tpu.vector_store %arg15[%swap3A_1540], %select_n3A_1535 {strides = array<i32>} : memref<512xf32, #tpu.memory_space<vmem>>, vector<16xf32>,
      %get3A_1542 = arith.index_cast %scan3A_645 : i32 to index
      %get3A_1543 = arith.constant 64 : index
      %get3A_1544 = tpu.vector_load %arg12[%get3A_1542, %get3A_1543] {strides = array<i32>} : memref<4x128xi32, #tpu.memory_space<vmem>>, vector<16xi32>,
      %get3A_1545 = arith.index_cast %scan3A_645 : i32 to index
      %get3A_1546 = arith.constant 64 : index
      %get3A_1547 = tpu.vector_load %arg13[%get3A_1545, %get3A_1546] {strides = array<i32>} : memref<4x128xi32, #tpu.memory_space<vmem>>, vector<16xi32>,
      %convert_element_type3A_1548 = arith.sitofp %get3A_1544 : vector<16xi32> to vector<16xf32>
      %div3A_1549 = arith.constant 1.000000e+04 : f32
      %div3A_1550 = vector.broadcast %div3A_1549 : f32 to vector<16xf32>
      %div3A_1551 = arith.divf %convert_element_type3A_1548, %div3A_1550 : vector<16xf32>
      %convert_element_type3A_1552 = arith.fptosi %div3A_1551 : vector<16xf32> to vector<16xi32>
      %mul3A_1553 = arith.constant 10000 : i32
      %mul3A_1554 = vector.broadcast %mul3A_1553 : i32 to vector<16xi32>
      %mul3A_1555 = arith.muli %convert_element_type3A_1552, %mul3A_1554 : vector<16xi32>
      %sub3A_1556 = arith.subi %get3A_1544, %mul3A_1555 : vector<16xi32>
      %convert_element_type3A_1557 = arith.sitofp %sub3A_1556 : vector<16xi32> to vector<16xf32>
      %div3A_1558 = arith.constant 1.000000e+02 : f32
      %div3A_1559 = vector.broadcast %div3A_1558 : f32 to vector<16xf32>
      %div3A_1560 = arith.divf %convert_element_type3A_1557, %div3A_1559 : vector<16xf32>
      %convert_element_type3A_1561 = arith.fptosi %div3A_1560 : vector<16xf32> to vector<16xi32>
      %mul3A_1562 = arith.constant 100 : i32
      %mul3A_1563 = vector.broadcast %mul3A_1562 : i32 to vector<16xi32>
      %mul3A_1564 = arith.muli %convert_element_type3A_1561, %mul3A_1563 : vector<16xi32>
      %sub3A_1565 = arith.subi %sub3A_1556, %mul3A_1564 : vector<16xi32>
      %convert_element_type3A_1566 = arith.sitofp %get3A_1547 : vector<16xi32> to vector<16xf32>
      %div3A_1567 = arith.constant 1.000000e+04 : f32
      %div3A_1568 = vector.broadcast %div3A_1567 : f32 to vector<16xf32>
      %div3A_1569 = arith.divf %convert_element_type3A_1566, %div3A_1568 : vector<16xf32>
      %convert_element_type3A_1570 = arith.fptosi %div3A_1569 : vector<16xf32> to vector<16xi32>
      %mul3A_1571 = arith.constant 10000 : i32
      %mul3A_1572 = vector.broadcast %mul3A_1571 : i32 to vector<16xi32>
      %mul3A_1573 = arith.muli %convert_element_type3A_1570, %mul3A_1572 : vector<16xi32>
      %sub3A_1574 = arith.subi %get3A_1547, %mul3A_1573 : vector<16xi32>
      %convert_element_type3A_1575 = arith.sitofp %sub3A_1574 : vector<16xi32> to vector<16xf32>
      %div3A_1576 = arith.constant 1.000000e+02 : f32
      %div3A_1577 = vector.broadcast %div3A_1576 : f32 to vector<16xf32>
      %div3A_1578 = arith.divf %convert_element_type3A_1575, %div3A_1577 : vector<16xf32>
      %convert_element_type3A_1579 = arith.fptosi %div3A_1578 : vector<16xf32> to vector<16xi32>
      %mul3A_1580 = arith.constant 100 : i32
      %mul3A_1581 = vector.broadcast %mul3A_1580 : i32 to vector<16xi32>
      %mul3A_1582 = arith.muli %convert_element_type3A_1579, %mul3A_1581 : vector<16xi32>
      %sub3A_1583 = arith.subi %sub3A_1574, %mul3A_1582 : vector<16xi32>
      %sub3A_1584 = arith.subi %sub3A_1583, %sub3A_1565 : vector<16xi32>
      %sub3A_1585 = arith.subi %convert_element_type3A_1579, %convert_element_type3A_1561 : vector<16xi32>
      %sub3A_1586 = arith.subi %convert_element_type3A_1570, %convert_element_type3A_1552 : vector<16xi32>
      %eq3A_1587 = arith.constant 0 : i32
      %eq3A_1588 = vector.broadcast %eq3A_1587 : i32 to vector<16xi32>
      %eq3A_1589 = arith.cmpi eq, %sub3A_1584, %eq3A_1588 : vector<16xi32>
      %eq3A_1590 = arith.constant 0 : i32
      %eq3A_1591 = vector.broadcast %eq3A_1590 : i32 to vector<16xi32>
      %eq3A_1592 = arith.cmpi eq, %sub3A_1585, %eq3A_1591 : vector<16xi32>
      %eq3A_1593 = arith.constant 0 : i32
      %eq3A_1594 = vector.broadcast %eq3A_1593 : i32 to vector<16xi32>
      %eq3A_1595 = arith.cmpi eq, %sub3A_1586, %eq3A_1594 : vector<16xi32>
      %and3A_1596 = arith.andi %eq3A_1589, %eq3A_1592 : vector<16xi1>
      %and3A_1597 = arith.andi %and3A_1596, %eq3A_1595 : vector<16xi1>
      %eq3A_1598 = arith.constant 1 : i32
      %eq3A_1599 = vector.broadcast %eq3A_1598 : i32 to vector<16xi32>
      %eq3A_1600 = arith.cmpi eq, %sub3A_1584, %eq3A_1599 : vector<16xi32>
      %and3A_1601 = arith.andi %eq3A_1600, %eq3A_1592 : vector<16xi1>
      %and3A_1602 = arith.andi %and3A_1601, %eq3A_1595 : vector<16xi1>
      %eq3A_1603 = arith.constant -1 : i32
      %eq3A_1604 = vector.broadcast %eq3A_1603 : i32 to vector<16xi32>
      %eq3A_1605 = arith.cmpi eq, %sub3A_1584, %eq3A_1604 : vector<16xi32>
      %and3A_1606 = arith.andi %eq3A_1605, %eq3A_1592 : vector<16xi1>
      %and3A_1607 = arith.andi %and3A_1606, %eq3A_1595 : vector<16xi1>
      %eq3A_1608 = arith.constant 1 : i32
      %eq3A_1609 = vector.broadcast %eq3A_1608 : i32 to vector<16xi32>
      %eq3A_1610 = arith.cmpi eq, %sub3A_1585, %eq3A_1609 : vector<16xi32>
      %and3A_1611 = arith.andi %eq3A_1589, %eq3A_1610 : vector<16xi1>
      %and3A_1612 = arith.andi %and3A_1611, %eq3A_1595 : vector<16xi1>
      %eq3A_1613 = arith.constant -1 : i32
      %eq3A_1614 = vector.broadcast %eq3A_1613 : i32 to vector<16xi32>
      %eq3A_1615 = arith.cmpi eq, %sub3A_1585, %eq3A_1614 : vector<16xi32>
      %and3A_1616 = arith.andi %eq3A_1589, %eq3A_1615 : vector<16xi1>
      %and3A_1617 = arith.andi %and3A_1616, %eq3A_1595 : vector<16xi1>
      %and3A_1618 = arith.andi %eq3A_1589, %eq3A_1592 : vector<16xi1>
      %eq3A_1619 = arith.constant 1 : i32
      %eq3A_1620 = vector.broadcast %eq3A_1619 : i32 to vector<16xi32>
      %eq3A_1621 = arith.cmpi eq, %sub3A_1586, %eq3A_1620 : vector<16xi32>
      %and3A_1622 = arith.andi %and3A_1618, %eq3A_1621 : vector<16xi1>
      %and3A_1623 = arith.andi %eq3A_1589, %eq3A_1592 : vector<16xi1>
      %eq3A_1624 = arith.constant 2 : i32
      %eq3A_1625 = vector.broadcast %eq3A_1624 : i32 to vector<16xi32>
      %eq3A_1626 = arith.cmpi eq, %sub3A_1586, %eq3A_1625 : vector<16xi32>
      %and3A_1627 = arith.andi %and3A_1623, %eq3A_1626 : vector<16xi1>
      %or3A_1628 = arith.ori %and3A_1597, %and3A_1602 : vector<16xi1>
      %or3A_1629 = arith.ori %or3A_1628, %and3A_1607 : vector<16xi1>
      %or3A_1630 = arith.ori %or3A_1629, %and3A_1612 : vector<16xi1>
      %or3A_1631 = arith.ori %or3A_1630, %and3A_1617 : vector<16xi1>
      %or3A_1632 = arith.ori %or3A_1631, %and3A_1622 : vector<16xi1>
      %or3A_1633 = arith.ori %or3A_1632, %and3A_1627 : vector<16xi1>
      %get3A_1634 = arith.constant 0 : i32
      %get3A_1635 = arith.index_cast %scan3A_645 : i32 to index
      %get3A_1636 = arith.index_cast %get3A_1634 : i32 to index
      %get3A_1637 = arith.constant 64 : index
      %get3A_1638 = tpu.vector_load %arg14[%get3A_1635, %get3A_1636, %get3A_1637] {strides = array<i32>} : memref<4x7x128xf32, #tpu.memory_space<vmem>>, vector<16xf32>,
      %get3A_1639 = arith.constant 1 : i32
      %get3A_1640 = arith.index_cast %scan3A_645 : i32 to index
      %get3A_1641 = arith.index_cast %get3A_1639 : i32 to index
      %get3A_1642 = arith.constant 64 : index
      %get3A_1643 = tpu.vector_load %arg14[%get3A_1640, %get3A_1641, %get3A_1642] {strides = array<i32>} : memref<4x7x128xf32, #tpu.memory_space<vmem>>, vector<16xf32>,
      %get3A_1644 = arith.constant 2 : i32
      %get3A_1645 = arith.index_cast %scan3A_645 : i32 to index
      %get3A_1646 = arith.index_cast %get3A_1644 : i32 to index
      %get3A_1647 = arith.constant 64 : index
      %get3A_1648 = tpu.vector_load %arg14[%get3A_1645, %get3A_1646, %get3A_1647] {strides = array<i32>} : memref<4x7x128xf32, #tpu.memory_space<vmem>>, vector<16xf32>,
      %get3A_1649 = arith.constant 3 : i32
      %get3A_1650 = arith.index_cast %scan3A_645 : i32 to index
      %get3A_1651 = arith.index_cast %get3A_1649 : i32 to index
      %get3A_1652 = arith.constant 64 : index
      %get3A_1653 = tpu.vector_load %arg14[%get3A_1650, %get3A_1651, %get3A_1652] {strides = array<i32>} : memref<4x7x128xf32, #tpu.memory_space<vmem>>, vector<16xf32>,
      %get3A_1654 = arith.constant 4 : i32
      %get3A_1655 = arith.index_cast %scan3A_645 : i32 to index
      %get3A_1656 = arith.index_cast %get3A_1654 : i32 to index
      %get3A_1657 = arith.constant 64 : index
      %get3A_1658 = tpu.vector_load %arg14[%get3A_1655, %get3A_1656, %get3A_1657] {strides = array<i32>} : memref<4x7x128xf32, #tpu.memory_space<vmem>>, vector<16xf32>,
      %get3A_1659 = arith.constant 5 : i32
      %get3A_1660 = arith.index_cast %scan3A_645 : i32 to index
      %get3A_1661 = arith.index_cast %get3A_1659 : i32 to index
      %get3A_1662 = arith.constant 64 : index
      %get3A_1663 = tpu.vector_load %arg14[%get3A_1660, %get3A_1661, %get3A_1662] {strides = array<i32>} : memref<4x7x128xf32, #tpu.memory_space<vmem>>, vector<16xf32>,
      %get3A_1664 = arith.constant 6 : i32
      %get3A_1665 = arith.index_cast %scan3A_645 : i32 to index
      %get3A_1666 = arith.index_cast %get3A_1664 : i32 to index
      %get3A_1667 = arith.constant 64 : index
      %get3A_1668 = tpu.vector_load %arg14[%get3A_1665, %get3A_1666, %get3A_1667] {strides = array<i32>} : memref<4x7x128xf32, #tpu.memory_space<vmem>>, vector<16xf32>,
      %max3A_1669 = arith.maximumf %get3A_1638, %get3A_1643 : vector<16xf32>
      %max3A_1670 = arith.maximumf %max3A_1669, %get3A_1648 : vector<16xf32>
      %max3A_1671 = arith.maximumf %max3A_1670, %get3A_1653 : vector<16xf32>
      %max3A_1672 = arith.maximumf %max3A_1671, %get3A_1658 : vector<16xf32>
      %max3A_1673 = arith.maximumf %max3A_1672, %get3A_1663 : vector<16xf32>
      %max3A_1674 = arith.maximumf %max3A_1673, %get3A_1668 : vector<16xf32>
      %sub3A_1675 = arith.subf %get3A_1638, %max3A_1674 : vector<16xf32>
      %exp3A_1676 = math.exp %sub3A_1675 : vector<16xf32>
      %sub3A_1677 = arith.subf %get3A_1643, %max3A_1674 : vector<16xf32>
      %exp3A_1678 = math.exp %sub3A_1677 : vector<16xf32>
      %add3A_1679 = arith.addf %exp3A_1676, %exp3A_1678 : vector<16xf32>
      %sub3A_1680 = arith.subf %get3A_1648, %max3A_1674 : vector<16xf32>
      %exp3A_1681 = math.exp %sub3A_1680 : vector<16xf32>
      %add3A_1682 = arith.addf %add3A_1679, %exp3A_1681 : vector<16xf32>
      %sub3A_1683 = arith.subf %get3A_1653, %max3A_1674 : vector<16xf32>
      %exp3A_1684 = math.exp %sub3A_1683 : vector<16xf32>
      %add3A_1685 = arith.addf %add3A_1682, %exp3A_1684 : vector<16xf32>
      %sub3A_1686 = arith.subf %get3A_1658, %max3A_1674 : vector<16xf32>
      %exp3A_1687 = math.exp %sub3A_1686 : vector<16xf32>
      %add3A_1688 = arith.addf %add3A_1685, %exp3A_1687 : vector<16xf32>
      %sub3A_1689 = arith.subf %get3A_1663, %max3A_1674 : vector<16xf32>
      %exp3A_1690 = math.exp %sub3A_1689 : vector<16xf32>
      %add3A_1691 = arith.addf %add3A_1688, %exp3A_1690 : vector<16xf32>
      %sub3A_1692 = arith.subf %get3A_1668, %max3A_1674 : vector<16xf32>
      %exp3A_1693 = math.exp %sub3A_1692 : vector<16xf32>
      %add3A_1694 = arith.addf %add3A_1691, %exp3A_1693 : vector<16xf32>
      %select_n3A_1695 = arith.select %and3A_1602, %get3A_1643, %get3A_1638 : vector<16xi1>, vector<16xf32>
      %select_n3A_1696 = arith.select %and3A_1607, %get3A_1648, %select_n3A_1695 : vector<16xi1>, vector<16xf32>
      %select_n3A_1697 = arith.select %and3A_1612, %get3A_1653, %select_n3A_1696 : vector<16xi1>, vector<16xf32>
      %select_n3A_1698 = arith.select %and3A_1617, %get3A_1658, %select_n3A_1697 : vector<16xi1>, vector<16xf32>
      %select_n3A_1699 = arith.select %and3A_1622, %get3A_1663, %select_n3A_1698 : vector<16xi1>, vector<16xf32>
      %select_n3A_1700 = arith.select %and3A_1627, %get3A_1668, %select_n3A_1699 : vector<16xi1>, vector<16xf32>
      %sub3A_1701 = arith.subf %select_n3A_1700, %max3A_1674 : vector<16xf32>
      %bitcast_convert_type3A_1702 = tpu.bitcast %add3A_1694 : vector<16xf32> -> vector<16xi32>
      %shift_right_arithmetic3A_1703 = arith.constant 23 : i32
      %shift_right_arithmetic3A_1704 = vector.broadcast %shift_right_arithmetic3A_1703 : i32 to vector<16xi32>
      %shift_right_arithmetic3A_1705 = arith.shrsi %bitcast_convert_type3A_1702, %shift_right_arithmetic3A_1704 : vector<16xi32>
      %sub3A_1706 = arith.constant 127 : i32
      %sub3A_1707 = vector.broadcast %sub3A_1706 : i32 to vector<16xi32>
      %sub3A_1708 = arith.subi %shift_right_arithmetic3A_1705, %sub3A_1707 : vector<16xi32>
      %and3A_1709 = arith.constant 8388607 : i32
      %and3A_1710 = vector.broadcast %and3A_1709 : i32 to vector<16xi32>
      %and3A_1711 = arith.andi %bitcast_convert_type3A_1702, %and3A_1710 : vector<16xi32>
      %or3A_1712 = arith.constant 1065353216 : i32
      %or3A_1713 = vector.broadcast %or3A_1712 : i32 to vector<16xi32>
      %or3A_1714 = arith.ori %and3A_1711, %or3A_1713 : vector<16xi32>
      %bitcast_convert_type3A_1715 = tpu.bitcast %or3A_1714 : vector<16xi32> -> vector<16xf32>
      %gt3A_1716 = arith.constant 1.41421354 : f32
      %gt3A_1717 = vector.broadcast %gt3A_1716 : f32 to vector<16xf32>
      %gt3A_1718 = arith.cmpf ogt, %bitcast_convert_type3A_1715, %gt3A_1717 : vector<16xf32>
      %mul3A_1719 = arith.constant 5.000000e-01 : f32
      %mul3A_1720 = vector.broadcast %mul3A_1719 : f32 to vector<16xf32>
      %mul3A_1721 = arith.mulf %bitcast_convert_type3A_1715, %mul3A_1720 : vector<16xf32>
      %select_n3A_1722 = arith.select %gt3A_1718, %mul3A_1721, %bitcast_convert_type3A_1715 : vector<16xi1>, vector<16xf32>
      %convert_element_type3A_1723 = arith.sitofp %sub3A_1708 : vector<16xi32> to vector<16xf32>
      %jit3A_1724 = arith.constant 1.000000e+00 : f32
      %jit3A_1725 = arith.constant 0.000000e+00 : f32
      %broadcast_in_dim3A_1726 = vector.broadcast %jit3A_1724 : f32 to vector<16xf32>
      %broadcast_in_dim3A_1727 = vector.broadcast %jit3A_1725 : f32 to vector<16xf32>
      %select_n3A_1728 = arith.select %gt3A_1718, %broadcast_in_dim3A_1726, %broadcast_in_dim3A_1727 : vector<16xi1>, vector<16xf32>
      %add3A_1729 = arith.addf %convert_element_type3A_1723, %select_n3A_1728 : vector<16xf32>
      %sub3A_1730 = arith.constant 1.000000e+00 : f32
      %sub3A_1731 = vector.broadcast %sub3A_1730 : f32 to vector<16xf32>
      %sub3A_1732 = arith.subf %select_n3A_1722, %sub3A_1731 : vector<16xf32>
      %add3A_1733 = arith.constant 1.000000e+00 : f32
      %add3A_1734 = vector.broadcast %add3A_1733 : f32 to vector<16xf32>
      %add3A_1735 = arith.addf %select_n3A_1722, %add3A_1734 : vector<16xf32>
      %div3A_1736 = arith.divf %sub3A_1732, %add3A_1735 : vector<16xf32>
      %mul3A_1737 = arith.mulf %div3A_1736, %div3A_1736 : vector<16xf32>
      %mul3A_1738 = arith.constant 2.000000e+00 : f32
      %mul3A_1739 = vector.broadcast %mul3A_1738 : f32 to vector<16xf32>
      %mul3A_1740 = arith.mulf %mul3A_1739, %div3A_1736 : vector<16xf32>
      %mul3A_1741 = arith.constant 0.142857149 : f32
      %mul3A_1742 = vector.broadcast %mul3A_1741 : f32 to vector<16xf32>
      %mul3A_1743 = arith.mulf %mul3A_1737, %mul3A_1742 : vector<16xf32>
      %add3A_1744 = arith.constant 2.000000e-01 : f32
      %add3A_1745 = vector.broadcast %add3A_1744 : f32 to vector<16xf32>
      %add3A_1746 = arith.addf %add3A_1745, %mul3A_1743 : vector<16xf32>
      %mul3A_1747 = arith.mulf %mul3A_1737, %add3A_1746 : vector<16xf32>
      %add3A_1748 = arith.constant 0.333333343 : f32
      %add3A_1749 = vector.broadcast %add3A_1748 : f32 to vector<16xf32>
      %add3A_1750 = arith.addf %add3A_1749, %mul3A_1747 : vector<16xf32>
      %mul3A_1751 = arith.mulf %mul3A_1737, %add3A_1750 : vector<16xf32>
      %add3A_1752 = arith.constant 1.000000e+00 : f32
      %add3A_1753 = vector.broadcast %add3A_1752 : f32 to vector<16xf32>
      %add3A_1754 = arith.addf %add3A_1753, %mul3A_1751 : vector<16xf32>
      %mul3A_1755 = arith.mulf %mul3A_1740, %add3A_1754 : vector<16xf32>
      %mul3A_1756 = arith.constant 0.693147182 : f32
      %mul3A_1757 = vector.broadcast %mul3A_1756 : f32 to vector<16xf32>
      %mul3A_1758 = arith.mulf %add3A_1729, %mul3A_1757 : vector<16xf32>
      %add3A_1759 = arith.addf %mul3A_1758, %mul3A_1755 : vector<16xf32>
      %sub3A_1760 = arith.subf %sub3A_1701, %add3A_1759 : vector<16xf32>
      %jit3A_1761 = arith.constant 0xFF800000 : f32
      %broadcast_in_dim3A_1762 = vector.broadcast %jit3A_1761 : f32 to vector<16xf32>
      %select_n3A_1763 = arith.select %or3A_1633, %sub3A_1760, %broadcast_in_dim3A_1762 : vector<16xi1>, vector<16xf32>
      %mul3A_1764 = arith.constant 128 : i32
      %mul3A_1765 = arith.muli %scan3A_645, %mul3A_1764 : i32
      %add3A_1766 = arith.constant 64 : i32
      %add3A_1767 = arith.addi %mul3A_1765, %add3A_1766 : i32
      %swap3A_1768 = arith.index_cast %add3A_1767 : i32 to index
      %swap3A_1769 = tpu.vector_load %arg15[%swap3A_1768] {strides = array<i32>} : memref<512xf32, #tpu.memory_space<vmem>>, vector<16xf32>,
      tpu.vector_store %arg15[%swap3A_1768], %select_n3A_1763 {strides = array<i32>} : memref<512xf32, #tpu.memory_space<vmem>>, vector<16xf32>,
      %get3A_1770 = arith.index_cast %scan3A_645 : i32 to index
      %get3A_1771 = arith.constant 80 : index
      %get3A_1772 = tpu.vector_load %arg12[%get3A_1770, %get3A_1771] {strides = array<i32>} : memref<4x128xi32, #tpu.memory_space<vmem>>, vector<16xi32>,
      %get3A_1773 = arith.index_cast %scan3A_645 : i32 to index
      %get3A_1774 = arith.constant 80 : index
      %get3A_1775 = tpu.vector_load %arg13[%get3A_1773, %get3A_1774] {strides = array<i32>} : memref<4x128xi32, #tpu.memory_space<vmem>>, vector<16xi32>,
      %convert_element_type3A_1776 = arith.sitofp %get3A_1772 : vector<16xi32> to vector<16xf32>
      %div3A_1777 = arith.constant 1.000000e+04 : f32
      %div3A_1778 = vector.broadcast %div3A_1777 : f32 to vector<16xf32>
      %div3A_1779 = arith.divf %convert_element_type3A_1776, %div3A_1778 : vector<16xf32>
      %convert_element_type3A_1780 = arith.fptosi %div3A_1779 : vector<16xf32> to vector<16xi32>
      %mul3A_1781 = arith.constant 10000 : i32
      %mul3A_1782 = vector.broadcast %mul3A_1781 : i32 to vector<16xi32>
      %mul3A_1783 = arith.muli %convert_element_type3A_1780, %mul3A_1782 : vector<16xi32>
      %sub3A_1784 = arith.subi %get3A_1772, %mul3A_1783 : vector<16xi32>
      %convert_element_type3A_1785 = arith.sitofp %sub3A_1784 : vector<16xi32> to vector<16xf32>
      %div3A_1786 = arith.constant 1.000000e+02 : f32
      %div3A_1787 = vector.broadcast %div3A_1786 : f32 to vector<16xf32>
      %div3A_1788 = arith.divf %convert_element_type3A_1785, %div3A_1787 : vector<16xf32>
      %convert_element_type3A_1789 = arith.fptosi %div3A_1788 : vector<16xf32> to vector<16xi32>
      %mul3A_1790 = arith.constant 100 : i32
      %mul3A_1791 = vector.broadcast %mul3A_1790 : i32 to vector<16xi32>
      %mul3A_1792 = arith.muli %convert_element_type3A_1789, %mul3A_1791 : vector<16xi32>
      %sub3A_1793 = arith.subi %sub3A_1784, %mul3A_1792 : vector<16xi32>
      %convert_element_type3A_1794 = arith.sitofp %get3A_1775 : vector<16xi32> to vector<16xf32>
      %div3A_1795 = arith.constant 1.000000e+04 : f32
      %div3A_1796 = vector.broadcast %div3A_1795 : f32 to vector<16xf32>
      %div3A_1797 = arith.divf %convert_element_type3A_1794, %div3A_1796 : vector<16xf32>
      %convert_element_type3A_1798 = arith.fptosi %div3A_1797 : vector<16xf32> to vector<16xi32>
      %mul3A_1799 = arith.constant 10000 : i32
      %mul3A_1800 = vector.broadcast %mul3A_1799 : i32 to vector<16xi32>
      %mul3A_1801 = arith.muli %convert_element_type3A_1798, %mul3A_1800 : vector<16xi32>
      %sub3A_1802 = arith.subi %get3A_1775, %mul3A_1801 : vector<16xi32>
      %convert_element_type3A_1803 = arith.sitofp %sub3A_1802 : vector<16xi32> to vector<16xf32>
      %div3A_1804 = arith.constant 1.000000e+02 : f32
      %div3A_1805 = vector.broadcast %div3A_1804 : f32 to vector<16xf32>
      %div3A_1806 = arith.divf %convert_element_type3A_1803, %div3A_1805 : vector<16xf32>
      %convert_element_type3A_1807 = arith.fptosi %div3A_1806 : vector<16xf32> to vector<16xi32>
      %mul3A_1808 = arith.constant 100 : i32
      %mul3A_1809 = vector.broadcast %mul3A_1808 : i32 to vector<16xi32>
      %mul3A_1810 = arith.muli %convert_element_type3A_1807, %mul3A_1809 : vector<16xi32>
      %sub3A_1811 = arith.subi %sub3A_1802, %mul3A_1810 : vector<16xi32>
      %sub3A_1812 = arith.subi %sub3A_1811, %sub3A_1793 : vector<16xi32>
      %sub3A_1813 = arith.subi %convert_element_type3A_1807, %convert_element_type3A_1789 : vector<16xi32>
      %sub3A_1814 = arith.subi %convert_element_type3A_1798, %convert_element_type3A_1780 : vector<16xi32>
      %eq3A_1815 = arith.constant 0 : i32
      %eq3A_1816 = vector.broadcast %eq3A_1815 : i32 to vector<16xi32>
      %eq3A_1817 = arith.cmpi eq, %sub3A_1812, %eq3A_1816 : vector<16xi32>
      %eq3A_1818 = arith.constant 0 : i32
      %eq3A_1819 = vector.broadcast %eq3A_1818 : i32 to vector<16xi32>
      %eq3A_1820 = arith.cmpi eq, %sub3A_1813, %eq3A_1819 : vector<16xi32>
      %eq3A_1821 = arith.constant 0 : i32
      %eq3A_1822 = vector.broadcast %eq3A_1821 : i32 to vector<16xi32>
      %eq3A_1823 = arith.cmpi eq, %sub3A_1814, %eq3A_1822 : vector<16xi32>
      %and3A_1824 = arith.andi %eq3A_1817, %eq3A_1820 : vector<16xi1>
      %and3A_1825 = arith.andi %and3A_1824, %eq3A_1823 : vector<16xi1>
      %eq3A_1826 = arith.constant 1 : i32
      %eq3A_1827 = vector.broadcast %eq3A_1826 : i32 to vector<16xi32>
      %eq3A_1828 = arith.cmpi eq, %sub3A_1812, %eq3A_1827 : vector<16xi32>
      %and3A_1829 = arith.andi %eq3A_1828, %eq3A_1820 : vector<16xi1>
      %and3A_1830 = arith.andi %and3A_1829, %eq3A_1823 : vector<16xi1>
      %eq3A_1831 = arith.constant -1 : i32
      %eq3A_1832 = vector.broadcast %eq3A_1831 : i32 to vector<16xi32>
      %eq3A_1833 = arith.cmpi eq, %sub3A_1812, %eq3A_1832 : vector<16xi32>
      %and3A_1834 = arith.andi %eq3A_1833, %eq3A_1820 : vector<16xi1>
      %and3A_1835 = arith.andi %and3A_1834, %eq3A_1823 : vector<16xi1>
      %eq3A_1836 = arith.constant 1 : i32
      %eq3A_1837 = vector.broadcast %eq3A_1836 : i32 to vector<16xi32>
      %eq3A_1838 = arith.cmpi eq, %sub3A_1813, %eq3A_1837 : vector<16xi32>
      %and3A_1839 = arith.andi %eq3A_1817, %eq3A_1838 : vector<16xi1>
      %and3A_1840 = arith.andi %and3A_1839, %eq3A_1823 : vector<16xi1>
      %eq3A_1841 = arith.constant -1 : i32
      %eq3A_1842 = vector.broadcast %eq3A_1841 : i32 to vector<16xi32>
      %eq3A_1843 = arith.cmpi eq, %sub3A_1813, %eq3A_1842 : vector<16xi32>
      %and3A_1844 = arith.andi %eq3A_1817, %eq3A_1843 : vector<16xi1>
      %and3A_1845 = arith.andi %and3A_1844, %eq3A_1823 : vector<16xi1>
      %and3A_1846 = arith.andi %eq3A_1817, %eq3A_1820 : vector<16xi1>
      %eq3A_1847 = arith.constant 1 : i32
      %eq3A_1848 = vector.broadcast %eq3A_1847 : i32 to vector<16xi32>
      %eq3A_1849 = arith.cmpi eq, %sub3A_1814, %eq3A_1848 : vector<16xi32>
      %and3A_1850 = arith.andi %and3A_1846, %eq3A_1849 : vector<16xi1>
      %and3A_1851 = arith.andi %eq3A_1817, %eq3A_1820 : vector<16xi1>
      %eq3A_1852 = arith.constant 2 : i32
      %eq3A_1853 = vector.broadcast %eq3A_1852 : i32 to vector<16xi32>
      %eq3A_1854 = arith.cmpi eq, %sub3A_1814, %eq3A_1853 : vector<16xi32>
      %and3A_1855 = arith.andi %and3A_1851, %eq3A_1854 : vector<16xi1>
      %or3A_1856 = arith.ori %and3A_1825, %and3A_1830 : vector<16xi1>
      %or3A_1857 = arith.ori %or3A_1856, %and3A_1835 : vector<16xi1>
      %or3A_1858 = arith.ori %or3A_1857, %and3A_1840 : vector<16xi1>
      %or3A_1859 = arith.ori %or3A_1858, %and3A_1845 : vector<16xi1>
      %or3A_1860 = arith.ori %or3A_1859, %and3A_1850 : vector<16xi1>
      %or3A_1861 = arith.ori %or3A_1860, %and3A_1855 : vector<16xi1>
      %get3A_1862 = arith.constant 0 : i32
      %get3A_1863 = arith.index_cast %scan3A_645 : i32 to index
      %get3A_1864 = arith.index_cast %get3A_1862 : i32 to index
      %get3A_1865 = arith.constant 80 : index
      %get3A_1866 = tpu.vector_load %arg14[%get3A_1863, %get3A_1864, %get3A_1865] {strides = array<i32>} : memref<4x7x128xf32, #tpu.memory_space<vmem>>, vector<16xf32>,
      %get3A_1867 = arith.constant 1 : i32
      %get3A_1868 = arith.index_cast %scan3A_645 : i32 to index
      %get3A_1869 = arith.index_cast %get3A_1867 : i32 to index
      %get3A_1870 = arith.constant 80 : index
      %get3A_1871 = tpu.vector_load %arg14[%get3A_1868, %get3A_1869, %get3A_1870] {strides = array<i32>} : memref<4x7x128xf32, #tpu.memory_space<vmem>>, vector<16xf32>,
      %get3A_1872 = arith.constant 2 : i32
      %get3A_1873 = arith.index_cast %scan3A_645 : i32 to index
      %get3A_1874 = arith.index_cast %get3A_1872 : i32 to index
      %get3A_1875 = arith.constant 80 : index
      %get3A_1876 = tpu.vector_load %arg14[%get3A_1873, %get3A_1874, %get3A_1875] {strides = array<i32>} : memref<4x7x128xf32, #tpu.memory_space<vmem>>, vector<16xf32>,
      %get3A_1877 = arith.constant 3 : i32
      %get3A_1878 = arith.index_cast %scan3A_645 : i32 to index
      %get3A_1879 = arith.index_cast %get3A_1877 : i32 to index
      %get3A_1880 = arith.constant 80 : index
      %get3A_1881 = tpu.vector_load %arg14[%get3A_1878, %get3A_1879, %get3A_1880] {strides = array<i32>} : memref<4x7x128xf32, #tpu.memory_space<vmem>>, vector<16xf32>,
      %get3A_1882 = arith.constant 4 : i32
      %get3A_1883 = arith.index_cast %scan3A_645 : i32 to index
      %get3A_1884 = arith.index_cast %get3A_1882 : i32 to index
      %get3A_1885 = arith.constant 80 : index
      %get3A_1886 = tpu.vector_load %arg14[%get3A_1883, %get3A_1884, %get3A_1885] {strides = array<i32>} : memref<4x7x128xf32, #tpu.memory_space<vmem>>, vector<16xf32>,
      %get3A_1887 = arith.constant 5 : i32
      %get3A_1888 = arith.index_cast %scan3A_645 : i32 to index
      %get3A_1889 = arith.index_cast %get3A_1887 : i32 to index
      %get3A_1890 = arith.constant 80 : index
      %get3A_1891 = tpu.vector_load %arg14[%get3A_1888, %get3A_1889, %get3A_1890] {strides = array<i32>} : memref<4x7x128xf32, #tpu.memory_space<vmem>>, vector<16xf32>,
      %get3A_1892 = arith.constant 6 : i32
      %get3A_1893 = arith.index_cast %scan3A_645 : i32 to index
      %get3A_1894 = arith.index_cast %get3A_1892 : i32 to index
      %get3A_1895 = arith.constant 80 : index
      %get3A_1896 = tpu.vector_load %arg14[%get3A_1893, %get3A_1894, %get3A_1895] {strides = array<i32>} : memref<4x7x128xf32, #tpu.memory_space<vmem>>, vector<16xf32>,
      %max3A_1897 = arith.maximumf %get3A_1866, %get3A_1871 : vector<16xf32>
      %max3A_1898 = arith.maximumf %max3A_1897, %get3A_1876 : vector<16xf32>
      %max3A_1899 = arith.maximumf %max3A_1898, %get3A_1881 : vector<16xf32>
      %max3A_1900 = arith.maximumf %max3A_1899, %get3A_1886 : vector<16xf32>
      %max3A_1901 = arith.maximumf %max3A_1900, %get3A_1891 : vector<16xf32>
      %max3A_1902 = arith.maximumf %max3A_1901, %get3A_1896 : vector<16xf32>
      %sub3A_1903 = arith.subf %get3A_1866, %max3A_1902 : vector<16xf32>
      %exp3A_1904 = math.exp %sub3A_1903 : vector<16xf32>
      %sub3A_1905 = arith.subf %get3A_1871, %max3A_1902 : vector<16xf32>
      %exp3A_1906 = math.exp %sub3A_1905 : vector<16xf32>
      %add3A_1907 = arith.addf %exp3A_1904, %exp3A_1906 : vector<16xf32>
      %sub3A_1908 = arith.subf %get3A_1876, %max3A_1902 : vector<16xf32>
      %exp3A_1909 = math.exp %sub3A_1908 : vector<16xf32>
      %add3A_1910 = arith.addf %add3A_1907, %exp3A_1909 : vector<16xf32>
      %sub3A_1911 = arith.subf %get3A_1881, %max3A_1902 : vector<16xf32>
      %exp3A_1912 = math.exp %sub3A_1911 : vector<16xf32>
      %add3A_1913 = arith.addf %add3A_1910, %exp3A_1912 : vector<16xf32>
      %sub3A_1914 = arith.subf %get3A_1886, %max3A_1902 : vector<16xf32>
      %exp3A_1915 = math.exp %sub3A_1914 : vector<16xf32>
      %add3A_1916 = arith.addf %add3A_1913, %exp3A_1915 : vector<16xf32>
      %sub3A_1917 = arith.subf %get3A_1891, %max3A_1902 : vector<16xf32>
      %exp3A_1918 = math.exp %sub3A_1917 : vector<16xf32>
      %add3A_1919 = arith.addf %add3A_1916, %exp3A_1918 : vector<16xf32>
      %sub3A_1920 = arith.subf %get3A_1896, %max3A_1902 : vector<16xf32>
      %exp3A_1921 = math.exp %sub3A_1920 : vector<16xf32>
      %add3A_1922 = arith.addf %add3A_1919, %exp3A_1921 : vector<16xf32>
      %select_n3A_1923 = arith.select %and3A_1830, %get3A_1871, %get3A_1866 : vector<16xi1>, vector<16xf32>
      %select_n3A_1924 = arith.select %and3A_1835, %get3A_1876, %select_n3A_1923 : vector<16xi1>, vector<16xf32>
      %select_n3A_1925 = arith.select %and3A_1840, %get3A_1881, %select_n3A_1924 : vector<16xi1>, vector<16xf32>
      %select_n3A_1926 = arith.select %and3A_1845, %get3A_1886, %select_n3A_1925 : vector<16xi1>, vector<16xf32>
      %select_n3A_1927 = arith.select %and3A_1850, %get3A_1891, %select_n3A_1926 : vector<16xi1>, vector<16xf32>
      %select_n3A_1928 = arith.select %and3A_1855, %get3A_1896, %select_n3A_1927 : vector<16xi1>, vector<16xf32>
      %sub3A_1929 = arith.subf %select_n3A_1928, %max3A_1902 : vector<16xf32>
      %bitcast_convert_type3A_1930 = tpu.bitcast %add3A_1922 : vector<16xf32> -> vector<16xi32>
      %shift_right_arithmetic3A_1931 = arith.constant 23 : i32
      %shift_right_arithmetic3A_1932 = vector.broadcast %shift_right_arithmetic3A_1931 : i32 to vector<16xi32>
      %shift_right_arithmetic3A_1933 = arith.shrsi %bitcast_convert_type3A_1930, %shift_right_arithmetic3A_1932 : vector<16xi32>
      %sub3A_1934 = arith.constant 127 : i32
      %sub3A_1935 = vector.broadcast %sub3A_1934 : i32 to vector<16xi32>
      %sub3A_1936 = arith.subi %shift_right_arithmetic3A_1933, %sub3A_1935 : vector<16xi32>
      %and3A_1937 = arith.constant 8388607 : i32
      %and3A_1938 = vector.broadcast %and3A_1937 : i32 to vector<16xi32>
      %and3A_1939 = arith.andi %bitcast_convert_type3A_1930, %and3A_1938 : vector<16xi32>
      %or3A_1940 = arith.constant 1065353216 : i32
      %or3A_1941 = vector.broadcast %or3A_1940 : i32 to vector<16xi32>
      %or3A_1942 = arith.ori %and3A_1939, %or3A_1941 : vector<16xi32>
      %bitcast_convert_type3A_1943 = tpu.bitcast %or3A_1942 : vector<16xi32> -> vector<16xf32>
      %gt3A_1944 = arith.constant 1.41421354 : f32
      %gt3A_1945 = vector.broadcast %gt3A_1944 : f32 to vector<16xf32>
      %gt3A_1946 = arith.cmpf ogt, %bitcast_convert_type3A_1943, %gt3A_1945 : vector<16xf32>
      %mul3A_1947 = arith.constant 5.000000e-01 : f32
      %mul3A_1948 = vector.broadcast %mul3A_1947 : f32 to vector<16xf32>
      %mul3A_1949 = arith.mulf %bitcast_convert_type3A_1943, %mul3A_1948 : vector<16xf32>
      %select_n3A_1950 = arith.select %gt3A_1946, %mul3A_1949, %bitcast_convert_type3A_1943 : vector<16xi1>, vector<16xf32>
      %convert_element_type3A_1951 = arith.sitofp %sub3A_1936 : vector<16xi32> to vector<16xf32>
      %jit3A_1952 = arith.constant 1.000000e+00 : f32
      %jit3A_1953 = arith.constant 0.000000e+00 : f32
      %broadcast_in_dim3A_1954 = vector.broadcast %jit3A_1952 : f32 to vector<16xf32>
      %broadcast_in_dim3A_1955 = vector.broadcast %jit3A_1953 : f32 to vector<16xf32>
      %select_n3A_1956 = arith.select %gt3A_1946, %broadcast_in_dim3A_1954, %broadcast_in_dim3A_1955 : vector<16xi1>, vector<16xf32>
      %add3A_1957 = arith.addf %convert_element_type3A_1951, %select_n3A_1956 : vector<16xf32>
      %sub3A_1958 = arith.constant 1.000000e+00 : f32
      %sub3A_1959 = vector.broadcast %sub3A_1958 : f32 to vector<16xf32>
      %sub3A_1960 = arith.subf %select_n3A_1950, %sub3A_1959 : vector<16xf32>
      %add3A_1961 = arith.constant 1.000000e+00 : f32
      %add3A_1962 = vector.broadcast %add3A_1961 : f32 to vector<16xf32>
      %add3A_1963 = arith.addf %select_n3A_1950, %add3A_1962 : vector<16xf32>
      %div3A_1964 = arith.divf %sub3A_1960, %add3A_1963 : vector<16xf32>
      %mul3A_1965 = arith.mulf %div3A_1964, %div3A_1964 : vector<16xf32>
      %mul3A_1966 = arith.constant 2.000000e+00 : f32
      %mul3A_1967 = vector.broadcast %mul3A_1966 : f32 to vector<16xf32>
      %mul3A_1968 = arith.mulf %mul3A_1967, %div3A_1964 : vector<16xf32>
      %mul3A_1969 = arith.constant 0.142857149 : f32
      %mul3A_1970 = vector.broadcast %mul3A_1969 : f32 to vector<16xf32>
      %mul3A_1971 = arith.mulf %mul3A_1965, %mul3A_1970 : vector<16xf32>
      %add3A_1972 = arith.constant 2.000000e-01 : f32
      %add3A_1973 = vector.broadcast %add3A_1972 : f32 to vector<16xf32>
      %add3A_1974 = arith.addf %add3A_1973, %mul3A_1971 : vector<16xf32>
      %mul3A_1975 = arith.mulf %mul3A_1965, %add3A_1974 : vector<16xf32>
      %add3A_1976 = arith.constant 0.333333343 : f32
      %add3A_1977 = vector.broadcast %add3A_1976 : f32 to vector<16xf32>
      %add3A_1978 = arith.addf %add3A_1977, %mul3A_1975 : vector<16xf32>
      %mul3A_1979 = arith.mulf %mul3A_1965, %add3A_1978 : vector<16xf32>
      %add3A_1980 = arith.constant 1.000000e+00 : f32
      %add3A_1981 = vector.broadcast %add3A_1980 : f32 to vector<16xf32>
      %add3A_1982 = arith.addf %add3A_1981, %mul3A_1979 : vector<16xf32>
      %mul3A_1983 = arith.mulf %mul3A_1968, %add3A_1982 : vector<16xf32>
      %mul3A_1984 = arith.constant 0.693147182 : f32
      %mul3A_1985 = vector.broadcast %mul3A_1984 : f32 to vector<16xf32>
      %mul3A_1986 = arith.mulf %add3A_1957, %mul3A_1985 : vector<16xf32>
      %add3A_1987 = arith.addf %mul3A_1986, %mul3A_1983 : vector<16xf32>
      %sub3A_1988 = arith.subf %sub3A_1929, %add3A_1987 : vector<16xf32>
      %jit3A_1989 = arith.constant 0xFF800000 : f32
      %broadcast_in_dim3A_1990 = vector.broadcast %jit3A_1989 : f32 to vector<16xf32>
      %select_n3A_1991 = arith.select %or3A_1861, %sub3A_1988, %broadcast_in_dim3A_1990 : vector<16xi1>, vector<16xf32>
      %mul3A_1992 = arith.constant 128 : i32
      %mul3A_1993 = arith.muli %scan3A_645, %mul3A_1992 : i32
      %add3A_1994 = arith.constant 80 : i32
      %add3A_1995 = arith.addi %mul3A_1993, %add3A_1994 : i32
      %swap3A_1996 = arith.index_cast %add3A_1995 : i32 to index
      %swap3A_1997 = tpu.vector_load %arg15[%swap3A_1996] {strides = array<i32>} : memref<512xf32, #tpu.memory_space<vmem>>, vector<16xf32>,
      tpu.vector_store %arg15[%swap3A_1996], %select_n3A_1991 {strides = array<i32>} : memref<512xf32, #tpu.memory_space<vmem>>, vector<16xf32>,
      %get3A_1998 = arith.index_cast %scan3A_645 : i32 to index
      %get3A_1999 = arith.constant 96 : index
      %get3A_2000 = tpu.vector_load %arg12[%get3A_1998, %get3A_1999] {strides = array<i32>} : memref<4x128xi32, #tpu.memory_space<vmem>>, vector<16xi32>,
      %get3A_2001 = arith.index_cast %scan3A_645 : i32 to index
      %get3A_2002 = arith.constant 96 : index
      %get3A_2003 = tpu.vector_load %arg13[%get3A_2001, %get3A_2002] {strides = array<i32>} : memref<4x128xi32, #tpu.memory_space<vmem>>, vector<16xi32>,
      %convert_element_type3A_2004 = arith.sitofp %get3A_2000 : vector<16xi32> to vector<16xf32>
      %div3A_2005 = arith.constant 1.000000e+04 : f32
      %div3A_2006 = vector.broadcast %div3A_2005 : f32 to vector<16xf32>
      %div3A_2007 = arith.divf %convert_element_type3A_2004, %div3A_2006 : vector<16xf32>
      %convert_element_type3A_2008 = arith.fptosi %div3A_2007 : vector<16xf32> to vector<16xi32>
      %mul3A_2009 = arith.constant 10000 : i32
      %mul3A_2010 = vector.broadcast %mul3A_2009 : i32 to vector<16xi32>
      %mul3A_2011 = arith.muli %convert_element_type3A_2008, %mul3A_2010 : vector<16xi32>
      %sub3A_2012 = arith.subi %get3A_2000, %mul3A_2011 : vector<16xi32>
      %convert_element_type3A_2013 = arith.sitofp %sub3A_2012 : vector<16xi32> to vector<16xf32>
      %div3A_2014 = arith.constant 1.000000e+02 : f32
      %div3A_2015 = vector.broadcast %div3A_2014 : f32 to vector<16xf32>
      %div3A_2016 = arith.divf %convert_element_type3A_2013, %div3A_2015 : vector<16xf32>
      %convert_element_type3A_2017 = arith.fptosi %div3A_2016 : vector<16xf32> to vector<16xi32>
      %mul3A_2018 = arith.constant 100 : i32
      %mul3A_2019 = vector.broadcast %mul3A_2018 : i32 to vector<16xi32>
      %mul3A_2020 = arith.muli %convert_element_type3A_2017, %mul3A_2019 : vector<16xi32>
      %sub3A_2021 = arith.subi %sub3A_2012, %mul3A_2020 : vector<16xi32>
      %convert_element_type3A_2022 = arith.sitofp %get3A_2003 : vector<16xi32> to vector<16xf32>
      %div3A_2023 = arith.constant 1.000000e+04 : f32
      %div3A_2024 = vector.broadcast %div3A_2023 : f32 to vector<16xf32>
      %div3A_2025 = arith.divf %convert_element_type3A_2022, %div3A_2024 : vector<16xf32>
      %convert_element_type3A_2026 = arith.fptosi %div3A_2025 : vector<16xf32> to vector<16xi32>
      %mul3A_2027 = arith.constant 10000 : i32
      %mul3A_2028 = vector.broadcast %mul3A_2027 : i32 to vector<16xi32>
      %mul3A_2029 = arith.muli %convert_element_type3A_2026, %mul3A_2028 : vector<16xi32>
      %sub3A_2030 = arith.subi %get3A_2003, %mul3A_2029 : vector<16xi32>
      %convert_element_type3A_2031 = arith.sitofp %sub3A_2030 : vector<16xi32> to vector<16xf32>
      %div3A_2032 = arith.constant 1.000000e+02 : f32
      %div3A_2033 = vector.broadcast %div3A_2032 : f32 to vector<16xf32>
      %div3A_2034 = arith.divf %convert_element_type3A_2031, %div3A_2033 : vector<16xf32>
      %convert_element_type3A_2035 = arith.fptosi %div3A_2034 : vector<16xf32> to vector<16xi32>
      %mul3A_2036 = arith.constant 100 : i32
      %mul3A_2037 = vector.broadcast %mul3A_2036 : i32 to vector<16xi32>
      %mul3A_2038 = arith.muli %convert_element_type3A_2035, %mul3A_2037 : vector<16xi32>
      %sub3A_2039 = arith.subi %sub3A_2030, %mul3A_2038 : vector<16xi32>
      %sub3A_2040 = arith.subi %sub3A_2039, %sub3A_2021 : vector<16xi32>
      %sub3A_2041 = arith.subi %convert_element_type3A_2035, %convert_element_type3A_2017 : vector<16xi32>
      %sub3A_2042 = arith.subi %convert_element_type3A_2026, %convert_element_type3A_2008 : vector<16xi32>
      %eq3A_2043 = arith.constant 0 : i32
      %eq3A_2044 = vector.broadcast %eq3A_2043 : i32 to vector<16xi32>
      %eq3A_2045 = arith.cmpi eq, %sub3A_2040, %eq3A_2044 : vector<16xi32>
      %eq3A_2046 = arith.constant 0 : i32
      %eq3A_2047 = vector.broadcast %eq3A_2046 : i32 to vector<16xi32>
      %eq3A_2048 = arith.cmpi eq, %sub3A_2041, %eq3A_2047 : vector<16xi32>
      %eq3A_2049 = arith.constant 0 : i32
      %eq3A_2050 = vector.broadcast %eq3A_2049 : i32 to vector<16xi32>
      %eq3A_2051 = arith.cmpi eq, %sub3A_2042, %eq3A_2050 : vector<16xi32>
      %and3A_2052 = arith.andi %eq3A_2045, %eq3A_2048 : vector<16xi1>
      %and3A_2053 = arith.andi %and3A_2052, %eq3A_2051 : vector<16xi1>
      %eq3A_2054 = arith.constant 1 : i32
      %eq3A_2055 = vector.broadcast %eq3A_2054 : i32 to vector<16xi32>
      %eq3A_2056 = arith.cmpi eq, %sub3A_2040, %eq3A_2055 : vector<16xi32>
      %and3A_2057 = arith.andi %eq3A_2056, %eq3A_2048 : vector<16xi1>
      %and3A_2058 = arith.andi %and3A_2057, %eq3A_2051 : vector<16xi1>
      %eq3A_2059 = arith.constant -1 : i32
      %eq3A_2060 = vector.broadcast %eq3A_2059 : i32 to vector<16xi32>
      %eq3A_2061 = arith.cmpi eq, %sub3A_2040, %eq3A_2060 : vector<16xi32>
      %and3A_2062 = arith.andi %eq3A_2061, %eq3A_2048 : vector<16xi1>
      %and3A_2063 = arith.andi %and3A_2062, %eq3A_2051 : vector<16xi1>
      %eq3A_2064 = arith.constant 1 : i32
      %eq3A_2065 = vector.broadcast %eq3A_2064 : i32 to vector<16xi32>
      %eq3A_2066 = arith.cmpi eq, %sub3A_2041, %eq3A_2065 : vector<16xi32>
      %and3A_2067 = arith.andi %eq3A_2045, %eq3A_2066 : vector<16xi1>
      %and3A_2068 = arith.andi %and3A_2067, %eq3A_2051 : vector<16xi1>
      %eq3A_2069 = arith.constant -1 : i32
      %eq3A_2070 = vector.broadcast %eq3A_2069 : i32 to vector<16xi32>
      %eq3A_2071 = arith.cmpi eq, %sub3A_2041, %eq3A_2070 : vector<16xi32>
      %and3A_2072 = arith.andi %eq3A_2045, %eq3A_2071 : vector<16xi1>
      %and3A_2073 = arith.andi %and3A_2072, %eq3A_2051 : vector<16xi1>
      %and3A_2074 = arith.andi %eq3A_2045, %eq3A_2048 : vector<16xi1>
      %eq3A_2075 = arith.constant 1 : i32
      %eq3A_2076 = vector.broadcast %eq3A_2075 : i32 to vector<16xi32>
      %eq3A_2077 = arith.cmpi eq, %sub3A_2042, %eq3A_2076 : vector<16xi32>
      %and3A_2078 = arith.andi %and3A_2074, %eq3A_2077 : vector<16xi1>
      %and3A_2079 = arith.andi %eq3A_2045, %eq3A_2048 : vector<16xi1>
      %eq3A_2080 = arith.constant 2 : i32
      %eq3A_2081 = vector.broadcast %eq3A_2080 : i32 to vector<16xi32>
      %eq3A_2082 = arith.cmpi eq, %sub3A_2042, %eq3A_2081 : vector<16xi32>
      %and3A_2083 = arith.andi %and3A_2079, %eq3A_2082 : vector<16xi1>
      %or3A_2084 = arith.ori %and3A_2053, %and3A_2058 : vector<16xi1>
      %or3A_2085 = arith.ori %or3A_2084, %and3A_2063 : vector<16xi1>
      %or3A_2086 = arith.ori %or3A_2085, %and3A_2068 : vector<16xi1>
      %or3A_2087 = arith.ori %or3A_2086, %and3A_2073 : vector<16xi1>
      %or3A_2088 = arith.ori %or3A_2087, %and3A_2078 : vector<16xi1>
      %or3A_2089 = arith.ori %or3A_2088, %and3A_2083 : vector<16xi1>
      %get3A_2090 = arith.constant 0 : i32
      %get3A_2091 = arith.index_cast %scan3A_645 : i32 to index
      %get3A_2092 = arith.index_cast %get3A_2090 : i32 to index
      %get3A_2093 = arith.constant 96 : index
      %get3A_2094 = tpu.vector_load %arg14[%get3A_2091, %get3A_2092, %get3A_2093] {strides = array<i32>} : memref<4x7x128xf32, #tpu.memory_space<vmem>>, vector<16xf32>,
      %get3A_2095 = arith.constant 1 : i32
      %get3A_2096 = arith.index_cast %scan3A_645 : i32 to index
      %get3A_2097 = arith.index_cast %get3A_2095 : i32 to index
      %get3A_2098 = arith.constant 96 : index
      %get3A_2099 = tpu.vector_load %arg14[%get3A_2096, %get3A_2097, %get3A_2098] {strides = array<i32>} : memref<4x7x128xf32, #tpu.memory_space<vmem>>, vector<16xf32>,
      %get3A_2100 = arith.constant 2 : i32
      %get3A_2101 = arith.index_cast %scan3A_645 : i32 to index
      %get3A_2102 = arith.index_cast %get3A_2100 : i32 to index
      %get3A_2103 = arith.constant 96 : index
      %get3A_2104 = tpu.vector_load %arg14[%get3A_2101, %get3A_2102, %get3A_2103] {strides = array<i32>} : memref<4x7x128xf32, #tpu.memory_space<vmem>>, vector<16xf32>,
      %get3A_2105 = arith.constant 3 : i32
      %get3A_2106 = arith.index_cast %scan3A_645 : i32 to index
      %get3A_2107 = arith.index_cast %get3A_2105 : i32 to index
      %get3A_2108 = arith.constant 96 : index
      %get3A_2109 = tpu.vector_load %arg14[%get3A_2106, %get3A_2107, %get3A_2108] {strides = array<i32>} : memref<4x7x128xf32, #tpu.memory_space<vmem>>, vector<16xf32>,
      %get3A_2110 = arith.constant 4 : i32
      %get3A_2111 = arith.index_cast %scan3A_645 : i32 to index
      %get3A_2112 = arith.index_cast %get3A_2110 : i32 to index
      %get3A_2113 = arith.constant 96 : index
      %get3A_2114 = tpu.vector_load %arg14[%get3A_2111, %get3A_2112, %get3A_2113] {strides = array<i32>} : memref<4x7x128xf32, #tpu.memory_space<vmem>>, vector<16xf32>,
      %get3A_2115 = arith.constant 5 : i32
      %get3A_2116 = arith.index_cast %scan3A_645 : i32 to index
      %get3A_2117 = arith.index_cast %get3A_2115 : i32 to index
      %get3A_2118 = arith.constant 96 : index
      %get3A_2119 = tpu.vector_load %arg14[%get3A_2116, %get3A_2117, %get3A_2118] {strides = array<i32>} : memref<4x7x128xf32, #tpu.memory_space<vmem>>, vector<16xf32>,
      %get3A_2120 = arith.constant 6 : i32
      %get3A_2121 = arith.index_cast %scan3A_645 : i32 to index
      %get3A_2122 = arith.index_cast %get3A_2120 : i32 to index
      %get3A_2123 = arith.constant 96 : index
      %get3A_2124 = tpu.vector_load %arg14[%get3A_2121, %get3A_2122, %get3A_2123] {strides = array<i32>} : memref<4x7x128xf32, #tpu.memory_space<vmem>>, vector<16xf32>,
      %max3A_2125 = arith.maximumf %get3A_2094, %get3A_2099 : vector<16xf32>
      %max3A_2126 = arith.maximumf %max3A_2125, %get3A_2104 : vector<16xf32>
      %max3A_2127 = arith.maximumf %max3A_2126, %get3A_2109 : vector<16xf32>
      %max3A_2128 = arith.maximumf %max3A_2127, %get3A_2114 : vector<16xf32>
      %max3A_2129 = arith.maximumf %max3A_2128, %get3A_2119 : vector<16xf32>
      %max3A_2130 = arith.maximumf %max3A_2129, %get3A_2124 : vector<16xf32>
      %sub3A_2131 = arith.subf %get3A_2094, %max3A_2130 : vector<16xf32>
      %exp3A_2132 = math.exp %sub3A_2131 : vector<16xf32>
      %sub3A_2133 = arith.subf %get3A_2099, %max3A_2130 : vector<16xf32>
      %exp3A_2134 = math.exp %sub3A_2133 : vector<16xf32>
      %add3A_2135 = arith.addf %exp3A_2132, %exp3A_2134 : vector<16xf32>
      %sub3A_2136 = arith.subf %get3A_2104, %max3A_2130 : vector<16xf32>
      %exp3A_2137 = math.exp %sub3A_2136 : vector<16xf32>
      %add3A_2138 = arith.addf %add3A_2135, %exp3A_2137 : vector<16xf32>
      %sub3A_2139 = arith.subf %get3A_2109, %max3A_2130 : vector<16xf32>
      %exp3A_2140 = math.exp %sub3A_2139 : vector<16xf32>
      %add3A_2141 = arith.addf %add3A_2138, %exp3A_2140 : vector<16xf32>
      %sub3A_2142 = arith.subf %get3A_2114, %max3A_2130 : vector<16xf32>
      %exp3A_2143 = math.exp %sub3A_2142 : vector<16xf32>
      %add3A_2144 = arith.addf %add3A_2141, %exp3A_2143 : vector<16xf32>
      %sub3A_2145 = arith.subf %get3A_2119, %max3A_2130 : vector<16xf32>
      %exp3A_2146 = math.exp %sub3A_2145 : vector<16xf32>
      %add3A_2147 = arith.addf %add3A_2144, %exp3A_2146 : vector<16xf32>
      %sub3A_2148 = arith.subf %get3A_2124, %max3A_2130 : vector<16xf32>
      %exp3A_2149 = math.exp %sub3A_2148 : vector<16xf32>
      %add3A_2150 = arith.addf %add3A_2147, %exp3A_2149 : vector<16xf32>
      %select_n3A_2151 = arith.select %and3A_2058, %get3A_2099, %get3A_2094 : vector<16xi1>, vector<16xf32>
      %select_n3A_2152 = arith.select %and3A_2063, %get3A_2104, %select_n3A_2151 : vector<16xi1>, vector<16xf32>
      %select_n3A_2153 = arith.select %and3A_2068, %get3A_2109, %select_n3A_2152 : vector<16xi1>, vector<16xf32>
      %select_n3A_2154 = arith.select %and3A_2073, %get3A_2114, %select_n3A_2153 : vector<16xi1>, vector<16xf32>
      %select_n3A_2155 = arith.select %and3A_2078, %get3A_2119, %select_n3A_2154 : vector<16xi1>, vector<16xf32>
      %select_n3A_2156 = arith.select %and3A_2083, %get3A_2124, %select_n3A_2155 : vector<16xi1>, vector<16xf32>
      %sub3A_2157 = arith.subf %select_n3A_2156, %max3A_2130 : vector<16xf32>
      %bitcast_convert_type3A_2158 = tpu.bitcast %add3A_2150 : vector<16xf32> -> vector<16xi32>
      %shift_right_arithmetic3A_2159 = arith.constant 23 : i32
      %shift_right_arithmetic3A_2160 = vector.broadcast %shift_right_arithmetic3A_2159 : i32 to vector<16xi32>
      %shift_right_arithmetic3A_2161 = arith.shrsi %bitcast_convert_type3A_2158, %shift_right_arithmetic3A_2160 : vector<16xi32>
      %sub3A_2162 = arith.constant 127 : i32
      %sub3A_2163 = vector.broadcast %sub3A_2162 : i32 to vector<16xi32>
      %sub3A_2164 = arith.subi %shift_right_arithmetic3A_2161, %sub3A_2163 : vector<16xi32>
      %and3A_2165 = arith.constant 8388607 : i32
      %and3A_2166 = vector.broadcast %and3A_2165 : i32 to vector<16xi32>
      %and3A_2167 = arith.andi %bitcast_convert_type3A_2158, %and3A_2166 : vector<16xi32>
      %or3A_2168 = arith.constant 1065353216 : i32
      %or3A_2169 = vector.broadcast %or3A_2168 : i32 to vector<16xi32>
      %or3A_2170 = arith.ori %and3A_2167, %or3A_2169 : vector<16xi32>
      %bitcast_convert_type3A_2171 = tpu.bitcast %or3A_2170 : vector<16xi32> -> vector<16xf32>
      %gt3A_2172 = arith.constant 1.41421354 : f32
      %gt3A_2173 = vector.broadcast %gt3A_2172 : f32 to vector<16xf32>
      %gt3A_2174 = arith.cmpf ogt, %bitcast_convert_type3A_2171, %gt3A_2173 : vector<16xf32>
      %mul3A_2175 = arith.constant 5.000000e-01 : f32
      %mul3A_2176 = vector.broadcast %mul3A_2175 : f32 to vector<16xf32>
      %mul3A_2177 = arith.mulf %bitcast_convert_type3A_2171, %mul3A_2176 : vector<16xf32>
      %select_n3A_2178 = arith.select %gt3A_2174, %mul3A_2177, %bitcast_convert_type3A_2171 : vector<16xi1>, vector<16xf32>
      %convert_element_type3A_2179 = arith.sitofp %sub3A_2164 : vector<16xi32> to vector<16xf32>
      %jit3A_2180 = arith.constant 1.000000e+00 : f32
      %jit3A_2181 = arith.constant 0.000000e+00 : f32
      %broadcast_in_dim3A_2182 = vector.broadcast %jit3A_2180 : f32 to vector<16xf32>
      %broadcast_in_dim3A_2183 = vector.broadcast %jit3A_2181 : f32 to vector<16xf32>
      %select_n3A_2184 = arith.select %gt3A_2174, %broadcast_in_dim3A_2182, %broadcast_in_dim3A_2183 : vector<16xi1>, vector<16xf32>
      %add3A_2185 = arith.addf %convert_element_type3A_2179, %select_n3A_2184 : vector<16xf32>
      %sub3A_2186 = arith.constant 1.000000e+00 : f32
      %sub3A_2187 = vector.broadcast %sub3A_2186 : f32 to vector<16xf32>
      %sub3A_2188 = arith.subf %select_n3A_2178, %sub3A_2187 : vector<16xf32>
      %add3A_2189 = arith.constant 1.000000e+00 : f32
      %add3A_2190 = vector.broadcast %add3A_2189 : f32 to vector<16xf32>
      %add3A_2191 = arith.addf %select_n3A_2178, %add3A_2190 : vector<16xf32>
      %div3A_2192 = arith.divf %sub3A_2188, %add3A_2191 : vector<16xf32>
      %mul3A_2193 = arith.mulf %div3A_2192, %div3A_2192 : vector<16xf32>
      %mul3A_2194 = arith.constant 2.000000e+00 : f32
      %mul3A_2195 = vector.broadcast %mul3A_2194 : f32 to vector<16xf32>
      %mul3A_2196 = arith.mulf %mul3A_2195, %div3A_2192 : vector<16xf32>
      %mul3A_2197 = arith.constant 0.142857149 : f32
      %mul3A_2198 = vector.broadcast %mul3A_2197 : f32 to vector<16xf32>
      %mul3A_2199 = arith.mulf %mul3A_2193, %mul3A_2198 : vector<16xf32>
      %add3A_2200 = arith.constant 2.000000e-01 : f32
      %add3A_2201 = vector.broadcast %add3A_2200 : f32 to vector<16xf32>
      %add3A_2202 = arith.addf %add3A_2201, %mul3A_2199 : vector<16xf32>
      %mul3A_2203 = arith.mulf %mul3A_2193, %add3A_2202 : vector<16xf32>
      %add3A_2204 = arith.constant 0.333333343 : f32
      %add3A_2205 = vector.broadcast %add3A_2204 : f32 to vector<16xf32>
      %add3A_2206 = arith.addf %add3A_2205, %mul3A_2203 : vector<16xf32>
      %mul3A_2207 = arith.mulf %mul3A_2193, %add3A_2206 : vector<16xf32>
      %add3A_2208 = arith.constant 1.000000e+00 : f32
      %add3A_2209 = vector.broadcast %add3A_2208 : f32 to vector<16xf32>
      %add3A_2210 = arith.addf %add3A_2209, %mul3A_2207 : vector<16xf32>
      %mul3A_2211 = arith.mulf %mul3A_2196, %add3A_2210 : vector<16xf32>
      %mul3A_2212 = arith.constant 0.693147182 : f32
      %mul3A_2213 = vector.broadcast %mul3A_2212 : f32 to vector<16xf32>
      %mul3A_2214 = arith.mulf %add3A_2185, %mul3A_2213 : vector<16xf32>
      %add3A_2215 = arith.addf %mul3A_2214, %mul3A_2211 : vector<16xf32>
      %sub3A_2216 = arith.subf %sub3A_2157, %add3A_2215 : vector<16xf32>
      %jit3A_2217 = arith.constant 0xFF800000 : f32
      %broadcast_in_dim3A_2218 = vector.broadcast %jit3A_2217 : f32 to vector<16xf32>
      %select_n3A_2219 = arith.select %or3A_2089, %sub3A_2216, %broadcast_in_dim3A_2218 : vector<16xi1>, vector<16xf32>
      %mul3A_2220 = arith.constant 128 : i32
      %mul3A_2221 = arith.muli %scan3A_645, %mul3A_2220 : i32
      %add3A_2222 = arith.constant 96 : i32
      %add3A_2223 = arith.addi %mul3A_2221, %add3A_2222 : i32
      %swap3A_2224 = arith.index_cast %add3A_2223 : i32 to index
      %swap3A_2225 = tpu.vector_load %arg15[%swap3A_2224] {strides = array<i32>} : memref<512xf32, #tpu.memory_space<vmem>>, vector<16xf32>,
      tpu.vector_store %arg15[%swap3A_2224], %select_n3A_2219 {strides = array<i32>} : memref<512xf32, #tpu.memory_space<vmem>>, vector<16xf32>,
      %get3A_2226 = arith.index_cast %scan3A_645 : i32 to index
      %get3A_2227 = arith.constant 112 : index
      %get3A_2228 = tpu.vector_load %arg12[%get3A_2226, %get3A_2227] {strides = array<i32>} : memref<4x128xi32, #tpu.memory_space<vmem>>, vector<16xi32>,
      %get3A_2229 = arith.index_cast %scan3A_645 : i32 to index
      %get3A_2230 = arith.constant 112 : index
      %get3A_2231 = tpu.vector_load %arg13[%get3A_2229, %get3A_2230] {strides = array<i32>} : memref<4x128xi32, #tpu.memory_space<vmem>>, vector<16xi32>,
      %convert_element_type3A_2232 = arith.sitofp %get3A_2228 : vector<16xi32> to vector<16xf32>
      %div3A_2233 = arith.constant 1.000000e+04 : f32
      %div3A_2234 = vector.broadcast %div3A_2233 : f32 to vector<16xf32>
      %div3A_2235 = arith.divf %convert_element_type3A_2232, %div3A_2234 : vector<16xf32>
      %convert_element_type3A_2236 = arith.fptosi %div3A_2235 : vector<16xf32> to vector<16xi32>
      %mul3A_2237 = arith.constant 10000 : i32
      %mul3A_2238 = vector.broadcast %mul3A_2237 : i32 to vector<16xi32>
      %mul3A_2239 = arith.muli %convert_element_type3A_2236, %mul3A_2238 : vector<16xi32>
      %sub3A_2240 = arith.subi %get3A_2228, %mul3A_2239 : vector<16xi32>
      %convert_element_type3A_2241 = arith.sitofp %sub3A_2240 : vector<16xi32> to vector<16xf32>
      %div3A_2242 = arith.constant 1.000000e+02 : f32
      %div3A_2243 = vector.broadcast %div3A_2242 : f32 to vector<16xf32>
      %div3A_2244 = arith.divf %convert_element_type3A_2241, %div3A_2243 : vector<16xf32>
      %convert_element_type3A_2245 = arith.fptosi %div3A_2244 : vector<16xf32> to vector<16xi32>
      %mul3A_2246 = arith.constant 100 : i32
      %mul3A_2247 = vector.broadcast %mul3A_2246 : i32 to vector<16xi32>
      %mul3A_2248 = arith.muli %convert_element_type3A_2245, %mul3A_2247 : vector<16xi32>
      %sub3A_2249 = arith.subi %sub3A_2240, %mul3A_2248 : vector<16xi32>
      %convert_element_type3A_2250 = arith.sitofp %get3A_2231 : vector<16xi32> to vector<16xf32>
      %div3A_2251 = arith.constant 1.000000e+04 : f32
      %div3A_2252 = vector.broadcast %div3A_2251 : f32 to vector<16xf32>
      %div3A_2253 = arith.divf %convert_element_type3A_2250, %div3A_2252 : vector<16xf32>
      %convert_element_type3A_2254 = arith.fptosi %div3A_2253 : vector<16xf32> to vector<16xi32>
      %mul3A_2255 = arith.constant 10000 : i32
      %mul3A_2256 = vector.broadcast %mul3A_2255 : i32 to vector<16xi32>
      %mul3A_2257 = arith.muli %convert_element_type3A_2254, %mul3A_2256 : vector<16xi32>
      %sub3A_2258 = arith.subi %get3A_2231, %mul3A_2257 : vector<16xi32>
      %convert_element_type3A_2259 = arith.sitofp %sub3A_2258 : vector<16xi32> to vector<16xf32>
      %div3A_2260 = arith.constant 1.000000e+02 : f32
      %div3A_2261 = vector.broadcast %div3A_2260 : f32 to vector<16xf32>
      %div3A_2262 = arith.divf %convert_element_type3A_2259, %div3A_2261 : vector<16xf32>
      %convert_element_type3A_2263 = arith.fptosi %div3A_2262 : vector<16xf32> to vector<16xi32>
      %mul3A_2264 = arith.constant 100 : i32
      %mul3A_2265 = vector.broadcast %mul3A_2264 : i32 to vector<16xi32>
      %mul3A_2266 = arith.muli %convert_element_type3A_2263, %mul3A_2265 : vector<16xi32>
      %sub3A_2267 = arith.subi %sub3A_2258, %mul3A_2266 : vector<16xi32>
      %sub3A_2268 = arith.subi %sub3A_2267, %sub3A_2249 : vector<16xi32>
      %sub3A_2269 = arith.subi %convert_element_type3A_2263, %convert_element_type3A_2245 : vector<16xi32>
      %sub3A_2270 = arith.subi %convert_element_type3A_2254, %convert_element_type3A_2236 : vector<16xi32>
      %eq3A_2271 = arith.constant 0 : i32
      %eq3A_2272 = vector.broadcast %eq3A_2271 : i32 to vector<16xi32>
      %eq3A_2273 = arith.cmpi eq, %sub3A_2268, %eq3A_2272 : vector<16xi32>
      %eq3A_2274 = arith.constant 0 : i32
      %eq3A_2275 = vector.broadcast %eq3A_2274 : i32 to vector<16xi32>
      %eq3A_2276 = arith.cmpi eq, %sub3A_2269, %eq3A_2275 : vector<16xi32>
      %eq3A_2277 = arith.constant 0 : i32
      %eq3A_2278 = vector.broadcast %eq3A_2277 : i32 to vector<16xi32>
      %eq3A_2279 = arith.cmpi eq, %sub3A_2270, %eq3A_2278 : vector<16xi32>
      %and3A_2280 = arith.andi %eq3A_2273, %eq3A_2276 : vector<16xi1>
      %and3A_2281 = arith.andi %and3A_2280, %eq3A_2279 : vector<16xi1>
      %eq3A_2282 = arith.constant 1 : i32
      %eq3A_2283 = vector.broadcast %eq3A_2282 : i32 to vector<16xi32>
      %eq3A_2284 = arith.cmpi eq, %sub3A_2268, %eq3A_2283 : vector<16xi32>
      %and3A_2285 = arith.andi %eq3A_2284, %eq3A_2276 : vector<16xi1>
      %and3A_2286 = arith.andi %and3A_2285, %eq3A_2279 : vector<16xi1>
      %eq3A_2287 = arith.constant -1 : i32
      %eq3A_2288 = vector.broadcast %eq3A_2287 : i32 to vector<16xi32>
      %eq3A_2289 = arith.cmpi eq, %sub3A_2268, %eq3A_2288 : vector<16xi32>
      %and3A_2290 = arith.andi %eq3A_2289, %eq3A_2276 : vector<16xi1>
      %and3A_2291 = arith.andi %and3A_2290, %eq3A_2279 : vector<16xi1>
      %eq3A_2292 = arith.constant 1 : i32
      %eq3A_2293 = vector.broadcast %eq3A_2292 : i32 to vector<16xi32>
      %eq3A_2294 = arith.cmpi eq, %sub3A_2269, %eq3A_2293 : vector<16xi32>
      %and3A_2295 = arith.andi %eq3A_2273, %eq3A_2294 : vector<16xi1>
      %and3A_2296 = arith.andi %and3A_2295, %eq3A_2279 : vector<16xi1>
      %eq3A_2297 = arith.constant -1 : i32
      %eq3A_2298 = vector.broadcast %eq3A_2297 : i32 to vector<16xi32>
      %eq3A_2299 = arith.cmpi eq, %sub3A_2269, %eq3A_2298 : vector<16xi32>
      %and3A_2300 = arith.andi %eq3A_2273, %eq3A_2299 : vector<16xi1>
      %and3A_2301 = arith.andi %and3A_2300, %eq3A_2279 : vector<16xi1>
      %and3A_2302 = arith.andi %eq3A_2273, %eq3A_2276 : vector<16xi1>
      %eq3A_2303 = arith.constant 1 : i32
      %eq3A_2304 = vector.broadcast %eq3A_2303 : i32 to vector<16xi32>
      %eq3A_2305 = arith.cmpi eq, %sub3A_2270, %eq3A_2304 : vector<16xi32>
      %and3A_2306 = arith.andi %and3A_2302, %eq3A_2305 : vector<16xi1>
      %and3A_2307 = arith.andi %eq3A_2273, %eq3A_2276 : vector<16xi1>
      %eq3A_2308 = arith.constant 2 : i32
      %eq3A_2309 = vector.broadcast %eq3A_2308 : i32 to vector<16xi32>
      %eq3A_2310 = arith.cmpi eq, %sub3A_2270, %eq3A_2309 : vector<16xi32>
      %and3A_2311 = arith.andi %and3A_2307, %eq3A_2310 : vector<16xi1>
      %or3A_2312 = arith.ori %and3A_2281, %and3A_2286 : vector<16xi1>
      %or3A_2313 = arith.ori %or3A_2312, %and3A_2291 : vector<16xi1>
      %or3A_2314 = arith.ori %or3A_2313, %and3A_2296 : vector<16xi1>
      %or3A_2315 = arith.ori %or3A_2314, %and3A_2301 : vector<16xi1>
      %or3A_2316 = arith.ori %or3A_2315, %and3A_2306 : vector<16xi1>
      %or3A_2317 = arith.ori %or3A_2316, %and3A_2311 : vector<16xi1>
      %get3A_2318 = arith.constant 0 : i32
      %get3A_2319 = arith.index_cast %scan3A_645 : i32 to index
      %get3A_2320 = arith.index_cast %get3A_2318 : i32 to index
      %get3A_2321 = arith.constant 112 : index
      %get3A_2322 = tpu.vector_load %arg14[%get3A_2319, %get3A_2320, %get3A_2321] {strides = array<i32>} : memref<4x7x128xf32, #tpu.memory_space<vmem>>, vector<16xf32>,
      %get3A_2323 = arith.constant 1 : i32
      %get3A_2324 = arith.index_cast %scan3A_645 : i32 to index
      %get3A_2325 = arith.index_cast %get3A_2323 : i32 to index
      %get3A_2326 = arith.constant 112 : index
      %get3A_2327 = tpu.vector_load %arg14[%get3A_2324, %get3A_2325, %get3A_2326] {strides = array<i32>} : memref<4x7x128xf32, #tpu.memory_space<vmem>>, vector<16xf32>,
      %get3A_2328 = arith.constant 2 : i32
      %get3A_2329 = arith.index_cast %scan3A_645 : i32 to index
      %get3A_2330 = arith.index_cast %get3A_2328 : i32 to index
      %get3A_2331 = arith.constant 112 : index
      %get3A_2332 = tpu.vector_load %arg14[%get3A_2329, %get3A_2330, %get3A_2331] {strides = array<i32>} : memref<4x7x128xf32, #tpu.memory_space<vmem>>, vector<16xf32>,
      %get3A_2333 = arith.constant 3 : i32
      %get3A_2334 = arith.index_cast %scan3A_645 : i32 to index
      %get3A_2335 = arith.index_cast %get3A_2333 : i32 to index
      %get3A_2336 = arith.constant 112 : index
      %get3A_2337 = tpu.vector_load %arg14[%get3A_2334, %get3A_2335, %get3A_2336] {strides = array<i32>} : memref<4x7x128xf32, #tpu.memory_space<vmem>>, vector<16xf32>,
      %get3A_2338 = arith.constant 4 : i32
      %get3A_2339 = arith.index_cast %scan3A_645 : i32 to index
      %get3A_2340 = arith.index_cast %get3A_2338 : i32 to index
      %get3A_2341 = arith.constant 112 : index
      %get3A_2342 = tpu.vector_load %arg14[%get3A_2339, %get3A_2340, %get3A_2341] {strides = array<i32>} : memref<4x7x128xf32, #tpu.memory_space<vmem>>, vector<16xf32>,
      %get3A_2343 = arith.constant 5 : i32
      %get3A_2344 = arith.index_cast %scan3A_645 : i32 to index
      %get3A_2345 = arith.index_cast %get3A_2343 : i32 to index
      %get3A_2346 = arith.constant 112 : index
      %get3A_2347 = tpu.vector_load %arg14[%get3A_2344, %get3A_2345, %get3A_2346] {strides = array<i32>} : memref<4x7x128xf32, #tpu.memory_space<vmem>>, vector<16xf32>,
      %get3A_2348 = arith.constant 6 : i32
      %get3A_2349 = arith.index_cast %scan3A_645 : i32 to index
      %get3A_2350 = arith.index_cast %get3A_2348 : i32 to index
      %get3A_2351 = arith.constant 112 : index
      %get3A_2352 = tpu.vector_load %arg14[%get3A_2349, %get3A_2350, %get3A_2351] {strides = array<i32>} : memref<4x7x128xf32, #tpu.memory_space<vmem>>, vector<16xf32>,
      %max3A_2353 = arith.maximumf %get3A_2322, %get3A_2327 : vector<16xf32>
      %max3A_2354 = arith.maximumf %max3A_2353, %get3A_2332 : vector<16xf32>
      %max3A_2355 = arith.maximumf %max3A_2354, %get3A_2337 : vector<16xf32>
      %max3A_2356 = arith.maximumf %max3A_2355, %get3A_2342 : vector<16xf32>
      %max3A_2357 = arith.maximumf %max3A_2356, %get3A_2347 : vector<16xf32>
      %max3A_2358 = arith.maximumf %max3A_2357, %get3A_2352 : vector<16xf32>
      %sub3A_2359 = arith.subf %get3A_2322, %max3A_2358 : vector<16xf32>
      %exp3A_2360 = math.exp %sub3A_2359 : vector<16xf32>
      %sub3A_2361 = arith.subf %get3A_2327, %max3A_2358 : vector<16xf32>
      %exp3A_2362 = math.exp %sub3A_2361 : vector<16xf32>
      %add3A_2363 = arith.addf %exp3A_2360, %exp3A_2362 : vector<16xf32>
      %sub3A_2364 = arith.subf %get3A_2332, %max3A_2358 : vector<16xf32>
      %exp3A_2365 = math.exp %sub3A_2364 : vector<16xf32>
      %add3A_2366 = arith.addf %add3A_2363, %exp3A_2365 : vector<16xf32>
      %sub3A_2367 = arith.subf %get3A_2337, %max3A_2358 : vector<16xf32>
      %exp3A_2368 = math.exp %sub3A_2367 : vector<16xf32>
      %add3A_2369 = arith.addf %add3A_2366, %exp3A_2368 : vector<16xf32>
      %sub3A_2370 = arith.subf %get3A_2342, %max3A_2358 : vector<16xf32>
      %exp3A_2371 = math.exp %sub3A_2370 : vector<16xf32>
      %add3A_2372 = arith.addf %add3A_2369, %exp3A_2371 : vector<16xf32>
      %sub3A_2373 = arith.subf %get3A_2347, %max3A_2358 : vector<16xf32>
      %exp3A_2374 = math.exp %sub3A_2373 : vector<16xf32>
      %add3A_2375 = arith.addf %add3A_2372, %exp3A_2374 : vector<16xf32>
      %sub3A_2376 = arith.subf %get3A_2352, %max3A_2358 : vector<16xf32>
      %exp3A_2377 = math.exp %sub3A_2376 : vector<16xf32>
      %add3A_2378 = arith.addf %add3A_2375, %exp3A_2377 : vector<16xf32>
      %select_n3A_2379 = arith.select %and3A_2286, %get3A_2327, %get3A_2322 : vector<16xi1>, vector<16xf32>
      %select_n3A_2380 = arith.select %and3A_2291, %get3A_2332, %select_n3A_2379 : vector<16xi1>, vector<16xf32>
      %select_n3A_2381 = arith.select %and3A_2296, %get3A_2337, %select_n3A_2380 : vector<16xi1>, vector<16xf32>
      %select_n3A_2382 = arith.select %and3A_2301, %get3A_2342, %select_n3A_2381 : vector<16xi1>, vector<16xf32>
      %select_n3A_2383 = arith.select %and3A_2306, %get3A_2347, %select_n3A_2382 : vector<16xi1>, vector<16xf32>
      %select_n3A_2384 = arith.select %and3A_2311, %get3A_2352, %select_n3A_2383 : vector<16xi1>, vector<16xf32>
      %sub3A_2385 = arith.subf %select_n3A_2384, %max3A_2358 : vector<16xf32>
      %bitcast_convert_type3A_2386 = tpu.bitcast %add3A_2378 : vector<16xf32> -> vector<16xi32>
      %shift_right_arithmetic3A_2387 = arith.constant 23 : i32
      %shift_right_arithmetic3A_2388 = vector.broadcast %shift_right_arithmetic3A_2387 : i32 to vector<16xi32>
      %shift_right_arithmetic3A_2389 = arith.shrsi %bitcast_convert_type3A_2386, %shift_right_arithmetic3A_2388 : vector<16xi32>
      %sub3A_2390 = arith.constant 127 : i32
      %sub3A_2391 = vector.broadcast %sub3A_2390 : i32 to vector<16xi32>
      %sub3A_2392 = arith.subi %shift_right_arithmetic3A_2389, %sub3A_2391 : vector<16xi32>
      %and3A_2393 = arith.constant 8388607 : i32
      %and3A_2394 = vector.broadcast %and3A_2393 : i32 to vector<16xi32>
      %and3A_2395 = arith.andi %bitcast_convert_type3A_2386, %and3A_2394 : vector<16xi32>
      %or3A_2396 = arith.constant 1065353216 : i32
      %or3A_2397 = vector.broadcast %or3A_2396 : i32 to vector<16xi32>
      %or3A_2398 = arith.ori %and3A_2395, %or3A_2397 : vector<16xi32>
      %bitcast_convert_type3A_2399 = tpu.bitcast %or3A_2398 : vector<16xi32> -> vector<16xf32>
      %gt3A_2400 = arith.constant 1.41421354 : f32
      %gt3A_2401 = vector.broadcast %gt3A_2400 : f32 to vector<16xf32>
      %gt3A_2402 = arith.cmpf ogt, %bitcast_convert_type3A_2399, %gt3A_2401 : vector<16xf32>
      %mul3A_2403 = arith.constant 5.000000e-01 : f32
      %mul3A_2404 = vector.broadcast %mul3A_2403 : f32 to vector<16xf32>
      %mul3A_2405 = arith.mulf %bitcast_convert_type3A_2399, %mul3A_2404 : vector<16xf32>
      %select_n3A_2406 = arith.select %gt3A_2402, %mul3A_2405, %bitcast_convert_type3A_2399 : vector<16xi1>, vector<16xf32>
      %convert_element_type3A_2407 = arith.sitofp %sub3A_2392 : vector<16xi32> to vector<16xf32>
      %jit3A_2408 = arith.constant 1.000000e+00 : f32
      %jit3A_2409 = arith.constant 0.000000e+00 : f32
      %broadcast_in_dim3A_2410 = vector.broadcast %jit3A_2408 : f32 to vector<16xf32>
      %broadcast_in_dim3A_2411 = vector.broadcast %jit3A_2409 : f32 to vector<16xf32>
      %select_n3A_2412 = arith.select %gt3A_2402, %broadcast_in_dim3A_2410, %broadcast_in_dim3A_2411 : vector<16xi1>, vector<16xf32>
      %add3A_2413 = arith.addf %convert_element_type3A_2407, %select_n3A_2412 : vector<16xf32>
      %sub3A_2414 = arith.constant 1.000000e+00 : f32
      %sub3A_2415 = vector.broadcast %sub3A_2414 : f32 to vector<16xf32>
      %sub3A_2416 = arith.subf %select_n3A_2406, %sub3A_2415 : vector<16xf32>
      %add3A_2417 = arith.constant 1.000000e+00 : f32
      %add3A_2418 = vector.broadcast %add3A_2417 : f32 to vector<16xf32>
      %add3A_2419 = arith.addf %select_n3A_2406, %add3A_2418 : vector<16xf32>
      %div3A_2420 = arith.divf %sub3A_2416, %add3A_2419 : vector<16xf32>
      %mul3A_2421 = arith.mulf %div3A_2420, %div3A_2420 : vector<16xf32>
      %mul3A_2422 = arith.constant 2.000000e+00 : f32
      %mul3A_2423 = vector.broadcast %mul3A_2422 : f32 to vector<16xf32>
      %mul3A_2424 = arith.mulf %mul3A_2423, %div3A_2420 : vector<16xf32>
      %mul3A_2425 = arith.constant 0.142857149 : f32
      %mul3A_2426 = vector.broadcast %mul3A_2425 : f32 to vector<16xf32>
      %mul3A_2427 = arith.mulf %mul3A_2421, %mul3A_2426 : vector<16xf32>
      %add3A_2428 = arith.constant 2.000000e-01 : f32
      %add3A_2429 = vector.broadcast %add3A_2428 : f32 to vector<16xf32>
      %add3A_2430 = arith.addf %add3A_2429, %mul3A_2427 : vector<16xf32>
      %mul3A_2431 = arith.mulf %mul3A_2421, %add3A_2430 : vector<16xf32>
      %add3A_2432 = arith.constant 0.333333343 : f32
      %add3A_2433 = vector.broadcast %add3A_2432 : f32 to vector<16xf32>
      %add3A_2434 = arith.addf %add3A_2433, %mul3A_2431 : vector<16xf32>
      %mul3A_2435 = arith.mulf %mul3A_2421, %add3A_2434 : vector<16xf32>
      %add3A_2436 = arith.constant 1.000000e+00 : f32
      %add3A_2437 = vector.broadcast %add3A_2436 : f32 to vector<16xf32>
      %add3A_2438 = arith.addf %add3A_2437, %mul3A_2435 : vector<16xf32>
      %mul3A_2439 = arith.mulf %mul3A_2424, %add3A_2438 : vector<16xf32>
      %mul3A_2440 = arith.constant 0.693147182 : f32
      %mul3A_2441 = vector.broadcast %mul3A_2440 : f32 to vector<16xf32>
      %mul3A_2442 = arith.mulf %add3A_2413, %mul3A_2441 : vector<16xf32>
      %add3A_2443 = arith.addf %mul3A_2442, %mul3A_2439 : vector<16xf32>
      %sub3A_2444 = arith.subf %sub3A_2385, %add3A_2443 : vector<16xf32>
      %jit3A_2445 = arith.constant 0xFF800000 : f32
      %broadcast_in_dim3A_2446 = vector.broadcast %jit3A_2445 : f32 to vector<16xf32>
      %select_n3A_2447 = arith.select %or3A_2317, %sub3A_2444, %broadcast_in_dim3A_2446 : vector<16xi1>, vector<16xf32>
      %mul3A_2448 = arith.constant 128 : i32
      %mul3A_2449 = arith.muli %scan3A_645, %mul3A_2448 : i32
      %add3A_2450 = arith.constant 112 : i32
      %add3A_2451 = arith.addi %mul3A_2449, %add3A_2450 : i32
      %swap3A_2452 = arith.index_cast %add3A_2451 : i32 to index
      %swap3A_2453 = tpu.vector_load %arg15[%swap3A_2452] {strides = array<i32>} : memref<512xf32, #tpu.memory_space<vmem>>, vector<16xf32>,
      tpu.vector_store %arg15[%swap3A_2452], %select_n3A_2447 {strides = array<i32>} : memref<512xf32, #tpu.memory_space<vmem>>, vector<16xf32>,
    }
    %scan3A_644 = arith.constant 4 : i32
    "tpu.region"() ({
      %run_scoped3A_645 = tpu.sem_alloc : memref<!tpu.dma_semaphore, #tpu.memory_space<semaphore_mem>>
      %dma_start3A_646 = tpu.memref_slice %arg11[%mul3A_2] : memref<16384xf32, #tpu.memory_space<hbm>> -> memref<512xf32, #tpu.memory_space<hbm>>
      %dma_start3A_647 = tpu.memref_slice %arg11[%mul3A_2] : memref<16384xf32, #tpu.memory_space<hbm>> -> memref<512xf32, #tpu.memory_space<hbm>>
      tpu.enqueue_dma source(%arg15 : memref<512xf32, #tpu.memory_space<vmem>>) target(%dma_start3A_647 : memref<512xf32, #tpu.memory_space<hbm>>) target_semaphore(%run_scoped3A_645 : memref<!tpu.dma_semaphore, #tpu.memory_space<semaphore_mem>>)
      %dma_wait3A_648 = tpu.memref_slice %arg11[%mul3A_2] : memref<16384xf32, #tpu.memory_space<hbm>> -> memref<512xf32, #tpu.memory_space<hbm>>
      %dma_wait3A_649 = tpu.memref_slice %arg11[%mul3A_2] : memref<16384xf32, #tpu.memory_space<hbm>> -> memref<512xf32, #tpu.memory_space<hbm>>
      tpu.wait_dma2 semaphore(%run_scoped3A_645 : memref<!tpu.dma_semaphore, #tpu.memory_space<semaphore_mem>>) src(%arg15 : memref<512xf32, #tpu.memory_space<vmem>>) dst(%dma_wait3A_649 : memref<512xf32, #tpu.memory_space<hbm>>)
      tpu.yield
    }) : () -> ()
    return
  }
}

</mosaic_0001>

<sc_bundles>
// kernel: kernel.3.cloned.1.call-start
scs
__scs_entry_jumppad:
0x0: {  	(pc) =	sbr.rel $0x88, $3  }
0x1: {  	(tag) =	ssettag $0x0;
	lr =	simm.s32 $0x1  }
0x2: {  	[smem:$0x3F9E] =	sst lr;
	_ =	strace $0xD0000000  }
0x3: {  	_ = 	snop  }
0x4: {  	_ = 	snop  }
0x5: {  	_ = 	snop  }
0x6: {  	_ = 	snop  }
0x7: {  	_ = 	snop  }
__scs_overlays_trampoline_lowered:
0x8: {  	[smem:$0x3FAD] =	sst s0  }
0x9: {  	[smem:$0x3FAE] =	sst s1  }
0xa: {  	[smem:$0x3FAF] =	sst s2  }
0xb: {  	[smem:$0x3FB0] =	sst s3  }
0xc: {  	[smem:$0x3FB1] =	sst s4  }
0xd: {  	[smem:$0x3FB2] =	sst s5  }
0xe: {  	[smem:$0x3FB3] =	sst s6  }
0xf: {  	[smem:$0x3FB4] =	sst s7  }
0x10: {  	[smem:$0x3FB5] =	sst s8  }
0x11: {  	[smem:$0x3FB6] =	sst s9;
	s0 =	simm.s32 @!p0 $0x0  }
0x12: {  	s1 =	sld [smem:$0x3F9C];
	s0 =	simm.s32 @p0 $0x1  }
0x13: {  	[smem:$0x3FB7] =	sst s0;
	s0 =	simm.s32 @!p1 $0x0  }
0x14: {  	s2 =	sld [smem:$0x3F9B];
	s0 =	simm.s32 @p1 $0x1  }
0x15: {  	[smem:$0x3FB8] =	sst s0;
	s0 =	simm.s32 @!p2 $0x0  }
0x16: {  	s3 =	sld [smem:$0x3FDB];
	s0 =	simm.s32 @p2 $0x1  }
0x17: {  	s4 =	simm.s32 $0x1BF5;
	[smem:$0x3FBA] =	sst s0  }
0x18: {  	s0 =	sld [smem:$0x3F9D];
	_ =	swait.ge [sflag:s4], $0x0  }
0x19: {  	s7 =	sld [smem:$0x3F9E]  }
0x1a: {  	s8 =	sadd.s32 $0xFFFFE003, lr  }
0x1b: {  	s9 =	sadd.s32 $0xFFFFFEF7, lr;
	s5 =	simm.s32 $0xFFFFFFFF;
	p2 =	slt.u32 s8, $0xFFFFF086  }
0x1c: {  	p1 =	slt.u32 s9, $0xF7A;
	s5 =	simm.s32 @!p2 $0x0  }
0x1d: {  	s5 =	simm.s32 @p1 $0x1;
	p0 =	seq.s32 s7, s2  }
0x1e: {  	s7 =	smul.u32 @!p0 $0xF7A, s2;
	p2 =	seq.s32 @!p0 s5, $0x0  }
0x1f: {  	s9 =	smul.u32 $0xF7A, s1;
	s8 =	simm.s32 @!p0 $0x1BF5;
	p2 =	por !p2, p0  }
0x20: {  	[sflag:s8] =	ssyncset.s32 @!p0 $0xFFFFF086;
	s6 =	sadd.s32 @!p0 s3, s7;
	s7 =	simm.s32 @!p0 $0x108  }
0x21: {  	s3 =	sadd.s32 s3, s9;
	s6 =	sadd.s32 @!p0 $0x88, s6;
	s7 =	simm.s32 @p2 $0x1082  }
0x22: {  	[simem:s7], [sflag:s8] =	dma.local @!p0 [hbm:s6], $0xF7A  }
0x23: {  	s9 =	sor.u32 $0xD0000000, s2;
	s6 =	simm.s32 $0x108;
	_ =	swait.ge @!p0 [sflag:s8], $0x0  }
0x24: {  	s3 =	sadd.s32 $0x88, s3;
	s6 =	simm.s32 @!p1 $0x1082;
	[sflag:s4] =	ssyncset.s32 $0xFFFFF086  }
0x25: {  	[simem:s6], [sflag:s4] =	dma.local [hbm:s3], $0xF7A  }
0x26: {  	[smem:$0x3F9E] =	sst s1;
	(tag) =	ssettag s2;
	_ =	strace s9  }
0x27: {  	s1 =	sld [smem:$0x3FAE]  }
0x28: {  	s2 =	sld [smem:$0x3FAF]  }
0x29: {  	s4 =	sld [smem:$0x3FB1]  }
0x2a: {  	p0 =	seq.s32 s5, $0x0;
	s5 =	sld [smem:$0x3FB2]  }
0x2b: {  	s6 =	sld [smem:$0x3FB3]  }
0x2c: {  	s7 =	sld [smem:$0x3FB4]  }
0x2d: {  	s3 =	simm.s32 $0x108;
	s8 =	sld [smem:$0x3FB5]  }
0x2e: {  	s3 =	simm.s32 @!p0 $0x1082;
	s9 =	sld [smem:$0x3FB6]  }
0x2f: {  	lr =	sadd.s32 s0, s3;
	s0 =	sld [smem:$0x3FAD]  }
0x30: {  	s3 =	sld [smem:$0x3FB0]  }
0x31: {  	[smem:$0x3FB9] =	sst s10  }
0x32: {  	s10 =	sld [smem:$0x3FB7];
	_ =	sdelay $0x3  }
0x33: {  	p0 =	seq.s32 s10, $0x1;
	s10 =	sld [smem:$0x3FB9];
	_ =	sdelay $0x3  }
0x34: {  	[smem:$0x3FB9] =	sst s10  }
0x35: {  	s10 =	sld [smem:$0x3FB8];
	_ =	sdelay $0x3  }
0x36: {  	p1 =	seq.s32 s10, $0x1;
	s10 =	sld [smem:$0x3FB9];
	_ =	sdelay $0x3  }
0x37: {  	[smem:$0x3FB9] =	sst s10  }
0x38: {  	s10 =	sld [smem:$0x3FBA]  }
0x39: {  	_ = 	snop;
	(pc) =	sbr.ind lr, $3  }
0x3a: {  	_ = 	snop  }
0x3b: {  	_ = 	snop  }
0x3c: {  	p2 =	seq.s32 s10, $0x1;
	s10 =	sld [smem:$0x3FB9]  }
0x3d: {  	_ =	shalt  }
0x3e: {  	_ =	shalt  }
0x3f: {  	_ =	shalt  }
0x40: {  	_ =	shalt  }
0x41: {  	_ =	shalt  }
0x42: {  	_ =	shalt  }
0x43: {  	_ =	shalt  }
0x44: {  	_ =	shalt  }
0x45: {  	_ =	shalt  }
0x46: {  	_ =	shalt  }
0x47: {  	_ =	shalt  }
0x48: {  	_ =	shalt  }
0x49: {  	_ =	shalt  }
0x4a: {  	_ =	shalt  }
0x4b: {  	_ =	shalt  }
0x4c: {  	_ =	shalt  }
0x4d: {  	_ =	shalt  }
0x4e: {  	_ =	shalt  }
0x4f: {  	_ =	shalt  }
0x50: {  	_ =	shalt  }
0x51: {  	_ =	shalt  }
0x52: {  	_ =	shalt  }
0x53: {  	_ =	shalt  }
0x54: {  	_ =	shalt  }
0x55: {  	_ =	shalt  }
0x56: {  	_ =	shalt  }
0x57: {  	_ =	shalt  }
0x58: {  	_ =	shalt  }
0x59: {  	_ =	shalt  }
0x5a: {  	_ =	shalt  }
0x5b: {  	_ =	shalt  }
0x5c: {  	_ =	shalt  }
0x5d: {  	_ =	shalt  }
0x5e: {  	_ =	shalt  }
0x5f: {  	_ =	shalt  }
0x60: {  	_ =	shalt  }
0x61: {  	_ =	shalt  }
0x62: {  	_ =	shalt  }
0x63: {  	_ =	shalt  }
0x64: {  	_ =	shalt  }
0x65: {  	_ =	shalt  }
0x66: {  	_ =	shalt  }
0x67: {  	_ =	shalt  }
0x68: {  	_ =	shalt  }
0x69: {  	_ =	shalt  }
0x6a: {  	_ =	shalt  }
0x6b: {  	_ =	shalt  }
0x6c: {  	_ =	shalt  }
0x6d: {  	_ =	shalt  }
0x6e: {  	_ =	shalt  }
0x6f: {  	_ =	shalt  }
0x70: {  	_ =	shalt  }
0x71: {  	_ =	shalt  }
0x72: {  	_ =	shalt  }
0x73: {  	_ =	shalt  }
0x74: {  	_ =	shalt  }
0x75: {  	_ =	shalt  }
0x76: {  	_ =	shalt  }
0x77: {  	_ =	shalt  }
0x78: {  	_ =	shalt  }
0x79: {  	_ =	shalt  }
0x7a: {  	_ =	shalt  }
0x7b: {  	_ =	shalt  }
0x7c: {  	_ =	shalt  }
0x7d: {  	_ =	shalt  }
0x7e: {  	_ =	shalt  }
0x7f: {  	_ =	shalt  }
0x80: {  	_ =	shalt  }
0x81: {  	_ =	shalt  }
0x82: {  	_ =	shalt  }
0x83: {  	_ =	shalt  }
0x84: {  	_ =	shalt  }
0x85: {  	_ =	shalt  }
0x86: {  	_ =	shalt  }
0x87: {  	_ =	shalt  }
.Lfunc_end0:
.L_simem_size_0:
called_computation_lowered:
.L_overlay_start_0:
0x88: {  	s2 =	sld [smem:$0x3FD9]  }
0x89: {  	s3 =	sld [smem:$0x3FFE];
	_ =	sdelay $0x1  }
0x8a: {  	s1 =	srdreg.scid  }
0x8b: {  	s0 =	sand.u32 $0x1, s1  }
0x8c: {  	s17 =	sshll.u32 s0, $0xA;
	s2 =	sadd.s32 s3, s2  }
0x8d: {  	s2 =	sadd.s32 s2, s17  }
0x8e: {  	[smem:$0x3FC5] =	sst s2  }
0x8f: {  	_ = 	snop  }
0x90: {  	s2 =	sld [smem:$0x3FC8]  }
0x91: {  	s18 =	sld [smem:$0x3FC7]  }
0x92: {  	s4 =	sld [smem:$0x3FD0];
	(tm) =	ssettm $0x1  }
0x93: {  	s5 =	sld [smem:$0x3FFB];
	_ =	sdelay $0x3  }
0x94: {  	_ =	strace s5  }
0x95: {  	s5 =	sld [smem:$0x3FFC];
	_ =	sdelay $0x3  }
0x96: {  	_ =	strace s5  }
0x97: {  	s5 =	sld [smem:$0x3FFD];
	_ =	sdelay $0x3  }
0x98: {  	_ =	strace s5  }
0x99: {  	_ =	strace $0x8FFFFFFF  }
0x9a: {  	s19 =	sld [smem:$0x3FDB];
	_ =	sdelay $0x1  }
0x9b: {  	s6 =	simm.s32 $_scs_section_size  }
0x9c: {  	s7 =	simm.s32 $_size__tile_overlayer_lowered;
	s8 =	simm.s32 $_tile_overlayer_lowered  }
0x9d: {  	s22 =	simm.s32 $0x1BFF;
	s21 =	sshll.u32 s8, $0x1;
	s5 =	sadd.s32 s6, s19  }
0x9e: {  	s9 =	simm.s32 $0x0;
	s20 =	sshll.u32 s7, $0x1;
	s7 =	sadd.s32 s21, s5  }
0x9f: {  	[timem:s9], [sflag:s22] =	dma.local [hbm:s7], s20  }
0xa0: {  	_ =	swait.ge [sflag:s22], s20  }
0xa1: {  	s6 =	ssub.s32 $0x0, s20;
	[sflag:s22] =	ssyncset.done $0x0  }
0xa2: {  	[sflag:s22] =	ssyncadd.s32 s6;
	_ =	sdelay $0x1  }
0xa3: {  	s23 =	simm.s32 $0x1B8B  }
0xa4: {  	_ =	swait.ge [sflag:s23], $0x1  }
0xa5: {  	[sflag:s23] =	ssyncset.done $0x0  }
0xa6: {  	s25 =	simm.s32 $0x1B8E;
	s24 =	sld [smem:$0x3FFE];
	[sflag:s23] =	ssyncadd.s32 $0xFFFFFFFF  }
0xa7: {  	s26 =	simm.s32 $execute0_lowered;
	[smem:$0x3FD2] =	sst s25  }
0xa8: {  	s7 =	sshll.u32 s26, $0x1;
	_ =	strace $0x80000046;
	[dreg:$0x1] =	wrdreg $0xFFFFFFFF  }
0xa9: {  	s28 =	simm.s32 $_size_execute0_lowered;
	s5 =	sadd.s32 s5, s7;
	[dreg:$0x0] =	wrdreg $0x0  }
0xaa: {  	s7 =	sshll.u32 s28, $0x1;
	[dreg:$0x2] =	wrdreg s5  }
0xab: {  	[dreg:$0x3] =	wrdreg s7  }
0xac: {  	[dreg:$0x4] =	wrdreg $0xC0  }
0xad: {  	_ =	task [dreg:s9], $0x5FFFF  }
0xae: {  	[dreg:$0x1] =	wrdreg $0xFFFFFFFF  }
0xaf: {  	[dreg:$0x0] =	wrdreg $0x60  }
0xb0: {  	[dreg:$0x2] =	wrdreg s24  }
0xb1: {  	[dreg:$0x3] =	wrdreg s2  }
0xb2: {  	[dreg:$0x4] =	wrdreg s18  }
0xb3: {  	[dreg:$0x5] =	wrdreg s4  }
0xb4: {  	[dreg:$0x6] =	wrdreg $0x9  }
0xb5: {  	_ =	task.clear_ibuf [dreg:s9], $0x7FFFF;
	_ =	strace $0x90000046  }
0xb6: {  	s29 =	simm.s32 $0x9;
	_ =	strace $0x80000048  }
0xb7: {  	_ =	swait.ge [sflag:s29], $0x1  }
0xb8: {  	[sflag:s29] =	ssyncadd.s32 $0xFFFFFFFF  }
0xb9: {  	_ =	strace $0x90000048  }
0xba: {  	_ =	sfence  }
0xbb: {  	s30 =	sld [smem:$0x0];
	_ =	sdelay $0x2  }
0xbc: {  	s31 =	sshll.u32 s1, $0xD;
	s1 =	sshrl.u32 s1, $0x2  }
0xbd: {  	s3 =	sand.u32 $0x4000, s31;
	s1 =	sadd.s32 s1, s30  }
0xbe: {  	s0 =	sor.u32 s3, s0;
	s1 =	sshll.u32 s1, $0x11  }
0xbf: {  	s0 =	sor.u32 s1, s0  }
0xc0: {  	s0 =	sadd.s32 $0x8F2B, s0  }
0xc1: {  	[sflag:s0] =	ssyncadd.remote.s32 $0x1  }
0xc2: {  	_ =	sfence.sel $0xFFFF  }
0xc3: {  	[dreg:$0x0] =	wrdreg $0xFFFFFFFF;
	(pc) =	sbr.abs _section_cstart, $3  }
0xc4: {  	[dreg:$0x1] =	wrdreg $0xFFFFFFFF  }
0xc5: {  	_ =	task.clear_ibuf [dreg:s9], $0x2FFFF;
	_ =	strace $0x9FFFFFFF  }
0xc6: {  	(tm) =	ssettm $0x7FFFFFFF  }
0xc7: {  	_ =	shalt  }
tec
execute0_lowered:
.L_overlay_start_1:
0x0: {  	(tag) =	ssettag $0x1  }
0x1: {  	s1 =	rddreg [dreg:$0x0]  }
0x2: {  	s0 =	rddreg [dreg:$0x1]  }
0x3: {  	s4 =	rddreg [dreg:$0x2]  }
0x4: {  	s18 =	rddreg [dreg:$0x3];
	s2 =	simm.s32 $0x0;
	s8 =	srdreg.scid  }
0x5: {  	s9 =	stileid.u32;
	s22 =	simm.s32 $0x80;
	[smem:$0x7FF] =	sst s2  }
0x6: {  	v0 =	vimm.f32 $1.000000000e+04;
	s24 =	simm.s32 $0x100;
	s26 =	simm.s32 $0x180;
	_ =	strace $0x80000047  }
0x7: {  	s25 =	simm.s32 $0x1080;
	s28 =	simm.s32 $0x1100;
	s29 =	simm.s32 $0x1180;
	(erf) = vrcp.f32 v0;
	v0 =	vimm.f32 $1.000000000e+02  }
0x8: {  	s30 =	simm.s32 $0x1;
	s31 =	simm.s32 $0x1200;
	s3 =	sadd.s32 $0xB7C00, s1;
	(erf) = vrcp.f32 v0  }
0x9: {  	s5 =	sadd.s32 $0x99200, s1;
	s6 =	sadd.s32 $0x7A800, s1;
	s8 =	sand.u32 $0x1, s8  }
0xa: {  	s7 =	sadd.s32 $0x5BE00, s1;
	s9 =	sshll.u32 s9, $0x7;
	s10 =	ssub.s32 $0x2, s8  }
0xb: {  	s11 =	sshll.u32 s8, $0x6;
	s8 =	sadd.s32 $0x3D400, s1;
	s12 =	sshrl.u32 s10, $0x1  }
0xc: {  	s19 =	sor.u32 s11, s9;
	s9 =	sadd.s32 $0x1EA00, s1;
	s20 =	ssub.s32 s10, s12  }
0xd: {  	s13 =	sor.u32 $0x10, s19;
	s10 =	sadd.s32 s4, s19;
	s11 =	sadd.s32 s0, s19  }
0xe: {  	s15 =	sor.u32 $0x20, s19;
	s17 =	sor.u32 $0x30, s19;
	s18 =	sadd.s32 s18, s19  }
0xf: {  	s12 =	sadd.s32 s4, s13;
	s13 =	sadd.s32 s0, s13;
	s14 =	sadd.s32 s4, s15  }
0x10: {  	s15 =	sadd.s32 s0, s15;
	s16 =	sadd.s32 s4, s17;
	s17 =	sadd.s32 s0, s17;
	v0 =	vpop (erf)  }
0x11: {  	v2 =	vimm.f32 $0.0e+00;
	s19 =	smax.u32 s20, $0x1;
	s20 =	simm.s32 $0x2;
	s0 =	simm.s32 $0x0;
	v1 =	vpop (erf)  }
.LBB2_1:
0x12: {  	[tilespmem:s2], [sflag:$0x2] =	stream.linear.gather [hbm4b:s10+s2], $0x80, $0x38;
	[tilespmem:$0x1400] =	vst v63  }
0x13: {  	_ =	swait.ge [sflag:s20], $0x80  }
0x14: {  	[sflag:s20] =	ssyncset.done $0x0  }
0x15: {  	s4 =	simm.s32 $0x200;
	[sflag:s20] =	ssyncadd.s32 $0xFFFFFF80  }
0x16: {  	[tilespmem:s4], [sflag:$0x2] =	stream.linear.gather [hbm4b:s11+s2], $0x80, $0x38;
	[tilespmem:$0x1400] =	vst v63  }
0x17: {  	_ =	swait.ge [sflag:s20], $0x80  }
0x18: {  	[sflag:s20] =	ssyncset.done $0x0  }
0x19: {  	[sflag:s20] =	ssyncadd.s32 $0xFFFFFF80  }
0x1a: {  	[tilespmem:s22], [sflag:$0x2] =	stream.linear.gather [hbm4b:s12+s2], $0x80, $0x38;
	[tilespmem:$0x1400] =	vst v63  }
0x1b: {  	_ =	swait.ge [sflag:s20], $0x80  }
0x1c: {  	[sflag:s20] =	ssyncset.done $0x0  }
0x1d: {  	s21 =	simm.s32 $0x280;
	[sflag:s20] =	ssyncadd.s32 $0xFFFFFF80  }
0x1e: {  	[tilespmem:s21], [sflag:$0x2] =	stream.linear.gather [hbm4b:s13+s2], $0x80, $0x38;
	[tilespmem:$0x1400] =	vst v63  }
0x1f: {  	_ =	swait.ge [sflag:s20], $0x80  }
0x20: {  	[sflag:s20] =	ssyncset.done $0x0  }
0x21: {  	[sflag:s20] =	ssyncadd.s32 $0xFFFFFF80  }
0x22: {  	[tilespmem:s24], [sflag:$0x2] =	stream.linear.gather [hbm4b:s14+s2], $0x80, $0x38;
	[tilespmem:$0x1400] =	vst v63  }
0x23: {  	_ =	swait.ge [sflag:s20], $0x80  }
0x24: {  	[sflag:s20] =	ssyncset.done $0x0  }
0x25: {  	s23 =	simm.s32 $0x300;
	[sflag:s20] =	ssyncadd.s32 $0xFFFFFF80  }
0x26: {  	[tilespmem:s23], [sflag:$0x2] =	stream.linear.gather [hbm4b:s15+s2], $0x80, $0x38;
	[tilespmem:$0x1400] =	vst v63  }
0x27: {  	_ =	swait.ge [sflag:s20], $0x80  }
0x28: {  	[sflag:s20] =	ssyncset.done $0x0  }
0x29: {  	[sflag:s20] =	ssyncadd.s32 $0xFFFFFF80  }
0x2a: {  	[tilespmem:s26], [sflag:$0x2] =	stream.linear.gather [hbm4b:s16+s2], $0x80, $0x38;
	[tilespmem:$0x1400] =	vst v63  }
0x2b: {  	_ =	swait.ge [sflag:s20], $0x80  }
0x2c: {  	[sflag:s20] =	ssyncset.done $0x0  }
0x2d: {  	s21 =	simm.s32 $0x380;
	[sflag:s20] =	ssyncadd.s32 $0xFFFFFF80  }
0x2e: {  	[tilespmem:s21], [sflag:$0x2] =	stream.linear.gather [hbm4b:s17+s2], $0x80, $0x38;
	[tilespmem:$0x1400] =	vst v63  }
0x2f: {  	_ =	swait.ge [sflag:s20], $0x80  }
0x30: {  	[sflag:s20] =	ssyncset.done $0x0  }
0x31: {  	s23 =	simm.s32 $0x400;
	[sflag:s20] =	ssyncadd.s32 $0xFFFFFF80  }
0x32: {  	[tilespmem:s23], [sflag:$0x1] =	stream.indirect.gather [hbm4b:s1+s22], $0x1, s2, s22, $0xb8;
	[tilespmem:$0x1400] =	vst v63  }
0x33: {  	s21 =	simm.s32 $0x480  }
0x34: {  	[tilespmem:s21], [sflag:$0x1] =	stream.indirect.gather [hbm4b:s3+s22], $0x1, s2, s22, $0xb8;
	[tilespmem:$0x1400] =	vst v63  }
0x35: {  	s23 =	simm.s32 $0x500  }
0x36: {  	[tilespmem:s23], [sflag:$0x1] =	stream.indirect.gather [hbm4b:s5+s22], $0x1, s2, s22, $0xb8;
	[tilespmem:$0x1400] =	vst v63  }
0x37: {  	s21 =	simm.s32 $0x580  }
0x38: {  	[tilespmem:s21], [sflag:$0x1] =	stream.indirect.gather [hbm4b:s6+s22], $0x1, s2, s22, $0xb8;
	[tilespmem:$0x1400] =	vst v63  }
0x39: {  	s23 =	simm.s32 $0x600  }
0x3a: {  	[tilespmem:s23], [sflag:$0x1] =	stream.indirect.gather [hbm4b:s7+s22], $0x1, s2, s22, $0xb8;
	[tilespmem:$0x1400] =	vst v63  }
0x3b: {  	s21 =	simm.s32 $0x680  }
0x3c: {  	[tilespmem:s21], [sflag:$0x1] =	stream.indirect.gather [hbm4b:s8+s22], $0x1, s2, s22, $0xb8;
	[tilespmem:$0x1400] =	vst v63  }
0x3d: {  	s23 =	simm.s32 $0x700  }
0x3e: {  	[tilespmem:s23], [sflag:$0x1] =	stream.indirect.gather [hbm4b:s9+s22], $0x1, s2, s22, $0xb8;
	[tilespmem:$0x1400] =	vst v63  }
0x3f: {  	s21 =	simm.s32 $0x780  }
0x40: {  	[tilespmem:s21], [sflag:$0x1] =	stream.indirect.gather [hbm4b:s1+s22], $0x1, s22, s22, $0xb8;
	[tilespmem:$0x1400] =	vst v63  }
0x41: {  	s23 =	simm.s32 $0x800  }
0x42: {  	[tilespmem:s23], [sflag:$0x1] =	stream.indirect.gather [hbm4b:s3+s22], $0x1, s22, s22, $0xb8;
	[tilespmem:$0x1400] =	vst v63  }
0x43: {  	s21 =	simm.s32 $0x880  }
0x44: {  	[tilespmem:s21], [sflag:$0x1] =	stream.indirect.gather [hbm4b:s5+s22], $0x1, s22, s22, $0xb8;
	[tilespmem:$0x1400] =	vst v63  }
0x45: {  	s23 =	simm.s32 $0x900  }
0x46: {  	[tilespmem:s23], [sflag:$0x1] =	stream.indirect.gather [hbm4b:s6+s22], $0x1, s22, s22, $0xb8;
	[tilespmem:$0x1400] =	vst v63  }
0x47: {  	s21 =	simm.s32 $0x980  }
0x48: {  	[tilespmem:s21], [sflag:$0x1] =	stream.indirect.gather [hbm4b:s7+s22], $0x1, s22, s22, $0xb8;
	[tilespmem:$0x1400] =	vst v63  }
0x49: {  	s23 =	simm.s32 $0xA00  }
0x4a: {  	[tilespmem:s23], [sflag:$0x1] =	stream.indirect.gather [hbm4b:s8+s22], $0x1, s22, s22, $0xb8;
	[tilespmem:$0x1400] =	vst v63  }
0x4b: {  	s21 =	simm.s32 $0xA80  }
0x4c: {  	[tilespmem:s21], [sflag:$0x1] =	stream.indirect.gather [hbm4b:s9+s22], $0x1, s22, s22, $0xb8;
	[tilespmem:$0x1400] =	vst v63  }
0x4d: {  	s23 =	simm.s32 $0xB00  }
0x4e: {  	[tilespmem:s23], [sflag:$0x1] =	stream.indirect.gather [hbm4b:s1+s22], $0x1, s24, s22, $0xb8;
	[tilespmem:$0x1400] =	vst v63  }
0x4f: {  	s21 =	simm.s32 $0xB80  }
0x50: {  	[tilespmem:s21], [sflag:$0x1] =	stream.indirect.gather [hbm4b:s3+s22], $0x1, s24, s22, $0xb8;
	[tilespmem:$0x1400] =	vst v63  }
0x51: {  	s23 =	simm.s32 $0xC00  }
0x52: {  	[tilespmem:s23], [sflag:$0x1] =	stream.indirect.gather [hbm4b:s5+s22], $0x1, s24, s22, $0xb8;
	[tilespmem:$0x1400] =	vst v63  }
0x53: {  	s21 =	simm.s32 $0xC80  }
0x54: {  	[tilespmem:s21], [sflag:$0x1] =	stream.indirect.gather [hbm4b:s6+s22], $0x1, s24, s22, $0xb8;
	[tilespmem:$0x1400] =	vst v63  }
0x55: {  	s23 =	simm.s32 $0xD00  }
0x56: {  	[tilespmem:s23], [sflag:$0x1] =	stream.indirect.gather [hbm4b:s7+s22], $0x1, s24, s22, $0xb8;
	[tilespmem:$0x1400] =	vst v63  }
0x57: {  	s21 =	simm.s32 $0xD80  }
0x58: {  	[tilespmem:s21], [sflag:$0x1] =	stream.indirect.gather [hbm4b:s8+s22], $0x1, s24, s22, $0xb8;
	[tilespmem:$0x1400] =	vst v63  }
0x59: {  	s23 =	simm.s32 $0xE00  }
0x5a: {  	[tilespmem:s23], [sflag:$0x1] =	stream.indirect.gather [hbm4b:s9+s22], $0x1, s24, s22, $0xb8;
	[tilespmem:$0x1400] =	vst v63  }
0x5b: {  	s21 =	simm.s32 $0xE80  }
0x5c: {  	[tilespmem:s21], [sflag:$0x1] =	stream.indirect.gather [hbm4b:s1+s22], $0x1, s26, s22, $0xb8;
	[tilespmem:$0x1400] =	vst v63  }
0x5d: {  	s23 =	simm.s32 $0xF00  }
0x5e: {  	[tilespmem:s23], [sflag:$0x1] =	stream.indirect.gather [hbm4b:s3+s22], $0x1, s26, s22, $0xb8;
	[tilespmem:$0x1400] =	vst v63  }
0x5f: {  	s21 =	simm.s32 $0xF80  }
0x60: {  	[tilespmem:s21], [sflag:$0x1] =	stream.indirect.gather [hbm4b:s5+s22], $0x1, s26, s22, $0xb8;
	[tilespmem:$0x1400] =	vst v63  }
0x61: {  	s23 =	simm.s32 $0x1000  }
0x62: {  	[tilespmem:s23], [sflag:$0x1] =	stream.indirect.gather [hbm4b:s6+s22], $0x1, s26, s22, $0xb8;
	[tilespmem:$0x1400] =	vst v63  }
0x63: {  	_ = 	snop  }
0x64: {  	[tilespmem:s25], [sflag:$0x1] =	stream.indirect.gather [hbm4b:s7+s22], $0x1, s26, s22, $0xb8;
	[tilespmem:$0x1400] =	vst v63  }
0x65: {  	_ = 	snop  }
0x66: {  	[tilespmem:s28], [sflag:$0x1] =	stream.indirect.gather [hbm4b:s8+s22], $0x1, s26, s22, $0xb8;
	[tilespmem:$0x1400] =	vst v63  }
0x67: {  	_ = 	snop  }
0x68: {  	[tilespmem:s29], [sflag:$0x1] =	stream.indirect.gather [hbm4b:s9+s22], $0x1, s26, s22, $0xb8;
	[tilespmem:$0x1400] =	vst v63  }
0x69: {  	_ =	swait.ge [sflag:s30], $0x80  }
0x6a: {  	[sflag:s30] =	ssyncset.done $0x0  }
0x6b: {  	[sflag:s30] =	ssyncadd.s32 $0xFFFFFF80  }
0x6c: {  	_ =	swait.ge [sflag:s30], $0x80  }
0x6d: {  	[sflag:s30] =	ssyncset.done $0x0  }
0x6e: {  	[sflag:s30] =	ssyncadd.s32 $0xFFFFFF80  }
0x6f: {  	_ =	swait.ge [sflag:s30], $0x80  }
0x70: {  	[sflag:s30] =	ssyncset.done $0x0  }
0x71: {  	[sflag:s30] =	ssyncadd.s32 $0xFFFFFF80  }
0x72: {  	_ =	swait.ge [sflag:s30], $0x80  }
0x73: {  	[sflag:s30] =	ssyncset.done $0x0  }
0x74: {  	[sflag:s30] =	ssyncadd.s32 $0xFFFFFF80  }
0x75: {  	_ =	swait.ge [sflag:s30], $0x80  }
0x76: {  	[sflag:s30] =	ssyncset.done $0x0  }
0x77: {  	[sflag:s30] =	ssyncadd.s32 $0xFFFFFF80  }
0x78: {  	_ =	swait.ge [sflag:s30], $0x80  }
0x79: {  	[sflag:s30] =	ssyncset.done $0x0  }
0x7a: {  	[sflag:s30] =	ssyncadd.s32 $0xFFFFFF80  }
0x7b: {  	_ =	swait.ge [sflag:s30], $0x80  }
0x7c: {  	[sflag:s30] =	ssyncset.done $0x0  }
0x7d: {  	[sflag:s30] =	ssyncadd.s32 $0xFFFFFF80  }
0x7e: {  	_ =	swait.ge [sflag:s30], $0x80  }
0x7f: {  	[sflag:s30] =	ssyncset.done $0x0  }
0x80: {  	[sflag:s30] =	ssyncadd.s32 $0xFFFFFF80  }
0x81: {  	_ =	swait.ge [sflag:s30], $0x80  }
0x82: {  	[sflag:s30] =	ssyncset.done $0x0  }
0x83: {  	[sflag:s30] =	ssyncadd.s32 $0xFFFFFF80  }
0x84: {  	_ =	swait.ge [sflag:s30], $0x80  }
0x85: {  	[sflag:s30] =	ssyncset.done $0x0  }
0x86: {  	[sflag:s30] =	ssyncadd.s32 $0xFFFFFF80  }
0x87: {  	_ =	swait.ge [sflag:s30], $0x80  }
0x88: {  	[sflag:s30] =	ssyncset.done $0x0  }
0x89: {  	[sflag:s30] =	ssyncadd.s32 $0xFFFFFF80  }
0x8a: {  	_ =	swait.ge [sflag:s30], $0x80  }
0x8b: {  	[sflag:s30] =	ssyncset.done $0x0  }
0x8c: {  	[sflag:s30] =	ssyncadd.s32 $0xFFFFFF80  }
0x8d: {  	_ =	swait.ge [sflag:s30], $0x80  }
0x8e: {  	[sflag:s30] =	ssyncset.done $0x0  }
0x8f: {  	[sflag:s30] =	ssyncadd.s32 $0xFFFFFF80  }
0x90: {  	_ =	swait.ge [sflag:s30], $0x80  }
0x91: {  	[sflag:s30] =	ssyncset.done $0x0  }
0x92: {  	[sflag:s30] =	ssyncadd.s32 $0xFFFFFF80  }
0x93: {  	_ =	swait.ge [sflag:s30], $0x80  }
0x94: {  	[sflag:s30] =	ssyncset.done $0x0  }
0x95: {  	[sflag:s30] =	ssyncadd.s32 $0xFFFFFF80  }
0x96: {  	_ =	swait.ge [sflag:s30], $0x80  }
0x97: {  	[sflag:s30] =	ssyncset.done $0x0  }
0x98: {  	[sflag:s30] =	ssyncadd.s32 $0xFFFFFF80  }
0x99: {  	_ =	swait.ge [sflag:s30], $0x80  }
0x9a: {  	[sflag:s30] =	ssyncset.done $0x0  }
0x9b: {  	[sflag:s30] =	ssyncadd.s32 $0xFFFFFF80  }
0x9c: {  	_ =	swait.ge [sflag:s30], $0x80  }
0x9d: {  	[sflag:s30] =	ssyncset.done $0x0  }
0x9e: {  	[sflag:s30] =	ssyncadd.s32 $0xFFFFFF80  }
0x9f: {  	_ =	swait.ge [sflag:s30], $0x80  }
0xa0: {  	[sflag:s30] =	ssyncset.done $0x0  }
0xa1: {  	[sflag:s30] =	ssyncadd.s32 $0xFFFFFF80  }
0xa2: {  	_ =	swait.ge [sflag:s30], $0x80  }
0xa3: {  	[sflag:s30] =	ssyncset.done $0x0  }
0xa4: {  	[sflag:s30] =	ssyncadd.s32 $0xFFFFFF80  }
0xa5: {  	_ =	swait.ge [sflag:s30], $0x80  }
0xa6: {  	[sflag:s30] =	ssyncset.done $0x0  }
0xa7: {  	[sflag:s30] =	ssyncadd.s32 $0xFFFFFF80  }
0xa8: {  	_ =	swait.ge [sflag:s30], $0x80  }
0xa9: {  	[sflag:s30] =	ssyncset.done $0x0  }
0xaa: {  	[sflag:s30] =	ssyncadd.s32 $0xFFFFFF80  }
0xab: {  	_ =	swait.ge [sflag:s30], $0x80  }
0xac: {  	[sflag:s30] =	ssyncset.done $0x0  }
0xad: {  	[sflag:s30] =	ssyncadd.s32 $0xFFFFFF80  }
0xae: {  	_ =	swait.ge [sflag:s30], $0x80  }
0xaf: {  	[sflag:s30] =	ssyncset.done $0x0  }
0xb0: {  	[sflag:s30] =	ssyncadd.s32 $0xFFFFFF80  }
0xb1: {  	_ =	swait.ge [sflag:s30], $0x80  }
0xb2: {  	[sflag:s30] =	ssyncset.done $0x0  }
0xb3: {  	[sflag:s30] =	ssyncadd.s32 $0xFFFFFF80  }
0xb4: {  	_ =	swait.ge [sflag:s30], $0x80  }
0xb5: {  	[sflag:s30] =	ssyncset.done $0x0  }
0xb6: {  	[sflag:s30] =	ssyncadd.s32 $0xFFFFFF80  }
0xb7: {  	_ =	swait.ge [sflag:s30], $0x80  }
0xb8: {  	[sflag:s30] =	ssyncset.done $0x0  }
0xb9: {  	[sflag:s30] =	ssyncadd.s32 $0xFFFFFF80  }
0xba: {  	_ =	swait.ge [sflag:s30], $0x80  }
0xbb: {  	[sflag:s30] =	ssyncset.done $0x0  }
0xbc: {  	s4 =	simm.s32 $0x5C0;
	s21 =	simm.s32 $0x0;
	[sflag:s30] =	ssyncadd.s32 $0xFFFFFF80  }
.LBB2_2:
0xbd: {  	v3 =	vld [tilespmem:s4+$0xFFFFFE40]  }
0xbe: {  	v4 =	vld [tilespmem:s4+$0xFFFFFEC0]  }
0xbf: {  	v5 =	vld [tilespmem:s4+$0xFFFFFF40]  }
0xc0: {  	v6 =	vld [tilespmem:s4+$0xFFFFFFC0]  }
0xc1: {  	v7 =	vld [tilespmem:s4+$0x40]  }
0xc2: {  	v8 =	vld [tilespmem:s4+$0xC0]  }
0xc3: {  	v9 =	vld [tilespmem:s4+$0x140];
	v10 =	vmax.f32 v3, v4  }
0xc4: {  	v10 =	vmax.f32 v10, v5  }
0xc5: {  	v10 =	vmax.f32 v10, v6  }
0xc6: {  	v10 =	vmax.f32 v10, v7  }
0xc7: {  	v10 =	vmax.f32 v10, v8  }
0xc8: {  	v10 =	vmax.f32 v10, v9  }
0xc9: {  	v11 =	vsub.f32 v3, v10  }
0xca: {  	v12 =	vsub.f32 v4, v10  }
0xcb: {  	v11 =	vmul.f32 $1.442695020e+00, v11  }
0xcc: {  	v13 =	vsub.f32 v5, v10;
	v12 =	vmul.f32 $1.442695020e+00, v12  }
0xcd: {  	(erf) = vpow2.f32 v11  }
0xce: {  	v31 =	vsub.f32 v6, v10;
	v30 =	vmul.f32 $1.442695020e+00, v13;
	(erf) = vpow2.f32 v12;
	_ =	sdelay $0x1  }
0xcf: {  	v33 =	vsub.f32 v7, v10;
	v32 =	vmul.f32 $1.442695020e+00, v31;
	(erf) = vpow2.f32 v30;
	_ =	sdelay $0x1  }
0xd0: {  	v35 =	vsub.f32 v8, v10;
	v34 =	vmul.f32 $1.442695020e+00, v33;
	(erf) = vpow2.f32 v32;
	_ =	sdelay $0x1  }
0xd1: {  	v37 =	vsub.f32 v9, v10;
	v36 =	vmul.f32 $1.442695020e+00, v35;
	(erf) = vpow2.f32 v34;
	_ =	sdelay $0x1  }
0xd2: {  	v39 =	vmul.f32 $1.442695020e+00, v37;
	v38 =	vpop (erf);
	(erf) = vpow2.f32 v36  }
0xd3: {  	v40 =	vpop (erf)  }
0xd4: {  	(erf) = vpow2.f32 v39;
	v12 =	vadd.f32 v40, v38  }
0xd5: {  	v41 =	vpop (erf)  }
0xd6: {  	v11 =	vadd.f32 v12, v41  }
0xd7: {  	v42 =	vpop (erf)  }
0xd8: {  	v11 =	vadd.f32 v11, v42  }
0xd9: {  	v44 =	vpop (erf)  }
0xda: {  	v11 =	vadd.f32 v11, v44  }
0xdb: {  	s23 =	sshra.s32 s21, $0x2;
	v45 =	vpop (erf)  }
0xdc: {  	v14 =	vld [tilespmem:s23+$0x200];
	v11 =	vadd.f32 v11, v45  }
0xdd: {  	v46 =	vpop (erf)  }
0xde: {  	v43 =	vld [tilespmem:s23+$0x0];
	v11 =	vadd.f32 v11, v46;
	_ =	sdelay $0x1  }
0xdf: {  	v16 =	vand.u32 $0x7FFFFF, v11  }
0xe0: {  	v15 =	vcvt.s32.f32 v14;
	v16 =	vor.u32 $0x3F800000, v16  }
0xe1: {  	v17 =	vmul.f32 $5.000000000e-01, v16  }
0xe2: {  	v47 =	vcvt.s32.f32 v43;
	v15 =	vmul.f32 v15, v0;
	vm0 =	vgt.f32 v16, $1.414213540e+00  }
0xe3: {  	v16 =	vsel vm0, v17, v16  }
0xe4: {  	v15 =	vtrunc.f32 v15;
	v13 =	vmul.f32 v47, v0;
	v17 =	vadd.f32 $1.000000000e+00, v16  }
0xe5: {  	v15 =	vcvt.f32.s32 v15  }
0xe6: {  	v13 =	vtrunc.f32 v13;
	(erf) = vrcp.f32 v17  }
0xe7: {  	v19 =	vmul.u32 $0xFFFFD8F0, v15;
	v13 =	vcvt.f32.s32 v13;
	_ =	sdelay $0x1  }
0xe8: {  	v14 =	vadd.s32 v14, v19;
	v18 =	vmul.u32 $0xFFFFD8F0, v13  }
0xe9: {  	v49 =	vcvt.s32.f32 v14  }
0xea: {  	v12 =	vadd.s32 v43, v18  }
0xeb: {  	v18 =	vmul.f32 v49, v1;
	v48 =	vcvt.s32.f32 v12;
	_ =	sdelay $0x1  }
0xec: {  	v18 =	vtrunc.f32 v18;
	v16 =	vadd.f32 $-1.000000000e+00, v16;
	v17 =	vmul.f32 v48, v1  }
0xed: {  	v52 =	vsub.s32 v15, v13;
	v18 =	vcvt.f32.s32 v18;
	v21 =	vpop (erf)  }
0xee: {  	vm1 =	veq.s32 v15, v13;
	v17 =	vtrunc.f32 v17;
	v16 =	vmul.f32 v21, v16  }
0xef: {  	vm9 =	veq.s32 v52, $0x1;
	v20 =	vmul.u32 $0xFFFFFF9C, v18;
	v17 =	vcvt.f32.s32 v17  }
0xf0: {  	vm15 =	veq.s32 v52, $0x2;
	v11 =	vshra.s32 v11, $0x17;
	v21 =	vmul.f32 v16, v16  }
0xf1: {  	v14 =	vadd.s32 v14, v20;
	v55 =	vadd.s32 $0xFFFFFF81, v11;
	v50 =	vmul.u32 $0xFFFFFF9C, v17  }
0xf2: {  	v56 =	vsel vm0, $0x3F800000, v2;
	v51 =	vsub.s32 v18, v17;
	v53 =	vmul.f32 $1.428571490e-01, v21  }
0xf3: {  	vm3 =	veq.s32 v18, v17;
	vm7 =	veq.s32 v51, $0x1;
	v12 =	vadd.s32 v12, v50  }
0xf4: {  	v19 =	vsub.s32 v14, v12;
	vm2 =	veq.s32 v14, v12;
	v13 =	vadd.f32 $2.000000030e-01, v53  }
0xf5: {  	vm8 =	veq.s32 v51, $0xFFFFFFFF;
	vm4 =	veq.s32 v19, $0x1;
	vm5 =	vmand vm3, vm2  }
0xf6: {  	vm6 =	veq.s32 v19, $0xFFFFFFFF;
	vm4 =	vmand vm3, vm4;
	v54 =	vmul.f32 v13, v21  }
0xf7: {  	vm7 =	vmand vm7, vm2;
	vm2 =	vmand vm8, vm2;
	vm11 =	vmand vm1, vm4  }
0xf8: {  	vm3 =	vmand vm3, vm6;
	v3 =	vsel vm11, v4, v3;
	v4 =	vadd.f32 $3.333333430e-01, v54  }
0xf9: {  	vm13 =	vmand vm1, vm7;
	vm14 =	vmand vm1, vm2;
	vm12 =	vmand vm1, vm3  }
0xfa: {  	v3 =	vsel vm12, v5, v3;
	v5 =	vcvt.s32.f32 v55;
	v4 =	vmul.f32 v4, v21  }
0xfb: {  	vm9 =	vmand vm9, vm5;
	vm4 =	vmor vm5, vm4;
	v57 =	vadd.f32 v16, v16  }
0xfc: {  	v3 =	vsel vm13, v6, v3;
	v5 =	vadd.f32 v5, v56;
	v4 =	vadd.f32 $1.000000000e+00, v4  }
0xfd: {  	vm0 =	vmand vm15, vm5;
	vm3 =	vmor vm3, vm4;
	v3 =	vsel vm14, v7, v3  }
0xfe: {  	v3 =	vsel vm9, v8, v3;
	v5 =	vmul.f32 $6.931471820e-01, v5;
	v4 =	vmul.f32 v4, v57  }
0xff: {  	vm3 =	vmor vm7, vm3;
	v3 =	vsel vm0, v9, v3  }
0x100: {  	vm2 =	vmor vm2, vm3;
	v3 =	vsub.f32 v3, v10;
	v4 =	vadd.f32 v4, v5  }
0x101: {  	vm1 =	vmand vm1, vm2  }
0x102: {  	vm1 =	vmor vm9, vm1;
	v3 =	vsub.f32 v3, v4  }
0x103: {  	vm0 =	vmor vm0, vm1  }
0x104: {  	v3 =	vnsel vm0, $0xFF800000, v3  }
0x105: {  	[tilespmem:s23+$0x1200] =	vst v3  }
0x106: {  	v3 =	vld [tilespmem:s4+$0xFFFFFE50]  }
0x107: {  	v58 =	vld [tilespmem:s4+$0xFFFFFED0]  }
0x108: {  	v59 =	vld [tilespmem:s4+$0xFFFFFF50]  }
0x109: {  	v60 =	vld [tilespmem:s4+$0xFFFFFFD0]  }
0x10a: {  	v61 =	vld [tilespmem:s4+$0x50]  }
0x10b: {  	v62 =	vld [tilespmem:s4+$0xD0]  }
0x10c: {  	v63 =	vld [tilespmem:s4+$0x150];
	v18 =	vmax.f32 v3, v58  }
0x10d: {  	v10 =	vmax.f32 v18, v59  }
0x10e: {  	v10 =	vmax.f32 v10, v60  }
0x10f: {  	v10 =	vmax.f32 v10, v61  }
0x110: {  	v10 =	vmax.f32 v10, v62  }
0x111: {  	v10 =	vmax.f32 v10, v63  }
0x112: {  	v19 =	vsub.f32 v3, v10  }
0x113: {  	v20 =	vsub.f32 v58, v10  }
0x114: {  	v11 =	vmul.f32 $1.442695020e+00, v19  }
0x115: {  	v21 =	vsub.f32 v59, v10;
	v12 =	vmul.f32 $1.442695020e+00, v20  }
0x116: {  	(erf) = vpow2.f32 v11  }
0x117: {  	v23 =	vsub.f32 v60, v10;
	v22 =	vmul.f32 $1.442695020e+00, v21;
	(erf) = vpow2.f32 v12;
	_ =	sdelay $0x1  }
0x118: {  	v25 =	vsub.f32 v61, v10;
	v24 =	vmul.f32 $1.442695020e+00, v23;
	(erf) = vpow2.f32 v22;
	_ =	sdelay $0x1  }
0x119: {  	v27 =	vsub.f32 v62, v10;
	v26 =	vmul.f32 $1.442695020e+00, v25;
	(erf) = vpow2.f32 v24;
	_ =	sdelay $0x1  }
0x11a: {  	v29 =	vsub.f32 v63, v10;
	v28 =	vmul.f32 $1.442695020e+00, v27;
	(erf) = vpow2.f32 v26;
	_ =	sdelay $0x1  }
0x11b: {  	v31 =	vmul.f32 $1.442695020e+00, v29;
	v30 =	vpop (erf);
	(erf) = vpow2.f32 v28  }
0x11c: {  	v32 =	vpop (erf)  }
0x11d: {  	(erf) = vpow2.f32 v31;
	v12 =	vadd.f32 v32, v30  }
0x11e: {  	v33 =	vpop (erf)  }
0x11f: {  	v11 =	vadd.f32 v12, v33  }
0x120: {  	v34 =	vpop (erf)  }
0x121: {  	v11 =	vadd.f32 v11, v34  }
0x122: {  	v36 =	vpop (erf)  }
0x123: {  	v11 =	vadd.f32 v11, v36  }
0x124: {  	v37 =	vld [tilespmem:s23+$0x210];
	v38 =	vpop (erf)  }
0x125: {  	v11 =	vadd.f32 v11, v38  }
0x126: {  	v39 =	vpop (erf)  }
0x127: {  	v35 =	vld [tilespmem:s23+$0x10];
	v11 =	vadd.f32 v11, v39;
	_ =	sdelay $0x1  }
0x128: {  	v41 =	vcvt.s32.f32 v37;
	v42 =	vand.u32 $0x7FFFFF, v11  }
0x129: {  	v16 =	vor.u32 $0x3F800000, v42  }
0x12a: {  	v15 =	vmul.f32 v41, v0;
	v43 =	vmul.f32 $5.000000000e-01, v16  }
0x12b: {  	v40 =	vcvt.s32.f32 v35;
	vm0 =	vgt.f32 v16, $1.414213540e+00  }
0x12c: {  	v15 =	vtrunc.f32 v15;
	v16 =	vsel vm0, v43, v16  }
0x12d: {  	v15 =	vcvt.f32.s32 v15;
	v13 =	vmul.f32 v40, v0;
	v17 =	vadd.f32 $1.000000000e+00, v16;
	_ =	sdelay $0x1  }
0x12e: {  	v45 =	vmul.u32 $0xFFFFD8F0, v15;
	v13 =	vtrunc.f32 v13;
	(erf) = vrcp.f32 v17  }
0x12f: {  	v13 =	vcvt.f32.s32 v13  }
0x130: {  	v14 =	vadd.s32 v37, v45  }
0x131: {  	v47 =	vcvt.s32.f32 v14;
	v44 =	vmul.u32 $0xFFFFD8F0, v13;
	_ =	sdelay $0x1  }
0x132: {  	v18 =	vmul.f32 v47, v1;
	v12 =	vadd.s32 v35, v44  }
0x133: {  	v46 =	vcvt.s32.f32 v12  }
0x134: {  	v18 =	vtrunc.f32 v18;
	v11 =	vshra.s32 v11, $0x17  }
0x135: {  	v55 =	vadd.s32 $0xFFFFFF81, v11;
	v16 =	vadd.f32 $-1.000000000e+00, v16;
	v17 =	vmul.f32 v46, v1  }
0x136: {  	v18 =	vcvt.f32.s32 v18;
	v5 =	vcvt.s32.f32 v55;
	v50 =	vpop (erf)  }
0x137: {  	v17 =	vtrunc.f32 v17;
	v16 =	vmul.f32 v50, v16  }
0x138: {  	v56 =	vsel vm0, $0x3F800000, v2;
	v17 =	vcvt.f32.s32 v17  }
0x139: {  	v49 =	vmul.u32 $0xFFFFFF9C, v18;
	v5 =	vadd.f32 v5, v56;
	v21 =	vmul.f32 v16, v16  }
0x13a: {  	v52 =	vsub.s32 v15, v13;
	vm1 =	veq.s32 v15, v13;
	v48 =	vmul.u32 $0xFFFFFF9C, v17  }
0x13b: {  	v14 =	vadd.s32 v14, v49;
	v5 =	vmul.f32 $6.931471820e-01, v5;
	v53 =	vmul.f32 $1.428571490e-01, v21  }
0x13c: {  	v51 =	vsub.s32 v18, v17;
	vm9 =	veq.s32 v18, v17;
	v12 =	vadd.s32 v12, v48  }
0x13d: {  	vm14 =	veq.s32 v51, $0x1;
	v19 =	vsub.s32 v14, v12;
	v13 =	vadd.f32 $2.000000030e-01, v53  }
0x13e: {  	vm15 =	veq.s32 v51, $0xFFFFFFFF;
	vm2 =	veq.s32 v14, v12;
	vm10 =	veq.s32 v19, $0x1  }
0x13f: {  	vm5 =	vmand vm9, vm2;
	vm11 =	veq.s32 v19, $0xFFFFFFFF;
	v54 =	vmul.f32 v13, v21  }
0x140: {  	vm7 =	vmand vm14, vm2;
	vm2 =	vmand vm15, vm2;
	vm14 =	veq.s32 v52, $0x1  }
0x141: {  	vm15 =	veq.s32 v52, $0x2;
	vm4 =	vmand vm9, vm10;
	v4 =	vadd.f32 $3.333333430e-01, v54  }
0x142: {  	vm3 =	vmand vm9, vm11;
	vm9 =	vmand vm14, vm5;
	vm12 =	vmand vm1, vm4  }
0x143: {  	vm13 =	vmand vm1, vm3;
	v3 =	vsel vm12, v58, v3;
	v4 =	vmul.f32 v4, v21  }
0x144: {  	vm12 =	vmand vm1, vm7;
	v57 =	vadd.f32 v16, v16;
	v3 =	vsel vm13, v59, v3  }
0x145: {  	vm13 =	vmand vm1, vm2;
	v3 =	vsel vm12, v60, v3;
	v4 =	vadd.f32 $1.000000000e+00, v4  }
0x146: {  	vm0 =	vmand vm15, vm5;
	vm4 =	vmor vm5, vm4;
	v3 =	vsel vm13, v61, v3  }
0x147: {  	vm3 =	vmor vm3, vm4;
	v3 =	vsel vm9, v62, v3;
	v4 =	vmul.f32 v4, v57  }
0x148: {  	vm3 =	vmor vm7, vm3;
	v3 =	vsel vm0, v63, v3  }
0x149: {  	vm2 =	vmor vm2, vm3;
	v3 =	vsub.f32 v3, v10;
	v4 =	vadd.f32 v4, v5  }
0x14a: {  	vm1 =	vmand vm1, vm2  }
0x14b: {  	vm1 =	vmor vm9, vm1;
	v3 =	vsub.f32 v3, v4  }
0x14c: {  	vm0 =	vmor vm0, vm1  }
0x14d: {  	v3 =	vnsel vm0, $0xFF800000, v3  }
0x14e: {  	[tilespmem:s23+$0x1210] =	vst v3  }
0x14f: {  	v3 =	vld [tilespmem:s4+$0xFFFFFE60]  }
0x150: {  	v58 =	vld [tilespmem:s4+$0xFFFFFEE0]  }
0x151: {  	v59 =	vld [tilespmem:s4+$0xFFFFFF60]  }
0x152: {  	v60 =	vld [tilespmem:s4+$0xFFFFFFE0]  }
0x153: {  	v61 =	vld [tilespmem:s4+$0x60]  }
0x154: {  	v62 =	vld [tilespmem:s4+$0xE0]  }
0x155: {  	v63 =	vld [tilespmem:s4+$0x160];
	v18 =	vmax.f32 v3, v58  }
0x156: {  	v10 =	vmax.f32 v18, v59  }
0x157: {  	v10 =	vmax.f32 v10, v60  }
0x158: {  	v10 =	vmax.f32 v10, v61  }
0x159: {  	v10 =	vmax.f32 v10, v62  }
0x15a: {  	v10 =	vmax.f32 v10, v63  }
0x15b: {  	v19 =	vsub.f32 v3, v10  }
0x15c: {  	v20 =	vsub.f32 v58, v10  }
0x15d: {  	v11 =	vmul.f32 $1.442695020e+00, v19  }
0x15e: {  	v21 =	vsub.f32 v59, v10;
	v12 =	vmul.f32 $1.442695020e+00, v20  }
0x15f: {  	(erf) = vpow2.f32 v11  }
0x160: {  	v23 =	vsub.f32 v60, v10;
	v22 =	vmul.f32 $1.442695020e+00, v21;
	(erf) = vpow2.f32 v12;
	_ =	sdelay $0x1  }
0x161: {  	v25 =	vsub.f32 v61, v10;
	v24 =	vmul.f32 $1.442695020e+00, v23;
	(erf) = vpow2.f32 v22;
	_ =	sdelay $0x1  }
0x162: {  	v27 =	vsub.f32 v62, v10;
	v26 =	vmul.f32 $1.442695020e+00, v25;
	(erf) = vpow2.f32 v24;
	_ =	sdelay $0x1  }
0x163: {  	v29 =	vsub.f32 v63, v10;
	v28 =	vmul.f32 $1.442695020e+00, v27;
	(erf) = vpow2.f32 v26;
	_ =	sdelay $0x1  }
0x164: {  	v31 =	vmul.f32 $1.442695020e+00, v29;
	v30 =	vpop (erf);
	(erf) = vpow2.f32 v28  }
0x165: {  	v32 =	vpop (erf)  }
0x166: {  	(erf) = vpow2.f32 v31;
	v12 =	vadd.f32 v32, v30  }
0x167: {  	v33 =	vpop (erf)  }
0x168: {  	v11 =	vadd.f32 v12, v33  }
0x169: {  	v34 =	vpop (erf)  }
0x16a: {  	v11 =	vadd.f32 v11, v34  }
0x16b: {  	v36 =	vpop (erf)  }
0x16c: {  	v11 =	vadd.f32 v11, v36  }
0x16d: {  	v37 =	vld [tilespmem:s23+$0x220];
	v38 =	vpop (erf)  }
0x16e: {  	v11 =	vadd.f32 v11, v38  }
0x16f: {  	v39 =	vpop (erf)  }
0x170: {  	v35 =	vld [tilespmem:s23+$0x20];
	v11 =	vadd.f32 v11, v39;
	_ =	sdelay $0x1  }
0x171: {  	v41 =	vcvt.s32.f32 v37;
	v42 =	vand.u32 $0x7FFFFF, v11  }
0x172: {  	v16 =	vor.u32 $0x3F800000, v42  }
0x173: {  	v15 =	vmul.f32 v41, v0;
	v43 =	vmul.f32 $5.000000000e-01, v16  }
0x174: {  	v40 =	vcvt.s32.f32 v35;
	vm0 =	vgt.f32 v16, $1.414213540e+00  }
0x175: {  	v15 =	vtrunc.f32 v15;
	v16 =	vsel vm0, v43, v16  }
0x176: {  	v15 =	vcvt.f32.s32 v15;
	v13 =	vmul.f32 v40, v0;
	v17 =	vadd.f32 $1.000000000e+00, v16;
	_ =	sdelay $0x1  }
0x177: {  	v45 =	vmul.u32 $0xFFFFD8F0, v15;
	v13 =	vtrunc.f32 v13;
	(erf) = vrcp.f32 v17  }
0x178: {  	v13 =	vcvt.f32.s32 v13  }
0x179: {  	v14 =	vadd.s32 v37, v45  }
0x17a: {  	v47 =	vcvt.s32.f32 v14;
	v44 =	vmul.u32 $0xFFFFD8F0, v13;
	_ =	sdelay $0x1  }
0x17b: {  	v18 =	vmul.f32 v47, v1;
	v12 =	vadd.s32 v35, v44  }
0x17c: {  	v46 =	vcvt.s32.f32 v12  }
0x17d: {  	v18 =	vtrunc.f32 v18;
	v11 =	vshra.s32 v11, $0x17  }
0x17e: {  	v55 =	vadd.s32 $0xFFFFFF81, v11;
	v16 =	vadd.f32 $-1.000000000e+00, v16;
	v17 =	vmul.f32 v46, v1  }
0x17f: {  	v18 =	vcvt.f32.s32 v18;
	v5 =	vcvt.s32.f32 v55;
	v50 =	vpop (erf)  }
0x180: {  	v17 =	vtrunc.f32 v17;
	v16 =	vmul.f32 v50, v16  }
0x181: {  	v56 =	vsel vm0, $0x3F800000, v2;
	v17 =	vcvt.f32.s32 v17  }
0x182: {  	v49 =	vmul.u32 $0xFFFFFF9C, v18;
	v5 =	vadd.f32 v5, v56;
	v21 =	vmul.f32 v16, v16  }
0x183: {  	v52 =	vsub.s32 v15, v13;
	vm1 =	veq.s32 v15, v13;
	v48 =	vmul.u32 $0xFFFFFF9C, v17  }
0x184: {  	v14 =	vadd.s32 v14, v49;
	v5 =	vmul.f32 $6.931471820e-01, v5;
	v53 =	vmul.f32 $1.428571490e-01, v21  }
0x185: {  	v51 =	vsub.s32 v18, v17;
	vm9 =	veq.s32 v18, v17;
	v12 =	vadd.s32 v12, v48  }
0x186: {  	vm14 =	veq.s32 v51, $0x1;
	v19 =	vsub.s32 v14, v12;
	v13 =	vadd.f32 $2.000000030e-01, v53  }
0x187: {  	vm15 =	veq.s32 v51, $0xFFFFFFFF;
	vm2 =	veq.s32 v14, v12;
	vm10 =	veq.s32 v19, $0x1  }
0x188: {  	vm5 =	vmand vm9, vm2;
	vm11 =	veq.s32 v19, $0xFFFFFFFF;
	v54 =	vmul.f32 v13, v21  }
0x189: {  	vm7 =	vmand vm14, vm2;
	vm2 =	vmand vm15, vm2;
	vm14 =	veq.s32 v52, $0x1  }
0x18a: {  	vm15 =	veq.s32 v52, $0x2;
	vm4 =	vmand vm9, vm10;
	v4 =	vadd.f32 $3.333333430e-01, v54  }
0x18b: {  	vm3 =	vmand vm9, vm11;
	vm9 =	vmand vm14, vm5;
	vm12 =	vmand vm1, vm4  }
0x18c: {  	vm13 =	vmand vm1, vm3;
	v3 =	vsel vm12, v58, v3;
	v4 =	vmul.f32 v4, v21  }
0x18d: {  	vm12 =	vmand vm1, vm7;
	v57 =	vadd.f32 v16, v16;
	v3 =	vsel vm13, v59, v3  }
0x18e: {  	vm13 =	vmand vm1, vm2;
	v3 =	vsel vm12, v60, v3;
	v4 =	vadd.f32 $1.000000000e+00, v4  }
0x18f: {  	vm0 =	vmand vm15, vm5;
	vm4 =	vmor vm5, vm4;
	v3 =	vsel vm13, v61, v3  }
0x190: {  	vm3 =	vmor vm3, vm4;
	v3 =	vsel vm9, v62, v3;
	v4 =	vmul.f32 v4, v57  }
0x191: {  	vm3 =	vmor vm7, vm3;
	v3 =	vsel vm0, v63, v3  }
0x192: {  	vm2 =	vmor vm2, vm3;
	v3 =	vsub.f32 v3, v10;
	v4 =	vadd.f32 v4, v5  }
0x193: {  	vm1 =	vmand vm1, vm2  }
0x194: {  	vm1 =	vmor vm9, vm1;
	v3 =	vsub.f32 v3, v4  }
0x195: {  	vm0 =	vmor vm0, vm1  }
0x196: {  	v3 =	vnsel vm0, $0xFF800000, v3  }
0x197: {  	[tilespmem:s23+$0x1220] =	vst v3  }
0x198: {  	v3 =	vld [tilespmem:s4+$0xFFFFFE70]  }
0x199: {  	v58 =	vld [tilespmem:s4+$0xFFFFFEF0]  }
0x19a: {  	v59 =	vld [tilespmem:s4+$0xFFFFFF70]  }
0x19b: {  	v60 =	vld [tilespmem:s4+$0xFFFFFFF0]  }
0x19c: {  	v61 =	vld [tilespmem:s4+$0x70]  }
0x19d: {  	v62 =	vld [tilespmem:s4+$0xF0]  }
0x19e: {  	v63 =	vld [tilespmem:s4+$0x170];
	v18 =	vmax.f32 v3, v58  }
0x19f: {  	v10 =	vmax.f32 v18, v59  }
0x1a0: {  	v10 =	vmax.f32 v10, v60  }
0x1a1: {  	v10 =	vmax.f32 v10, v61  }
0x1a2: {  	v10 =	vmax.f32 v10, v62  }
0x1a3: {  	v10 =	vmax.f32 v10, v63  }
0x1a4: {  	v19 =	vsub.f32 v3, v10  }
0x1a5: {  	v20 =	vsub.f32 v58, v10  }
0x1a6: {  	v11 =	vmul.f32 $1.442695020e+00, v19  }
0x1a7: {  	v21 =	vsub.f32 v59, v10;
	v12 =	vmul.f32 $1.442695020e+00, v20  }
0x1a8: {  	(erf) = vpow2.f32 v11  }
0x1a9: {  	v23 =	vsub.f32 v60, v10;
	v22 =	vmul.f32 $1.442695020e+00, v21;
	(erf) = vpow2.f32 v12;
	_ =	sdelay $0x1  }
0x1aa: {  	v25 =	vsub.f32 v61, v10;
	v24 =	vmul.f32 $1.442695020e+00, v23;
	(erf) = vpow2.f32 v22;
	_ =	sdelay $0x1  }
0x1ab: {  	v27 =	vsub.f32 v62, v10;
	v26 =	vmul.f32 $1.442695020e+00, v25;
	(erf) = vpow2.f32 v24;
	_ =	sdelay $0x1  }
0x1ac: {  	v29 =	vsub.f32 v63, v10;
	v28 =	vmul.f32 $1.442695020e+00, v27;
	(erf) = vpow2.f32 v26;
	_ =	sdelay $0x1  }
0x1ad: {  	v31 =	vmul.f32 $1.442695020e+00, v29;
	v30 =	vpop (erf);
	(erf) = vpow2.f32 v28  }
0x1ae: {  	v32 =	vpop (erf)  }
0x1af: {  	(erf) = vpow2.f32 v31;
	v12 =	vadd.f32 v32, v30  }
0x1b0: {  	v33 =	vpop (erf)  }
0x1b1: {  	v11 =	vadd.f32 v12, v33  }
0x1b2: {  	v34 =	vpop (erf)  }
0x1b3: {  	v11 =	vadd.f32 v11, v34  }
0x1b4: {  	v36 =	vpop (erf)  }
0x1b5: {  	v11 =	vadd.f32 v11, v36  }
0x1b6: {  	v37 =	vld [tilespmem:s23+$0x230];
	v38 =	vpop (erf)  }
0x1b7: {  	v11 =	vadd.f32 v11, v38  }
0x1b8: {  	v39 =	vpop (erf)  }
0x1b9: {  	v35 =	vld [tilespmem:s23+$0x30];
	v11 =	vadd.f32 v11, v39;
	_ =	sdelay $0x1  }
0x1ba: {  	v41 =	vcvt.s32.f32 v37;
	v42 =	vand.u32 $0x7FFFFF, v11  }
0x1bb: {  	v16 =	vor.u32 $0x3F800000, v42  }
0x1bc: {  	v15 =	vmul.f32 v41, v0;
	v43 =	vmul.f32 $5.000000000e-01, v16  }
0x1bd: {  	v40 =	vcvt.s32.f32 v35;
	vm0 =	vgt.f32 v16, $1.414213540e+00  }
0x1be: {  	v15 =	vtrunc.f32 v15;
	v16 =	vsel vm0, v43, v16  }
0x1bf: {  	v15 =	vcvt.f32.s32 v15;
	v13 =	vmul.f32 v40, v0;
	v17 =	vadd.f32 $1.000000000e+00, v16;
	_ =	sdelay $0x1  }
0x1c0: {  	v45 =	vmul.u32 $0xFFFFD8F0, v15;
	v13 =	vtrunc.f32 v13;
	(erf) = vrcp.f32 v17  }
0x1c1: {  	v13 =	vcvt.f32.s32 v13  }
0x1c2: {  	v14 =	vadd.s32 v37, v45  }
0x1c3: {  	v47 =	vcvt.s32.f32 v14;
	v44 =	vmul.u32 $0xFFFFD8F0, v13;
	_ =	sdelay $0x1  }
0x1c4: {  	v18 =	vmul.f32 v47, v1;
	v12 =	vadd.s32 v35, v44  }
0x1c5: {  	v46 =	vcvt.s32.f32 v12  }
0x1c6: {  	v18 =	vtrunc.f32 v18;
	v11 =	vshra.s32 v11, $0x17  }
0x1c7: {  	v55 =	vadd.s32 $0xFFFFFF81, v11;
	v16 =	vadd.f32 $-1.000000000e+00, v16;
	v17 =	vmul.f32 v46, v1  }
0x1c8: {  	v18 =	vcvt.f32.s32 v18;
	v5 =	vcvt.s32.f32 v55;
	v50 =	vpop (erf)  }
0x1c9: {  	v17 =	vtrunc.f32 v17;
	v16 =	vmul.f32 v50, v16  }
0x1ca: {  	v56 =	vsel vm0, $0x3F800000, v2;
	v17 =	vcvt.f32.s32 v17  }
0x1cb: {  	v49 =	vmul.u32 $0xFFFFFF9C, v18;
	v5 =	vadd.f32 v5, v56;
	v21 =	vmul.f32 v16, v16  }
0x1cc: {  	v52 =	vsub.s32 v15, v13;
	vm1 =	veq.s32 v15, v13;
	v48 =	vmul.u32 $0xFFFFFF9C, v17  }
0x1cd: {  	v14 =	vadd.s32 v14, v49;
	v5 =	vmul.f32 $6.931471820e-01, v5;
	v53 =	vmul.f32 $1.428571490e-01, v21  }
0x1ce: {  	v51 =	vsub.s32 v18, v17;
	vm9 =	veq.s32 v18, v17;
	v12 =	vadd.s32 v12, v48  }
0x1cf: {  	vm14 =	veq.s32 v51, $0x1;
	v19 =	vsub.s32 v14, v12;
	v13 =	vadd.f32 $2.000000030e-01, v53  }
0x1d0: {  	vm15 =	veq.s32 v51, $0xFFFFFFFF;
	vm2 =	veq.s32 v14, v12;
	vm10 =	veq.s32 v19, $0x1  }
0x1d1: {  	vm5 =	vmand vm9, vm2;
	vm11 =	veq.s32 v19, $0xFFFFFFFF;
	v54 =	vmul.f32 v13, v21  }
0x1d2: {  	vm7 =	vmand vm14, vm2;
	vm2 =	vmand vm15, vm2;
	vm14 =	veq.s32 v52, $0x1  }
0x1d3: {  	vm15 =	veq.s32 v52, $0x2;
	vm4 =	vmand vm9, vm10;
	v4 =	vadd.f32 $3.333333430e-01, v54  }
0x1d4: {  	vm3 =	vmand vm9, vm11;
	vm9 =	vmand vm14, vm5;
	vm12 =	vmand vm1, vm4  }
0x1d5: {  	vm13 =	vmand vm1, vm3;
	v3 =	vsel vm12, v58, v3;
	v4 =	vmul.f32 v4, v21  }
0x1d6: {  	vm12 =	vmand vm1, vm7;
	v57 =	vadd.f32 v16, v16;
	v3 =	vsel vm13, v59, v3  }
0x1d7: {  	vm13 =	vmand vm1, vm2;
	v3 =	vsel vm12, v60, v3;
	v4 =	vadd.f32 $1.000000000e+00, v4  }
0x1d8: {  	vm0 =	vmand vm15, vm5;
	vm4 =	vmor vm5, vm4;
	v3 =	vsel vm13, v61, v3  }
0x1d9: {  	vm3 =	vmor vm3, vm4;
	v3 =	vsel vm9, v62, v3;
	v4 =	vmul.f32 v4, v57  }
0x1da: {  	vm3 =	vmor vm7, vm3;
	v3 =	vsel vm0, v63, v3  }
0x1db: {  	vm2 =	vmor vm2, vm3;
	v3 =	vsub.f32 v3, v10;
	v4 =	vadd.f32 v4, v5  }
0x1dc: {  	vm1 =	vmand vm1, vm2  }
0x1dd: {  	vm1 =	vmor vm9, vm1;
	v3 =	vsub.f32 v3, v4  }
0x1de: {  	vm0 =	vmor vm0, vm1  }
0x1df: {  	v3 =	vnsel vm0, $0xFF800000, v3  }
0x1e0: {  	[tilespmem:s23+$0x1230] =	vst v3  }
0x1e1: {  	v3 =	vld [tilespmem:s4+$0xFFFFFE80]  }
0x1e2: {  	v58 =	vld [tilespmem:s4+$0xFFFFFF00]  }
0x1e3: {  	v59 =	vld [tilespmem:s4+$0xFFFFFF80]  }
0x1e4: {  	v60 =	vld [tilespmem:s4+$0x0]  }
0x1e5: {  	v61 =	vld [tilespmem:s4+$0x80]  }
0x1e6: {  	v62 =	vld [tilespmem:s4+$0x100]  }
0x1e7: {  	v63 =	vld [tilespmem:s4+$0x180];
	v18 =	vmax.f32 v3, v58  }
0x1e8: {  	v10 =	vmax.f32 v18, v59  }
0x1e9: {  	v10 =	vmax.f32 v10, v60  }
0x1ea: {  	v10 =	vmax.f32 v10, v61  }
0x1eb: {  	v10 =	vmax.f32 v10, v62  }
0x1ec: {  	v10 =	vmax.f32 v10, v63  }
0x1ed: {  	v19 =	vsub.f32 v3, v10  }
0x1ee: {  	v20 =	vsub.f32 v58, v10  }
0x1ef: {  	v11 =	vmul.f32 $1.442695020e+00, v19  }
0x1f0: {  	v21 =	vsub.f32 v59, v10;
	v12 =	vmul.f32 $1.442695020e+00, v20  }
0x1f1: {  	(erf) = vpow2.f32 v11  }
0x1f2: {  	v23 =	vsub.f32 v60, v10;
	v22 =	vmul.f32 $1.442695020e+00, v21;
	(erf) = vpow2.f32 v12;
	_ =	sdelay $0x1  }
0x1f3: {  	v25 =	vsub.f32 v61, v10;
	v24 =	vmul.f32 $1.442695020e+00, v23;
	(erf) = vpow2.f32 v22;
	_ =	sdelay $0x1  }
0x1f4: {  	v27 =	vsub.f32 v62, v10;
	v26 =	vmul.f32 $1.442695020e+00, v25;
	(erf) = vpow2.f32 v24;
	_ =	sdelay $0x1  }
0x1f5: {  	v29 =	vsub.f32 v63, v10;
	v28 =	vmul.f32 $1.442695020e+00, v27;
	(erf) = vpow2.f32 v26;
	_ =	sdelay $0x1  }
0x1f6: {  	v31 =	vmul.f32 $1.442695020e+00, v29;
	v30 =	vpop (erf);
	(erf) = vpow2.f32 v28  }
0x1f7: {  	v32 =	vpop (erf)  }
0x1f8: {  	(erf) = vpow2.f32 v31;
	v12 =	vadd.f32 v32, v30  }
0x1f9: {  	v33 =	vpop (erf)  }
0x1fa: {  	v11 =	vadd.f32 v12, v33  }
0x1fb: {  	v34 =	vpop (erf)  }
0x1fc: {  	v11 =	vadd.f32 v11, v34  }
0x1fd: {  	v36 =	vpop (erf)  }
0x1fe: {  	v11 =	vadd.f32 v11, v36  }
0x1ff: {  	v37 =	vld [tilespmem:s23+$0x240];
	v38 =	vpop (erf)  }
0x200: {  	v11 =	vadd.f32 v11, v38  }
0x201: {  	v39 =	vpop (erf)  }
0x202: {  	v35 =	vld [tilespmem:s23+$0x40];
	v11 =	vadd.f32 v11, v39;
	_ =	sdelay $0x1  }
0x203: {  	v41 =	vcvt.s32.f32 v37;
	v42 =	vand.u32 $0x7FFFFF, v11  }
0x204: {  	v16 =	vor.u32 $0x3F800000, v42  }
0x205: {  	v15 =	vmul.f32 v41, v0;
	v43 =	vmul.f32 $5.000000000e-01, v16  }
0x206: {  	v40 =	vcvt.s32.f32 v35;
	vm0 =	vgt.f32 v16, $1.414213540e+00  }
0x207: {  	v15 =	vtrunc.f32 v15;
	v16 =	vsel vm0, v43, v16  }
0x208: {  	v15 =	vcvt.f32.s32 v15;
	v13 =	vmul.f32 v40, v0;
	v17 =	vadd.f32 $1.000000000e+00, v16;
	_ =	sdelay $0x1  }
0x209: {  	v45 =	vmul.u32 $0xFFFFD8F0, v15;
	v13 =	vtrunc.f32 v13;
	(erf) = vrcp.f32 v17  }
0x20a: {  	v13 =	vcvt.f32.s32 v13  }
0x20b: {  	v14 =	vadd.s32 v37, v45  }
0x20c: {  	v47 =	vcvt.s32.f32 v14;
	v44 =	vmul.u32 $0xFFFFD8F0, v13;
	_ =	sdelay $0x1  }
0x20d: {  	v18 =	vmul.f32 v47, v1;
	v12 =	vadd.s32 v35, v44  }
0x20e: {  	v46 =	vcvt.s32.f32 v12  }
0x20f: {  	v18 =	vtrunc.f32 v18;
	v11 =	vshra.s32 v11, $0x17  }
0x210: {  	v55 =	vadd.s32 $0xFFFFFF81, v11;
	v16 =	vadd.f32 $-1.000000000e+00, v16;
	v17 =	vmul.f32 v46, v1  }
0x211: {  	v18 =	vcvt.f32.s32 v18;
	v5 =	vcvt.s32.f32 v55;
	v50 =	vpop (erf)  }
0x212: {  	v17 =	vtrunc.f32 v17;
	v16 =	vmul.f32 v50, v16  }
0x213: {  	v56 =	vsel vm0, $0x3F800000, v2;
	v17 =	vcvt.f32.s32 v17  }
0x214: {  	v49 =	vmul.u32 $0xFFFFFF9C, v18;
	v5 =	vadd.f32 v5, v56;
	v21 =	vmul.f32 v16, v16  }
0x215: {  	v52 =	vsub.s32 v15, v13;
	vm1 =	veq.s32 v15, v13;
	v48 =	vmul.u32 $0xFFFFFF9C, v17  }
0x216: {  	v14 =	vadd.s32 v14, v49;
	v5 =	vmul.f32 $6.931471820e-01, v5;
	v53 =	vmul.f32 $1.428571490e-01, v21  }
0x217: {  	v51 =	vsub.s32 v18, v17;
	vm9 =	veq.s32 v18, v17;
	v12 =	vadd.s32 v12, v48  }
0x218: {  	vm14 =	veq.s32 v51, $0x1;
	v19 =	vsub.s32 v14, v12;
	v13 =	vadd.f32 $2.000000030e-01, v53  }
0x219: {  	vm15 =	veq.s32 v51, $0xFFFFFFFF;
	vm2 =	veq.s32 v14, v12;
	vm10 =	veq.s32 v19, $0x1  }
0x21a: {  	vm5 =	vmand vm9, vm2;
	vm11 =	veq.s32 v19, $0xFFFFFFFF;
	v54 =	vmul.f32 v13, v21  }
0x21b: {  	vm7 =	vmand vm14, vm2;
	vm2 =	vmand vm15, vm2;
	vm14 =	veq.s32 v52, $0x1  }
0x21c: {  	vm15 =	veq.s32 v52, $0x2;
	vm4 =	vmand vm9, vm10;
	v4 =	vadd.f32 $3.333333430e-01, v54  }
0x21d: {  	vm3 =	vmand vm9, vm11;
	vm9 =	vmand vm14, vm5;
	vm12 =	vmand vm1, vm4  }
0x21e: {  	vm13 =	vmand vm1, vm3;
	v3 =	vsel vm12, v58, v3;
	v4 =	vmul.f32 v4, v21  }
0x21f: {  	vm12 =	vmand vm1, vm7;
	v57 =	vadd.f32 v16, v16;
	v3 =	vsel vm13, v59, v3  }
0x220: {  	vm13 =	vmand vm1, vm2;
	v3 =	vsel vm12, v60, v3;
	v4 =	vadd.f32 $1.000000000e+00, v4  }
0x221: {  	vm0 =	vmand vm15, vm5;
	vm4 =	vmor vm5, vm4;
	v3 =	vsel vm13, v61, v3  }
0x222: {  	vm3 =	vmor vm3, vm4;
	v3 =	vsel vm9, v62, v3;
	v4 =	vmul.f32 v4, v57  }
0x223: {  	vm3 =	vmor vm7, vm3;
	v3 =	vsel vm0, v63, v3  }
0x224: {  	vm2 =	vmor vm2, vm3;
	v3 =	vsub.f32 v3, v10;
	v4 =	vadd.f32 v4, v5  }
0x225: {  	vm1 =	vmand vm1, vm2  }
0x226: {  	vm1 =	vmor vm9, vm1;
	v3 =	vsub.f32 v3, v4  }
0x227: {  	vm0 =	vmor vm0, vm1  }
0x228: {  	v3 =	vnsel vm0, $0xFF800000, v3  }
0x229: {  	[tilespmem:s23+$0x1240] =	vst v3  }
0x22a: {  	v3 =	vld [tilespmem:s4+$0xFFFFFE90]  }
0x22b: {  	v58 =	vld [tilespmem:s4+$0xFFFFFF10]  }
0x22c: {  	v59 =	vld [tilespmem:s4+$0xFFFFFF90]  }
0x22d: {  	v60 =	vld [tilespmem:s4+$0x10]  }
0x22e: {  	v61 =	vld [tilespmem:s4+$0x90]  }
0x22f: {  	v62 =	vld [tilespmem:s4+$0x110]  }
0x230: {  	v63 =	vld [tilespmem:s4+$0x190];
	v18 =	vmax.f32 v3, v58  }
0x231: {  	v10 =	vmax.f32 v18, v59  }
0x232: {  	v10 =	vmax.f32 v10, v60  }
0x233: {  	v10 =	vmax.f32 v10, v61  }
0x234: {  	v10 =	vmax.f32 v10, v62  }
0x235: {  	v10 =	vmax.f32 v10, v63  }
0x236: {  	v19 =	vsub.f32 v3, v10  }
0x237: {  	v20 =	vsub.f32 v58, v10  }
0x238: {  	v11 =	vmul.f32 $1.442695020e+00, v19  }
0x239: {  	v21 =	vsub.f32 v59, v10;
	v12 =	vmul.f32 $1.442695020e+00, v20  }
0x23a: {  	(erf) = vpow2.f32 v11  }
0x23b: {  	v23 =	vsub.f32 v60, v10;
	v22 =	vmul.f32 $1.442695020e+00, v21;
	(erf) = vpow2.f32 v12;
	_ =	sdelay $0x1  }
0x23c: {  	v25 =	vsub.f32 v61, v10;
	v24 =	vmul.f32 $1.442695020e+00, v23;
	(erf) = vpow2.f32 v22;
	_ =	sdelay $0x1  }
0x23d: {  	v27 =	vsub.f32 v62, v10;
	v26 =	vmul.f32 $1.442695020e+00, v25;
	(erf) = vpow2.f32 v24;
	_ =	sdelay $0x1  }
0x23e: {  	v29 =	vsub.f32 v63, v10;
	v28 =	vmul.f32 $1.442695020e+00, v27;
	(erf) = vpow2.f32 v26;
	_ =	sdelay $0x1  }
0x23f: {  	v31 =	vmul.f32 $1.442695020e+00, v29;
	v30 =	vpop (erf);
	(erf) = vpow2.f32 v28  }
0x240: {  	v32 =	vpop (erf)  }
0x241: {  	(erf) = vpow2.f32 v31;
	v12 =	vadd.f32 v32, v30  }
0x242: {  	v33 =	vpop (erf)  }
0x243: {  	v11 =	vadd.f32 v12, v33  }
0x244: {  	v34 =	vpop (erf)  }
0x245: {  	v11 =	vadd.f32 v11, v34  }
0x246: {  	v36 =	vpop (erf)  }
0x247: {  	v11 =	vadd.f32 v11, v36  }
0x248: {  	v37 =	vld [tilespmem:s23+$0x250];
	v38 =	vpop (erf)  }
0x249: {  	v11 =	vadd.f32 v11, v38  }
0x24a: {  	v39 =	vpop (erf)  }
0x24b: {  	v35 =	vld [tilespmem:s23+$0x50];
	v11 =	vadd.f32 v11, v39;
	_ =	sdelay $0x1  }
0x24c: {  	v41 =	vcvt.s32.f32 v37;
	v42 =	vand.u32 $0x7FFFFF, v11  }
0x24d: {  	v16 =	vor.u32 $0x3F800000, v42  }
0x24e: {  	v15 =	vmul.f32 v41, v0;
	v43 =	vmul.f32 $5.000000000e-01, v16  }
0x24f: {  	v40 =	vcvt.s32.f32 v35;
	vm0 =	vgt.f32 v16, $1.414213540e+00  }
0x250: {  	v15 =	vtrunc.f32 v15;
	v16 =	vsel vm0, v43, v16  }
0x251: {  	v15 =	vcvt.f32.s32 v15;
	v13 =	vmul.f32 v40, v0;
	v17 =	vadd.f32 $1.000000000e+00, v16;
	_ =	sdelay $0x1  }
0x252: {  	v45 =	vmul.u32 $0xFFFFD8F0, v15;
	v13 =	vtrunc.f32 v13;
	(erf) = vrcp.f32 v17  }
0x253: {  	v13 =	vcvt.f32.s32 v13  }
0x254: {  	v14 =	vadd.s32 v37, v45  }
0x255: {  	v47 =	vcvt.s32.f32 v14;
	v44 =	vmul.u32 $0xFFFFD8F0, v13;
	_ =	sdelay $0x1  }
0x256: {  	v18 =	vmul.f32 v47, v1;
	v12 =	vadd.s32 v35, v44  }
0x257: {  	v46 =	vcvt.s32.f32 v12  }
0x258: {  	v18 =	vtrunc.f32 v18;
	v11 =	vshra.s32 v11, $0x17  }
0x259: {  	v55 =	vadd.s32 $0xFFFFFF81, v11;
	v16 =	vadd.f32 $-1.000000000e+00, v16;
	v17 =	vmul.f32 v46, v1  }
0x25a: {  	v18 =	vcvt.f32.s32 v18;
	v5 =	vcvt.s32.f32 v55;
	v50 =	vpop (erf)  }
0x25b: {  	v17 =	vtrunc.f32 v17;
	v16 =	vmul.f32 v50, v16  }
0x25c: {  	v56 =	vsel vm0, $0x3F800000, v2;
	v17 =	vcvt.f32.s32 v17  }
0x25d: {  	v49 =	vmul.u32 $0xFFFFFF9C, v18;
	v5 =	vadd.f32 v5, v56;
	v21 =	vmul.f32 v16, v16  }
0x25e: {  	v52 =	vsub.s32 v15, v13;
	vm1 =	veq.s32 v15, v13;
	v48 =	vmul.u32 $0xFFFFFF9C, v17  }
0x25f: {  	v14 =	vadd.s32 v14, v49;
	v5 =	vmul.f32 $6.931471820e-01, v5;
	v53 =	vmul.f32 $1.428571490e-01, v21  }
0x260: {  	v51 =	vsub.s32 v18, v17;
	vm9 =	veq.s32 v18, v17;
	v12 =	vadd.s32 v12, v48  }
0x261: {  	vm14 =	veq.s32 v51, $0x1;
	v19 =	vsub.s32 v14, v12;
	v13 =	vadd.f32 $2.000000030e-01, v53  }
0x262: {  	vm15 =	veq.s32 v51, $0xFFFFFFFF;
	vm2 =	veq.s32 v14, v12;
	vm10 =	veq.s32 v19, $0x1  }
0x263: {  	vm5 =	vmand vm9, vm2;
	vm11 =	veq.s32 v19, $0xFFFFFFFF;
	v54 =	vmul.f32 v13, v21  }
0x264: {  	vm7 =	vmand vm14, vm2;
	vm2 =	vmand vm15, vm2;
	vm14 =	veq.s32 v52, $0x1  }
0x265: {  	vm15 =	veq.s32 v52, $0x2;
	vm4 =	vmand vm9, vm10;
	v4 =	vadd.f32 $3.333333430e-01, v54  }
0x266: {  	vm3 =	vmand vm9, vm11;
	vm9 =	vmand vm14, vm5;
	vm12 =	vmand vm1, vm4  }
0x267: {  	vm13 =	vmand vm1, vm3;
	v3 =	vsel vm12, v58, v3;
	v4 =	vmul.f32 v4, v21  }
0x268: {  	vm12 =	vmand vm1, vm7;
	v57 =	vadd.f32 v16, v16;
	v3 =	vsel vm13, v59, v3  }
0x269: {  	vm13 =	vmand vm1, vm2;
	v3 =	vsel vm12, v60, v3;
	v4 =	vadd.f32 $1.000000000e+00, v4  }
0x26a: {  	vm0 =	vmand vm15, vm5;
	vm4 =	vmor vm5, vm4;
	v3 =	vsel vm13, v61, v3  }
0x26b: {  	vm3 =	vmor vm3, vm4;
	v3 =	vsel vm9, v62, v3;
	v4 =	vmul.f32 v4, v57  }
0x26c: {  	vm3 =	vmor vm7, vm3;
	v3 =	vsel vm0, v63, v3  }
0x26d: {  	vm2 =	vmor vm2, vm3;
	v3 =	vsub.f32 v3, v10;
	v4 =	vadd.f32 v4, v5  }
0x26e: {  	vm1 =	vmand vm1, vm2  }
0x26f: {  	vm1 =	vmor vm9, vm1;
	v3 =	vsub.f32 v3, v4  }
0x270: {  	vm0 =	vmor vm0, vm1  }
0x271: {  	v3 =	vnsel vm0, $0xFF800000, v3  }
0x272: {  	[tilespmem:s23+$0x1250] =	vst v3  }
0x273: {  	v3 =	vld [tilespmem:s4+$0xFFFFFEA0]  }
0x274: {  	v58 =	vld [tilespmem:s4+$0xFFFFFF20]  }
0x275: {  	v59 =	vld [tilespmem:s4+$0xFFFFFFA0]  }
0x276: {  	v60 =	vld [tilespmem:s4+$0x20]  }
0x277: {  	v61 =	vld [tilespmem:s4+$0xA0]  }
0x278: {  	v62 =	vld [tilespmem:s4+$0x120]  }
0x279: {  	v63 =	vld [tilespmem:s4+$0x1A0];
	v21 =	vmax.f32 v3, v58  }
0x27a: {  	v10 =	vmax.f32 v21, v59  }
0x27b: {  	v10 =	vmax.f32 v10, v60  }
0x27c: {  	v10 =	vmax.f32 v10, v61  }
0x27d: {  	v10 =	vmax.f32 v10, v62  }
0x27e: {  	v10 =	vmax.f32 v10, v63  }
0x27f: {  	v22 =	vsub.f32 v3, v10  }
0x280: {  	v23 =	vsub.f32 v58, v10  }
0x281: {  	v11 =	vmul.f32 $1.442695020e+00, v22  }
0x282: {  	v24 =	vsub.f32 v59, v10;
	v12 =	vmul.f32 $1.442695020e+00, v23  }
0x283: {  	(erf) = vpow2.f32 v11  }
0x284: {  	v26 =	vsub.f32 v60, v10;
	v25 =	vmul.f32 $1.442695020e+00, v24;
	(erf) = vpow2.f32 v12;
	_ =	sdelay $0x1  }
0x285: {  	v28 =	vsub.f32 v61, v10;
	v27 =	vmul.f32 $1.442695020e+00, v26;
	(erf) = vpow2.f32 v25;
	_ =	sdelay $0x1  }
0x286: {  	v30 =	vsub.f32 v62, v10;
	v29 =	vmul.f32 $1.442695020e+00, v28;
	(erf) = vpow2.f32 v27;
	_ =	sdelay $0x1  }
0x287: {  	v32 =	vsub.f32 v63, v10;
	v31 =	vmul.f32 $1.442695020e+00, v30;
	(erf) = vpow2.f32 v29;
	_ =	sdelay $0x1  }
0x288: {  	v34 =	vmul.f32 $1.442695020e+00, v32;
	v33 =	vpop (erf);
	(erf) = vpow2.f32 v31  }
0x289: {  	v35 =	vpop (erf)  }
0x28a: {  	(erf) = vpow2.f32 v34;
	v12 =	vadd.f32 v35, v33  }
0x28b: {  	v36 =	vpop (erf)  }
0x28c: {  	v11 =	vadd.f32 v12, v36  }
0x28d: {  	v37 =	vpop (erf)  }
0x28e: {  	v11 =	vadd.f32 v11, v37  }
0x28f: {  	v39 =	vpop (erf)  }
0x290: {  	v40 =	vld [tilespmem:s23+$0x260];
	v11 =	vadd.f32 v11, v39  }
0x291: {  	v41 =	vpop (erf)  }
0x292: {  	v38 =	vld [tilespmem:s23+$0x60];
	v11 =	vadd.f32 v11, v41  }
0x293: {  	v42 =	vpop (erf)  }
0x294: {  	v11 =	vadd.f32 v11, v42  }
0x295: {  	v44 =	vcvt.s32.f32 v40  }
0x296: {  	v45 =	vand.u32 $0x7FFFFF, v11  }
0x297: {  	v15 =	vmul.f32 v44, v0;
	v43 =	vcvt.s32.f32 v38;
	v16 =	vor.u32 $0x3F800000, v45  }
0x298: {  	v46 =	vmul.f32 $5.000000000e-01, v16  }
0x299: {  	v15 =	vtrunc.f32 v15;
	v13 =	vmul.f32 v43, v0;
	vm0 =	vgt.f32 v16, $1.414213540e+00  }
0x29a: {  	v15 =	vcvt.f32.s32 v15;
	v16 =	vsel vm0, v46, v16  }
0x29b: {  	v13 =	vtrunc.f32 v13;
	v17 =	vadd.f32 $1.000000000e+00, v16  }
0x29c: {  	v48 =	vmul.u32 $0xFFFFD8F0, v15;
	v13 =	vcvt.f32.s32 v13  }
0x29d: {  	(erf) = vrcp.f32 v17  }
0x29e: {  	v14 =	vadd.s32 v40, v48;
	v47 =	vmul.u32 $0xFFFFD8F0, v13  }
0x29f: {  	v50 =	vcvt.s32.f32 v14  }
0x2a0: {  	v12 =	vadd.s32 v38, v47  }
0x2a1: {  	v18 =	vmul.f32 v50, v1;
	v49 =	vcvt.s32.f32 v12;
	_ =	sdelay $0x1  }
0x2a2: {  	v18 =	vtrunc.f32 v18;
	v17 =	vmul.f32 v49, v1  }
0x2a3: {  	v18 =	vcvt.f32.s32 v18  }
0x2a4: {  	v16 =	vadd.f32 $-1.000000000e+00, v16;
	v17 =	vtrunc.f32 v17  }
0x2a5: {  	v52 =	vmul.u32 $0xFFFFFF9C, v18;
	v17 =	vcvt.f32.s32 v17;
	v53 =	vpop (erf)  }
0x2a6: {  	v16 =	vmul.f32 v53, v16  }
0x2a7: {  	v14 =	vadd.s32 v14, v52;
	v55 =	vsub.s32 v15, v13;
	v51 =	vmul.u32 $0xFFFFFF9C, v17  }
0x2a8: {  	vm1 =	veq.s32 v15, v13;
	v11 =	vshra.s32 v11, $0x17;
	v21 =	vmul.f32 v16, v16  }
0x2a9: {  	v54 =	vsub.s32 v18, v17;
	vm9 =	veq.s32 v18, v17;
	v12 =	vadd.s32 v12, v51  }
0x2aa: {  	vm14 =	veq.s32 v54, $0x1;
	v19 =	vsub.s32 v14, v12;
	v56 =	vmul.f32 $1.428571490e-01, v21  }
0x2ab: {  	vm15 =	veq.s32 v54, $0xFFFFFFFF;
	vm2 =	veq.s32 v14, v12;
	vm10 =	veq.s32 v19, $0x1  }
0x2ac: {  	vm5 =	vmand vm9, vm2;
	vm11 =	veq.s32 v19, $0xFFFFFFFF;
	v13 =	vadd.f32 $2.000000030e-01, v56  }
0x2ad: {  	vm7 =	vmand vm14, vm2;
	vm2 =	vmand vm15, vm2;
	vm14 =	veq.s32 v55, $0x1  }
0x2ae: {  	vm15 =	veq.s32 v55, $0x2;
	vm4 =	vmand vm9, vm10;
	v57 =	vmul.f32 v13, v21  }
0x2af: {  	vm3 =	vmand vm9, vm11;
	vm9 =	vmand vm14, vm5;
	vm12 =	vmand vm1, vm4  }
0x2b0: {  	vm13 =	vmand vm1, vm3;
	vm4 =	vmor vm5, vm4;
	v4 =	vadd.f32 $3.333333430e-01, v57  }
0x2b1: {  	v3 =	vsel vm12, v58, v3;
	vm12 =	vmand vm1, vm7;
	v58 =	vadd.s32 $0xFFFFFF81, v11  }
0x2b2: {  	v3 =	vsel vm13, v59, v3;
	v5 =	vcvt.s32.f32 v58;
	v4 =	vmul.f32 v4, v21  }
0x2b3: {  	v59 =	vsel vm0, $0x3F800000, v2;
	v3 =	vsel vm12, v60, v3;
	v60 =	vadd.f32 v16, v16  }
0x2b4: {  	vm13 =	vmand vm1, vm2;
	v5 =	vadd.f32 v5, v59;
	v4 =	vadd.f32 $1.000000000e+00, v4  }
0x2b5: {  	vm3 =	vmor vm3, vm4;
	vm0 =	vmand vm15, vm5;
	v3 =	vsel vm13, v61, v3  }
0x2b6: {  	v3 =	vsel vm9, v62, v3;
	v5 =	vmul.f32 $6.931471820e-01, v5;
	v4 =	vmul.f32 v4, v60  }
0x2b7: {  	vm3 =	vmor vm7, vm3;
	v3 =	vsel vm0, v63, v3  }
0x2b8: {  	vm2 =	vmor vm2, vm3;
	v3 =	vsub.f32 v3, v10;
	v4 =	vadd.f32 v4, v5  }
0x2b9: {  	vm1 =	vmand vm1, vm2  }
0x2ba: {  	vm1 =	vmor vm9, vm1;
	v3 =	vsub.f32 v3, v4  }
0x2bb: {  	vm0 =	vmor vm0, vm1  }
0x2bc: {  	v3 =	vnsel vm0, $0xFF800000, v3  }
0x2bd: {  	[tilespmem:s23+$0x1260] =	vst v3  }
0x2be: {  	v3 =	vld [tilespmem:s4+$0xFFFFFEB0]  }
0x2bf: {  	v61 =	vld [tilespmem:s4+$0xFFFFFF30]  }
0x2c0: {  	v62 =	vld [tilespmem:s4+$0xFFFFFFB0]  }
0x2c1: {  	v63 =	vld [tilespmem:s4+$0x30]  }
0x2c2: {  	v7 =	vld [tilespmem:s4+$0xB0]  }
0x2c3: {  	v8 =	vld [tilespmem:s4+$0x130]  }
0x2c4: {  	v24 =	vld [tilespmem:s4+$0x1B0];
	v25 =	vmax.f32 v3, v61  }
0x2c5: {  	v10 =	vmax.f32 v25, v62  }
0x2c6: {  	v10 =	vmax.f32 v10, v63  }
0x2c7: {  	v10 =	vmax.f32 v10, v7  }
0x2c8: {  	v10 =	vmax.f32 v10, v8  }
0x2c9: {  	v10 =	vmax.f32 v10, v24  }
0x2ca: {  	v26 =	vsub.f32 v3, v10  }
0x2cb: {  	v27 =	vsub.f32 v61, v10  }
0x2cc: {  	v11 =	vmul.f32 $1.442695020e+00, v26  }
0x2cd: {  	v28 =	vsub.f32 v62, v10;
	v12 =	vmul.f32 $1.442695020e+00, v27  }
0x2ce: {  	(erf) = vpow2.f32 v11  }
0x2cf: {  	v30 =	vsub.f32 v63, v10;
	v29 =	vmul.f32 $1.442695020e+00, v28;
	(erf) = vpow2.f32 v12;
	_ =	sdelay $0x1  }
0x2d0: {  	v32 =	vsub.f32 v7, v10;
	v31 =	vmul.f32 $1.442695020e+00, v30;
	(erf) = vpow2.f32 v29;
	_ =	sdelay $0x1  }
0x2d1: {  	v34 =	vsub.f32 v8, v10;
	v33 =	vmul.f32 $1.442695020e+00, v32;
	(erf) = vpow2.f32 v31;
	_ =	sdelay $0x1  }
0x2d2: {  	v36 =	vsub.f32 v24, v10;
	v35 =	vmul.f32 $1.442695020e+00, v34;
	(erf) = vpow2.f32 v33;
	_ =	sdelay $0x1  }
0x2d3: {  	v38 =	vmul.f32 $1.442695020e+00, v36;
	v37 =	vpop (erf);
	(erf) = vpow2.f32 v35  }
0x2d4: {  	v39 =	vpop (erf)  }
0x2d5: {  	(erf) = vpow2.f32 v38;
	v12 =	vadd.f32 v39, v37  }
0x2d6: {  	v40 =	vpop (erf)  }
0x2d7: {  	v11 =	vadd.f32 v12, v40  }
0x2d8: {  	v41 =	vpop (erf)  }
0x2d9: {  	v11 =	vadd.f32 v11, v41  }
0x2da: {  	v42 =	vpop (erf)  }
0x2db: {  	v44 =	vld [tilespmem:s23+$0x270];
	v11 =	vadd.f32 v11, v42  }
0x2dc: {  	v45 =	vpop (erf)  }
0x2dd: {  	v11 =	vadd.f32 v11, v45  }
0x2de: {  	v43 =	vld [tilespmem:s23+$0x70];
	v46 =	vpop (erf)  }
0x2df: {  	v11 =	vadd.f32 v11, v46  }
0x2e0: {  	v48 =	vcvt.s32.f32 v44  }
0x2e1: {  	v49 =	vand.u32 $0x7FFFFF, v11  }
0x2e2: {  	v15 =	vmul.f32 v48, v0;
	v16 =	vor.u32 $0x3F800000, v49  }
0x2e3: {  	v47 =	vcvt.s32.f32 v43;
	v50 =	vmul.f32 $5.000000000e-01, v16  }
0x2e4: {  	v15 =	vtrunc.f32 v15;
	vm0 =	vgt.f32 v16, $1.414213540e+00  }
0x2e5: {  	v15 =	vcvt.f32.s32 v15;
	v12 =	vmul.f32 v47, v0;
	v16 =	vsel vm0, v50, v16  }
0x2e6: {  	v17 =	vadd.f32 $1.000000000e+00, v16  }
0x2e7: {  	v52 =	vmul.u32 $0xFFFFD8F0, v15;
	v12 =	vtrunc.f32 v12  }
0x2e8: {  	v12 =	vcvt.f32.s32 v12;
	(erf) = vrcp.f32 v17  }
0x2e9: {  	v14 =	vadd.s32 v44, v52  }
0x2ea: {  	v54 =	vcvt.s32.f32 v14;
	v51 =	vmul.u32 $0xFFFFD8F0, v12;
	_ =	sdelay $0x1  }
0x2eb: {  	v18 =	vmul.f32 v54, v1;
	v13 =	vadd.s32 v43, v51  }
0x2ec: {  	v53 =	vcvt.s32.f32 v13  }
0x2ed: {  	v18 =	vtrunc.f32 v18  }
0x2ee: {  	v18 =	vcvt.f32.s32 v18;
	v17 =	vmul.f32 v53, v1  }
0x2ef: {  	v16 =	vadd.f32 $-1.000000000e+00, v16  }
0x2f0: {  	v56 =	vmul.u32 $0xFFFFFF9C, v18;
	v17 =	vtrunc.f32 v17;
	v57 =	vpop (erf)  }
0x2f1: {  	v17 =	vcvt.f32.s32 v17;
	v16 =	vmul.f32 v57, v16  }
0x2f2: {  	v14 =	vadd.s32 v14, v56;
	vm1 =	veq.s32 v15, v12;
	v12 =	vsub.s32 v15, v12  }
0x2f3: {  	v11 =	vshra.s32 v11, $0x17;
	v55 =	vmul.u32 $0xFFFFFF9C, v17;
	v58 =	vmul.f32 v16, v16  }
0x2f4: {  	v11 =	vadd.s32 $0xFFFFFF81, v11;
	vm3 =	veq.s32 v18, v17;
	v17 =	vsub.s32 v18, v17  }
0x2f5: {  	vm13 =	veq.s32 v17, $0x1;
	v13 =	vadd.s32 v13, v55;
	v59 =	vmul.f32 $1.428571490e-01, v58  }
0x2f6: {  	vm15 =	veq.s32 v17, $0xFFFFFFFF;
	vm2 =	veq.s32 v14, v13;
	v13 =	vsub.s32 v14, v13  }
0x2f7: {  	vm9 =	veq.s32 v13, $0x1;
	vm10 =	veq.s32 v13, $0xFFFFFFFF;
	v60 =	vadd.f32 $2.000000030e-01, v59  }
0x2f8: {  	vm7 =	vmand vm13, vm2;
	vm13 =	veq.s32 v12, $0x1;
	vm4 =	vmand vm3, vm9  }
0x2f9: {  	vm5 =	vmand vm3, vm10;
	vm11 =	vmand vm1, vm4;
	v4 =	vmul.f32 v60, v58  }
0x2fa: {  	vm14 =	vmand vm1, vm7;
	vm12 =	vmand vm1, vm5;
	v3 =	vsel vm11, v61, v3  }
0x2fb: {  	v61 =	vcvt.s32.f32 v11;
	v3 =	vsel vm12, v62, v3;
	v4 =	vadd.f32 $3.333333430e-01, v4  }
0x2fc: {  	v62 =	vsel vm0, $0x3F800000, v2;
	vm12 =	vmand vm3, vm2;
	vm2 =	vmand vm15, vm2  }
0x2fd: {  	vm15 =	veq.s32 v12, $0x2;
	v3 =	vsel vm14, v63, v3;
	v4 =	vmul.f32 v4, v58  }
0x2fe: {  	v5 =	vadd.f32 v61, v62;
	vm14 =	vmand vm1, vm2;
	vm3 =	vmand vm13, vm12  }
0x2ff: {  	vm4 =	vmor vm12, vm4;
	v63 =	vadd.f32 v16, v16;
	v4 =	vadd.f32 $1.000000000e+00, v4  }
0x300: {  	vm0 =	vmand vm15, vm12;
	vm4 =	vmor vm5, vm4;
	v3 =	vsel vm14, v7, v3  }
0x301: {  	v3 =	vsel vm3, v8, v3;
	v5 =	vmul.f32 $6.931471820e-01, v5;
	v4 =	vmul.f32 v4, v63  }
0x302: {  	vm4 =	vmor vm7, vm4;
	v3 =	vsel vm0, v24, v3  }
0x303: {  	p0 =	sne.s32 s21, $0x600;
	vm2 =	vmor vm2, vm4;
	v3 =	vsub.f32 v3, v10;
	v4 =	vadd.f32 v4, v5  }
.Ltmp0:
0x304: {  	vm1 =	vmand vm1, vm2;
	(pc) =	sbr.rel @p0 .LBB2_2-.Ltmp0, $4  }
0x305: {  	vm1 =	vmor vm3, vm1;
	v3 =	vsub.f32 v3, v4  }
0x306: {  	vm0 =	vmor vm0, vm1  }
0x307: {  	v3 =	vnsel vm0, $0xFF800000, v3  }
0x308: {  	s21 =	sadd.s32 $0x200, s21;
	s4 =	sadd.s32 $0x380, s4;
	[tilespmem:s23+$0x1270] =	vst v3  }
0x309: {  	s0 =	sadd.s32 $0x1, s0  }
0x30a: {  	p0 =	sne.s32 s0, s19  }
.Ltmp1:
0x30b: {  	_ = 	snop;
	(pc) =	sbr.rel @p0 .LBB2_1-.Ltmp1, $4  }
0x30c: {  	[hbm4b:s18+s2] =	stream.linear.scatter [tilespmem:s31], [sflag:$0x2], $0x200, $0x38;
	[tilespmem:$0x1400] =	vst v63  }
0x30d: {  	_ =	swait.ge [sflag:s20], $0x200  }
0x30e: {  	[sflag:s20] =	ssyncset.done $0x0  }
0x30f: {  	[sflag:s20] =	ssyncadd.s32 $0xFFFFFE00  }
0x310: {  	_ =	sfence.sel $0x180000  }
0x311: {  	[bflag:$0x0] =	sbarrier.arrive $0xFFFF  }
0x312: {  	_ =	strace $0x90000047  }
0x313: {  	s0 =	stileid.u32;
	[bflag:$0x2] =	sbarrier.arrive $0xFFFF  }
0x314: {  	p0 =	sne.s32 s0, $0x0;
	s0 =	rddreg [dreg:$0x4]  }
0x315: {  	s0 =	sadd.s32 @!p0 $0x100000, s0  }
0x316: {  	[sflag:s0] =	ssyncadd.tile.s32 @!p0 $0x1;
	_ =	shalt  }
.Lfunc_end2:
_tile_overlayer_lowered:
.L_overlay_start_2:
0x317: {  	(tag) =	ssettag $0x2  }
0x318: {  	s0 =	rddreg [dreg:$0x0];
	s2 =	stileid.u32  }
0x319: {  	s1 =	rddreg [dreg:$0x1];
	p0 =	sne.s32 s2, $0x0  }
0x31a: {  	s3 =	rddreg [dreg:$0x2];
	[bflag:$0x3] =	sbarrier.arrive $0xFFFF;
	s2 =	simm.s32 @!p0 $0x1C02  }
0x31b: {  	[timem:s3], [sflag:s2] =	dma.local @!p0 [hbm:s0], s1  }
0x31c: {  	s0 =	simm.s32 @!p0 $0x2  }
0x31d: {  	_ =	swait.ge @!p0 [sflag:s0], s1  }
0x31e: {  	s1 =	ssub.s32 @!p0 $0x0, s1;
	[sflag:s0] =	ssyncset.done @!p0 $0x0  }
0x31f: {  	[sflag:s0] =	ssyncadd.s32 @!p0 s1  }
0x320: {  	[bflag:$0x3] =	sbarrier.arrive $0xFFFF  }
0x321: {  	_ =	shalt  }

</sc_bundles>
